<compile_context>
chip_gen: v7x
topology: tpu7x:2x2x1
jax: 0.10.2.dev20260603
libtpu: 0.0.44.dev20260713+nightly
codegen_flags: <defaults>
</compile_context>

<pallas_src>
import jax
import jax.numpy as jnp
from jax import lax
from jax.experimental import pallas as pl
from jax.experimental.pallas import tpu as pltpu
from jax.experimental.pallas import tpu_sc as plsc

N = 10000
E = 160000
D = 256
H = 256
L = 3
EPS = 1e-5

NC = 2
NS = 16
LN = 16
DH = D // NC
K = 128
ACCR = 10368
RZ = ACCR // NS
DUMP = N
ESUB = E // NS
ACH = 79
EPAD = ACH * K
EDSUB = E // (NC * NS)
DCH = EDSUB // K + 1

_mesh = plsc.VectorSubcoreMesh(
    core_axis_name="c", subcore_axis_name="s", num_cores=NC, num_subcores=NS
)


def _agg_body(xcat_hbm, srcp_hbm, dstp_hbm, zrows_hbm, out_hbm,
              src_v, dst_v, sidx_v, didx_v, rows_v, acc_sh):
    c = lax.axis_index("c")
    s = lax.axis_index("s")

    pltpu.sync_copy(zrows_hbm, acc_sh.at[pl.ds(s * RZ, RZ)])
    ebase = s * EPAD
    pltpu.sync_copy(srcp_hbm.at[pl.ds(ebase, EPAD)], src_v)
    pltpu.sync_copy(dstp_hbm.at[pl.ds(ebase, EPAD)], dst_v)
    off = c * N

    def addoff(i, carry):
        sl = pl.ds(i * LN, LN)
        src_v[sl] = src_v[sl] + off
        return carry

    lax.fori_loop(0, EPAD // LN, addoff, jnp.int32(0))
    plsc.subcore_barrier()

    def chunk(t, carry):
        cb = t * K
        for j in range(K // LN):
            sl = pl.ds(j * LN, LN)
            sidx_v[sl] = src_v[pl.ds(cb + j * LN, LN)]
            didx_v[sl] = dst_v[pl.ds(cb + j * LN, LN)]
        pltpu.sync_copy(xcat_hbm.at[sidx_v], rows_v)
        pltpu.sync_copy(rows_v, acc_sh.at[didx_v], add=True)
        return carry

    lax.fori_loop(0, ACH, chunk, jnp.int32(0))

    plsc.subcore_barrier()
    pltpu.sync_copy(acc_sh.at[pl.ds(s * RZ, RZ)],
                    out_hbm.at[pl.ds(c * ACCR + s * RZ, RZ)])


_agg_call = pl.kernel(
    _agg_body,
    out_type=jax.ShapeDtypeStruct((NC * ACCR, DH), jnp.float32),
    mesh=_mesh,
    scratch_types=[
        pltpu.VMEM((EPAD,), jnp.int32),
        pltpu.VMEM((EPAD,), jnp.int32),
        pltpu.VMEM((K,), jnp.int32),
        pltpu.VMEM((K,), jnp.int32),
        pltpu.VMEM((K, DH), jnp.float32),
        pltpu.VMEM_SHARED((ACCR, DH), jnp.float32),
    ],
)


def _deg_body(dst_hbm, zrows_hbm, ones_hbm, out_hbm,
              dst_v, didx_v, ones_v, acc_sh):
    c = lax.axis_index("c")
    s = lax.axis_index("s")

    pltpu.sync_copy(zrows_hbm, acc_sh.at[pl.ds(s * RZ, RZ)])
    base = c * (E // NC) + s * EDSUB
    pltpu.sync_copy(dst_hbm.at[pl.ds(base, EDSUB)], dst_v.at[pl.ds(0, EDSUB)])
    pltpu.sync_copy(ones_hbm, ones_v)
    plsc.subcore_barrier()

    def chunk(t, carry):
        cb = t * K
        for j in range(K // LN):
            didx_v[pl.ds(j * LN, LN)] = dst_v[pl.ds(cb + j * LN, LN)]
        pltpu.sync_copy(ones_v, acc_sh.at[didx_v], add=True)
        return carry

    lax.fori_loop(0, DCH - 1, chunk, jnp.int32(0))

    lanes = lax.iota(jnp.int32, LN)
    tb = (DCH - 1) * K
    for j in range(K // LN):
        pos = tb + j * LN
        v = dst_v[pl.ds(pos, LN)]
        didx_v[pl.ds(j * LN, LN)] = jnp.where(pos + lanes < EDSUB, v, DUMP)
    pltpu.sync_copy(ones_v, acc_sh.at[didx_v], add=True)

    plsc.subcore_barrier()
    pltpu.sync_copy(acc_sh.at[pl.ds(s * RZ, RZ)],
                    out_hbm.at[pl.ds(c * ACCR + s * RZ, RZ)])


_deg_call = pl.kernel(
    _deg_body,
    out_type=jax.ShapeDtypeStruct((NC * ACCR, DH), jnp.float32),
    mesh=_mesh,
    scratch_types=[
        pltpu.VMEM((DCH * K,), jnp.int32),
        pltpu.VMEM((K,), jnp.int32),
        pltpu.VMEM((K, DH), jnp.float32),
        pltpu.VMEM_SHARED((ACCR, DH), jnp.float32),
    ],
)


BM = 1000
GRID = N // BM


def _xrs_body(x_ref, w_ref, b_ref, o_ref):
    o_ref[...] = (
        jnp.dot(x_ref[...], w_ref[...], preferred_element_type=jnp.float32)
        + b_ref[...]
    )


_xrs_call = pl.pallas_call(
    _xrs_body,
    grid=(GRID,),
    in_specs=[
        pl.BlockSpec((BM, D), lambda i: (i, 0)),
        pl.BlockSpec((D, 2 * H), lambda i: (0, 0)),
        pl.BlockSpec((1, 2 * H), lambda i: (0, 0)),
    ],
    out_specs=pl.BlockSpec((BM, 2 * H), lambda i: (i, 0)),
    out_shape=jax.ShapeDtypeStruct((N, 2 * H), jnp.float32),
)


def _h_body(a0_ref, a1_ref, d0_ref, d1_ref, wl_ref, xr_ref, h_ref, st_ref):
    i = pl.program_id(0)
    inv = 1.0 / jnp.maximum(d0_ref[:, 0:1] + d1_ref[:, 0:1], 1.0)
    h = (
        jnp.dot(a0_ref[...] * inv, wl_ref[0:DH, :],
                preferred_element_type=jnp.float32)
        + jnp.dot(a1_ref[...] * inv, wl_ref[DH:D, :],
                  preferred_element_type=jnp.float32)
        + xr_ref[...]
    )
    h_ref[...] = h
    st = jnp.concatenate(
        [jnp.sum(h, axis=0, keepdims=True),
         jnp.sum(h * h, axis=0, keepdims=True)], axis=0
    )

    @pl.when(i == 0)
    def _():
        st_ref[...] = st

    @pl.when(i != 0)
    def _():
        st_ref[...] = st_ref[...] + st


_h_call = pl.pallas_call(
    _h_body,
    grid=(GRID,),
    in_specs=[
        pl.BlockSpec((BM, DH), lambda i: (i, 0)),
        pl.BlockSpec((BM, DH), lambda i: (i, 0)),
        pl.BlockSpec((BM, LN), lambda i: (i, 0)),
        pl.BlockSpec((BM, LN), lambda i: (i, 0)),
        pl.BlockSpec((D, H), lambda i: (0, 0)),
        pl.BlockSpec((BM, H), lambda i: (i, 0)),
    ],
    out_specs=[
        pl.BlockSpec((BM, H), lambda i: (i, 0)),
        pl.BlockSpec((2, H), lambda i: (0, 0)),
    ],
    out_shape=[
        jax.ShapeDtypeStruct((N, H), jnp.float32),
        jax.ShapeDtypeStruct((2, H), jnp.float32),
    ],
)


def _bn_body(h_ref, st_ref, xs_ref, gb_ref, o_ref):
    mean = st_ref[0:1, :] * (1.0 / N)
    var = st_ref[1:2, :] * (1.0 / N) - mean * mean
    rstd = lax.rsqrt(var + EPS)
    hn = (h_ref[...] - mean) * (rstd * gb_ref[0:1, :]) + gb_ref[1:2, :]
    o_ref[...] = jnp.maximum(hn, 0.0) + xs_ref[...]


_bn_call = pl.pallas_call(
    _bn_body,
    grid=(GRID,),
    in_specs=[
        pl.BlockSpec((BM, H), lambda i: (i, 0)),
        pl.BlockSpec((2, H), lambda i: (0, 0)),
        pl.BlockSpec((BM, H), lambda i: (i, 1)),
        pl.BlockSpec((2, H), lambda i: (0, 0)),
    ],
    out_specs=pl.BlockSpec((BM, H), lambda i: (i, 0)),
    out_shape=jax.ShapeDtypeStruct((N, H), jnp.float32),
)


def kernel(x, edge_index, W_l, W_r, b_l, W_s, b_s, gamma, beta):
    src = edge_index[0].astype(jnp.int32)
    dst = edge_index[1].astype(jnp.int32)
    zrow_d = jnp.zeros((RZ, DH), jnp.float32)
    ones_g = jnp.ones((K, DH), jnp.float32)

    srcp = jnp.pad(src.reshape(NS, ESUB), ((0, 0), (0, EPAD - ESUB))).reshape(-1)
    dstp = jnp.pad(dst.reshape(NS, ESUB), ((0, 0), (0, EPAD - ESUB)),
                   constant_values=DUMP).reshape(-1)

    degp = _deg_call(dst, zrow_d, ones_g)
    deg0 = degp[:N, :LN]
    deg1 = degp[ACCR:ACCR + N, :LN]

    Wcat = jnp.concatenate([W_r, W_s], axis=2)
    bcat = jnp.concatenate([b_l, b_s], axis=1)[:, None, :]
    gb = jnp.stack([gamma, beta], axis=1)

    for i in range(L):
        xrs = _xrs_call(x, Wcat[i], bcat[i])
        xcat = jnp.concatenate([x[:, :DH], x[:, DH:]], axis=0)
        aggp = _agg_call(xcat, srcp, dstp, zrow_d)
        h, st = _h_call(aggp[:N], aggp[ACCR:ACCR + N],
                        deg0, deg1, W_l[i], xrs)
        x = _bn_call(h, st, xrs, gb[i])
    return x

# --- scband reference (transcript-rebuilt; emitter-appended) ---
"""Pipeline reference for scband-graph-sage-43052752175805 (READ-ONLY COPY).

The authoritative reference and input builder live on the scoring server;
editing this copy changes nothing except your own understanding.
"""

import jax, jax.numpy as jnp
import numpy as np

N = 10000
E = 160000
D = 256
H = 256
L = 3
EPS = 1e-5


def setup_inputs(seed: int = 0) -> dict:
    key = jax.random.key(seed)
    ks = jax.random.split(key, 10)
    x = jax.random.normal(ks[0], (N, D), dtype=jnp.float32)
    edge_index = jax.random.randint(ks[1], (2, E), 0, N, dtype=jnp.int64)
    s = 1.0 / np.sqrt(D)
    W_l = jax.random.uniform(ks[2], (L, D, H), dtype=jnp.float32, minval=-s, maxval=s)
    W_r = jax.random.uniform(ks[3], (L, D, H), dtype=jnp.float32, minval=-s, maxval=s)
    b_l = jax.random.uniform(ks[4], (L, H), dtype=jnp.float32, minval=-s, maxval=s)
    W_s = jax.random.uniform(ks[5], (L, D, H), dtype=jnp.float32, minval=-s, maxval=s)
    b_s = jax.random.uniform(ks[6], (L, H), dtype=jnp.float32, minval=-s, maxval=s)
    gamma = jnp.ones((L, H), dtype=jnp.float32)
    beta = jnp.zeros((L, H), dtype=jnp.float32)
    return {"x": x, "edge_index": edge_index, "W_l": W_l, "W_r": W_r, "b_l": b_l,
            "W_s": W_s, "b_s": b_s, "gamma": gamma, "beta": beta}


def reference(x, edge_index, W_l, W_r, b_l, W_s, b_s, gamma, beta):
    src = edge_index[0]
    dst = edge_index[1]
    ones = jnp.ones((E,), dtype=jnp.float32)
    deg = jax.ops.segment_sum(ones, dst, num_segments=N)
    deg = jnp.maximum(deg, 1.0)
    for i in range(L):
        # skip connection (Linear)
        x_skip = x @ W_s[i] + b_s[i]
        # SAGEConv with mean aggregation: lin_l(mean_{j in N(i)} x_j) + lin_r(x_i)
        msg = jnp.take(x, src, axis=0)
        agg = jax.ops.segment_sum(msg, dst, num_segments=N) / deg[:, None]
        h = agg @ W_l[i] + b_l[i] + x @ W_r[i]
        # BatchNorm1d (training-mode batch statistics, biased variance)
        mean = jnp.mean(h, axis=0)
        var = jnp.mean((h - mean) ** 2, axis=0)
        hn = (h - mean) / jnp.sqrt(var + EPS) * gamma[i] + beta[i]
        x = jax.nn.relu(hn) + x_skip
        # dropout treated as identity (eval-mode determinism)
    return x

if __name__ == "__main__":
    import jax
    _d = setup_inputs()
    print(jax.jit(kernel)(*tuple(_d.values())))

</pallas_src>

<mosaic_0001>
#map = affine_map<(d0, d1) -> (0, 0)>
#map1 = affine_map<(d0, d1) -> (0)>
module attributes {stable_mosaic.version = 14 : i64} {
  func.func @_agg_body(%arg0: i32, %arg1: i32, %arg2: memref<20000x128xf32, #tpu.memory_space<hbm>>, %arg3: memref<161792xi32, #tpu.memory_space<hbm>>, %arg4: memref<161792xi32, #tpu.memory_space<hbm>>, %arg5: memref<648x128xf32, #tpu.memory_space<hbm>>, %arg6: memref<20736x128xf32, #tpu.memory_space<hbm>>, %arg7: memref<10112xi32, #tpu.memory_space<vmem>>, %arg8: memref<10112xi32, #tpu.memory_space<vmem>>, %arg9: memref<128xi32, #tpu.memory_space<vmem>>, %arg10: memref<128xi32, #tpu.memory_space<vmem>>, %arg11: memref<128x128xf32, #tpu.memory_space<vmem>>, %arg12: memref<10368x128xf32, #tpu.memory_space<vmem_shared>>) attributes {dimension_semantics = [#tpu.dimension_semantics<core_parallel>, #tpu.dimension_semantics<subcore_parallel>], iteration_bounds = array<i64: 2, 16>, scalar_prefetch = 0 : i64, scratch_operands = 6 : i64, tpu.core_type = #tpu.core_type<sc_vector_subcore>, window_params = [{transform_indices = #map}, {transform_indices = #map1}, {transform_indices = #map1}, {transform_indices = #map}, {transform_indices = #map}]} {
    %mul3A = arith.constant 648 : i32
    %mul3A_0 = arith.muli %arg1, %mul3A : i32
    "tpu.region"() ({
      %run_scoped3A = tpu.sem_alloc : memref<!tpu.dma_semaphore, #tpu.memory_space<semaphore_mem>>
      %dma_start3A = arith.constant 0 : i32
      %dma_start3A_23 = tpu.memref_slice %arg12[%mul3A_0, %dma_start3A] : memref<10368x128xf32, #tpu.memory_space<vmem_shared>> -> memref<648x128xf32, #tpu.memory_space<vmem_shared>>
      tpu.enqueue_dma source(%arg5 : memref<648x128xf32, #tpu.memory_space<hbm>>) target(%dma_start3A_23 : memref<648x128xf32, #tpu.memory_space<vmem_shared>>) target_semaphore(%run_scoped3A : memref<!tpu.dma_semaphore, #tpu.memory_space<semaphore_mem>>)
      %dma_wait3A = arith.constant 0 : i32
      %dma_wait3A_24 = tpu.memref_slice %arg12[%mul3A_0, %dma_wait3A] : memref<10368x128xf32, #tpu.memory_space<vmem_shared>> -> memref<648x128xf32, #tpu.memory_space<vmem_shared>>
      tpu.wait_dma2 semaphore(%run_scoped3A : memref<!tpu.dma_semaphore, #tpu.memory_space<semaphore_mem>>) src(%arg5 : memref<648x128xf32, #tpu.memory_space<hbm>>) dst(%dma_wait3A_24 : memref<648x128xf32, #tpu.memory_space<vmem_shared>>)
      tpu.yield
    }) : () -> ()
    %mul3A_1 = arith.constant 10112 : i32
    %mul3A_2 = arith.muli %arg1, %mul3A_1 : i32
    "tpu.region"() ({
      %run_scoped3A = tpu.sem_alloc : memref<!tpu.dma_semaphore, #tpu.memory_space<semaphore_mem>>
      %dma_start3A = tpu.memref_slice %arg3[%mul3A_2] : memref<161792xi32, #tpu.memory_space<hbm>> -> memref<10112xi32, #tpu.memory_space<hbm>>
      %dma_start3A_23 = tpu.memref_slice %arg3[%mul3A_2] : memref<161792xi32, #tpu.memory_space<hbm>> -> memref<10112xi32, #tpu.memory_space<hbm>>
      tpu.enqueue_dma source(%dma_start3A_23 : memref<10112xi32, #tpu.memory_space<hbm>>) target(%arg7 : memref<10112xi32, #tpu.memory_space<vmem>>) target_semaphore(%run_scoped3A : memref<!tpu.dma_semaphore, #tpu.memory_space<semaphore_mem>>)
      %dma_wait3A = tpu.memref_slice %arg3[%mul3A_2] : memref<161792xi32, #tpu.memory_space<hbm>> -> memref<10112xi32, #tpu.memory_space<hbm>>
      %dma_wait3A_24 = tpu.memref_slice %arg3[%mul3A_2] : memref<161792xi32, #tpu.memory_space<hbm>> -> memref<10112xi32, #tpu.memory_space<hbm>>
      tpu.wait_dma2 semaphore(%run_scoped3A : memref<!tpu.dma_semaphore, #tpu.memory_space<semaphore_mem>>) src(%dma_wait3A_24 : memref<10112xi32, #tpu.memory_space<hbm>>) dst(%arg7 : memref<10112xi32, #tpu.memory_space<vmem>>)
      tpu.yield
    }) : () -> ()
    "tpu.region"() ({
      %run_scoped3A = tpu.sem_alloc : memref<!tpu.dma_semaphore, #tpu.memory_space<semaphore_mem>>
      %dma_start3A = tpu.memref_slice %arg4[%mul3A_2] : memref<161792xi32, #tpu.memory_space<hbm>> -> memref<10112xi32, #tpu.memory_space<hbm>>
      %dma_start3A_23 = tpu.memref_slice %arg4[%mul3A_2] : memref<161792xi32, #tpu.memory_space<hbm>> -> memref<10112xi32, #tpu.memory_space<hbm>>
      tpu.enqueue_dma source(%dma_start3A_23 : memref<10112xi32, #tpu.memory_space<hbm>>) target(%arg8 : memref<10112xi32, #tpu.memory_space<vmem>>) target_semaphore(%run_scoped3A : memref<!tpu.dma_semaphore, #tpu.memory_space<semaphore_mem>>)
      %dma_wait3A = tpu.memref_slice %arg4[%mul3A_2] : memref<161792xi32, #tpu.memory_space<hbm>> -> memref<10112xi32, #tpu.memory_space<hbm>>
      %dma_wait3A_24 = tpu.memref_slice %arg4[%mul3A_2] : memref<161792xi32, #tpu.memory_space<hbm>> -> memref<10112xi32, #tpu.memory_space<hbm>>
      tpu.wait_dma2 semaphore(%run_scoped3A : memref<!tpu.dma_semaphore, #tpu.memory_space<semaphore_mem>>) src(%dma_wait3A_24 : memref<10112xi32, #tpu.memory_space<hbm>>) dst(%arg8 : memref<10112xi32, #tpu.memory_space<vmem>>)
      tpu.yield
    }) : () -> ()
    %mul3A_3 = arith.constant 10000 : i32
    %mul3A_4 = arith.muli %arg0, %mul3A_3 : i32
    %scan3A = arith.constant 0 : i32
    %scan3A_5 = arith.constant 0 : i32
    %scan3A_6 = arith.constant 632 : i32
    %scan3A_7 = arith.addi %scan3A_5, %scan3A_6 : i32
    %scan3A_8 = arith.constant 1 : i32
    scf.for %scan3A_23 = %scan3A_5 to %scan3A_7 step %scan3A_8  : i32 {
      %mul3A_24 = arith.constant 16 : i32
      %mul3A_25 = arith.muli %scan3A_23, %mul3A_24 : i32
      %get3A = arith.index_cast %mul3A_25 : i32 to index
      %get3A_26 = tpu.vector_load %arg7[%get3A] {strides = array<i32>} : memref<10112xi32, #tpu.memory_space<vmem>>, vector<16xi32>,
      %get3A_27 = vector.shape_cast %get3A_26 : vector<16xi32> to vector<16xi32>
      %add3A_28 = vector.broadcast %mul3A_4 : i32 to vector<16xi32>
      %add3A_29 = arith.addi %get3A_27, %add3A_28 : vector<16xi32>
      %swap3A = arith.index_cast %mul3A_25 : i32 to index
      %swap3A_30 = tpu.vector_load %arg7[%swap3A] {strides = array<i32>} : memref<10112xi32, #tpu.memory_space<vmem>>, vector<16xi32>,
      %swap3A_31 = vector.shape_cast %swap3A_30 : vector<16xi32> to vector<16xi32>
      %swap3A_32 = vector.shape_cast %add3A_29 : vector<16xi32> to vector<16xi32>
      tpu.vector_store %arg7[%swap3A], %swap3A_32 {strides = array<i32>} : memref<10112xi32, #tpu.memory_space<vmem>>, vector<16xi32>,
    }
    %scan3A_9 = arith.constant 632 : i32
    %barrier3A = arith.constant 0 : index
    tpu.barrier barrier_id(%barrier3A)
    %scan3A_10 = arith.constant 0 : i32
    %scan3A_11 = arith.constant 0 : i32
    %scan3A_12 = arith.constant 79 : i32
    %scan3A_13 = arith.addi %scan3A_11, %scan3A_12 : i32
    %scan3A_14 = arith.constant 1 : i32
    scf.for %scan3A_23 = %scan3A_11 to %scan3A_13 step %scan3A_14  : i32 {
      %mul3A_24 = arith.constant 128 : i32
      %mul3A_25 = arith.muli %scan3A_23, %mul3A_24 : i32
      %add3A_26 = arith.constant 0 : i32
      %add3A_27 = arith.addi %mul3A_25, %add3A_26 : i32
      %get3A = arith.index_cast %add3A_27 : i32 to index
      %get3A_28 = tpu.vector_load %arg7[%get3A] {strides = array<i32>} : memref<10112xi32, #tpu.memory_space<vmem>>, vector<16xi32>,
      %get3A_29 = vector.shape_cast %get3A_28 : vector<16xi32> to vector<16xi32>
      %swap3A = arith.constant 0 : index
      %swap3A_30 = tpu.vector_load %arg9[%swap3A] {strides = array<i32>} : memref<128xi32, #tpu.memory_space<vmem>>, vector<16xi32>,
      %swap3A_31 = vector.shape_cast %swap3A_30 : vector<16xi32> to vector<16xi32>
      %swap3A_32 = vector.shape_cast %get3A_29 : vector<16xi32> to vector<16xi32>
      tpu.vector_store %arg9[%swap3A], %swap3A_32 {strides = array<i32>} : memref<128xi32, #tpu.memory_space<vmem>>, vector<16xi32>,
      %add3A_33 = arith.constant 0 : i32
      %add3A_34 = arith.addi %mul3A_25, %add3A_33 : i32
      %get3A_35 = arith.index_cast %add3A_34 : i32 to index
      %get3A_36 = tpu.vector_load %arg8[%get3A_35] {strides = array<i32>} : memref<10112xi32, #tpu.memory_space<vmem>>, vector<16xi32>,
      %get3A_37 = vector.shape_cast %get3A_36 : vector<16xi32> to vector<16xi32>
      %swap3A_38 = arith.constant 0 : index
      %swap3A_39 = tpu.vector_load %arg10[%swap3A_38] {strides = array<i32>} : memref<128xi32, #tpu.memory_space<vmem>>, vector<16xi32>,
      %swap3A_40 = vector.shape_cast %swap3A_39 : vector<16xi32> to vector<16xi32>
      %swap3A_41 = vector.shape_cast %get3A_37 : vector<16xi32> to vector<16xi32>
      tpu.vector_store %arg10[%swap3A_38], %swap3A_41 {strides = array<i32>} : memref<128xi32, #tpu.memory_space<vmem>>, vector<16xi32>,
      %add3A_42 = arith.constant 16 : i32
      %add3A_43 = arith.addi %mul3A_25, %add3A_42 : i32
      %get3A_44 = arith.index_cast %add3A_43 : i32 to index
      %get3A_45 = tpu.vector_load %arg7[%get3A_44] {strides = array<i32>} : memref<10112xi32, #tpu.memory_space<vmem>>, vector<16xi32>,
      %get3A_46 = vector.shape_cast %get3A_45 : vector<16xi32> to vector<16xi32>
      %swap3A_47 = arith.constant 16 : index
      %swap3A_48 = tpu.vector_load %arg9[%swap3A_47] {strides = array<i32>} : memref<128xi32, #tpu.memory_space<vmem>>, vector<16xi32>,
      %swap3A_49 = vector.shape_cast %swap3A_48 : vector<16xi32> to vector<16xi32>
      %swap3A_50 = vector.shape_cast %get3A_46 : vector<16xi32> to vector<16xi32>
      tpu.vector_store %arg9[%swap3A_47], %swap3A_50 {strides = array<i32>} : memref<128xi32, #tpu.memory_space<vmem>>, vector<16xi32>,
      %add3A_51 = arith.constant 16 : i32
      %add3A_52 = arith.addi %mul3A_25, %add3A_51 : i32
      %get3A_53 = arith.index_cast %add3A_52 : i32 to index
      %get3A_54 = tpu.vector_load %arg8[%get3A_53] {strides = array<i32>} : memref<10112xi32, #tpu.memory_space<vmem>>, vector<16xi32>,
      %get3A_55 = vector.shape_cast %get3A_54 : vector<16xi32> to vector<16xi32>
      %swap3A_56 = arith.constant 16 : index
      %swap3A_57 = tpu.vector_load %arg10[%swap3A_56] {strides = array<i32>} : memref<128xi32, #tpu.memory_space<vmem>>, vector<16xi32>,
      %swap3A_58 = vector.shape_cast %swap3A_57 : vector<16xi32> to vector<16xi32>
      %swap3A_59 = vector.shape_cast %get3A_55 : vector<16xi32> to vector<16xi32>
      tpu.vector_store %arg10[%swap3A_56], %swap3A_59 {strides = array<i32>} : memref<128xi32, #tpu.memory_space<vmem>>, vector<16xi32>,
      %add3A_60 = arith.constant 32 : i32
      %add3A_61 = arith.addi %mul3A_25, %add3A_60 : i32
      %get3A_62 = arith.index_cast %add3A_61 : i32 to index
      %get3A_63 = tpu.vector_load %arg7[%get3A_62] {strides = array<i32>} : memref<10112xi32, #tpu.memory_space<vmem>>, vector<16xi32>,
      %get3A_64 = vector.shape_cast %get3A_63 : vector<16xi32> to vector<16xi32>
      %swap3A_65 = arith.constant 32 : index
      %swap3A_66 = tpu.vector_load %arg9[%swap3A_65] {strides = array<i32>} : memref<128xi32, #tpu.memory_space<vmem>>, vector<16xi32>,
      %swap3A_67 = vector.shape_cast %swap3A_66 : vector<16xi32> to vector<16xi32>
      %swap3A_68 = vector.shape_cast %get3A_64 : vector<16xi32> to vector<16xi32>
      tpu.vector_store %arg9[%swap3A_65], %swap3A_68 {strides = array<i32>} : memref<128xi32, #tpu.memory_space<vmem>>, vector<16xi32>,
      %add3A_69 = arith.constant 32 : i32
      %add3A_70 = arith.addi %mul3A_25, %add3A_69 : i32
      %get3A_71 = arith.index_cast %add3A_70 : i32 to index
      %get3A_72 = tpu.vector_load %arg8[%get3A_71] {strides = array<i32>} : memref<10112xi32, #tpu.memory_space<vmem>>, vector<16xi32>,
      %get3A_73 = vector.shape_cast %get3A_72 : vector<16xi32> to vector<16xi32>
      %swap3A_74 = arith.constant 32 : index
      %swap3A_75 = tpu.vector_load %arg10[%swap3A_74] {strides = array<i32>} : memref<128xi32, #tpu.memory_space<vmem>>, vector<16xi32>,
      %swap3A_76 = vector.shape_cast %swap3A_75 : vector<16xi32> to vector<16xi32>
      %swap3A_77 = vector.shape_cast %get3A_73 : vector<16xi32> to vector<16xi32>
      tpu.vector_store %arg10[%swap3A_74], %swap3A_77 {strides = array<i32>} : memref<128xi32, #tpu.memory_space<vmem>>, vector<16xi32>,
      %add3A_78 = arith.constant 48 : i32
      %add3A_79 = arith.addi %mul3A_25, %add3A_78 : i32
      %get3A_80 = arith.index_cast %add3A_79 : i32 to index
      %get3A_81 = tpu.vector_load %arg7[%get3A_80] {strides = array<i32>} : memref<10112xi32, #tpu.memory_space<vmem>>, vector<16xi32>,
      %get3A_82 = vector.shape_cast %get3A_81 : vector<16xi32> to vector<16xi32>
      %swap3A_83 = arith.constant 48 : index
      %swap3A_84 = tpu.vector_load %arg9[%swap3A_83] {strides = array<i32>} : memref<128xi32, #tpu.memory_space<vmem>>, vector<16xi32>,
      %swap3A_85 = vector.shape_cast %swap3A_84 : vector<16xi32> to vector<16xi32>
      %swap3A_86 = vector.shape_cast %get3A_82 : vector<16xi32> to vector<16xi32>
      tpu.vector_store %arg9[%swap3A_83], %swap3A_86 {strides = array<i32>} : memref<128xi32, #tpu.memory_space<vmem>>, vector<16xi32>,
      %add3A_87 = arith.constant 48 : i32
      %add3A_88 = arith.addi %mul3A_25, %add3A_87 : i32
      %get3A_89 = arith.index_cast %add3A_88 : i32 to index
      %get3A_90 = tpu.vector_load %arg8[%get3A_89] {strides = array<i32>} : memref<10112xi32, #tpu.memory_space<vmem>>, vector<16xi32>,
      %get3A_91 = vector.shape_cast %get3A_90 : vector<16xi32> to vector<16xi32>
      %swap3A_92 = arith.constant 48 : index
      %swap3A_93 = tpu.vector_load %arg10[%swap3A_92] {strides = array<i32>} : memref<128xi32, #tpu.memory_space<vmem>>, vector<16xi32>,
      %swap3A_94 = vector.shape_cast %swap3A_93 : vector<16xi32> to vector<16xi32>
      %swap3A_95 = vector.shape_cast %get3A_91 : vector<16xi32> to vector<16xi32>
      tpu.vector_store %arg10[%swap3A_92], %swap3A_95 {strides = array<i32>} : memref<128xi32, #tpu.memory_space<vmem>>, vector<16xi32>,
      %add3A_96 = arith.constant 64 : i32
      %add3A_97 = arith.addi %mul3A_25, %add3A_96 : i32
      %get3A_98 = arith.index_cast %add3A_97 : i32 to index
      %get3A_99 = tpu.vector_load %arg7[%get3A_98] {strides = array<i32>} : memref<10112xi32, #tpu.memory_space<vmem>>, vector<16xi32>,
      %get3A_100 = vector.shape_cast %get3A_99 : vector<16xi32> to vector<16xi32>
      %swap3A_101 = arith.constant 64 : index
      %swap3A_102 = tpu.vector_load %arg9[%swap3A_101] {strides = array<i32>} : memref<128xi32, #tpu.memory_space<vmem>>, vector<16xi32>,
      %swap3A_103 = vector.shape_cast %swap3A_102 : vector<16xi32> to vector<16xi32>
      %swap3A_104 = vector.shape_cast %get3A_100 : vector<16xi32> to vector<16xi32>
      tpu.vector_store %arg9[%swap3A_101], %swap3A_104 {strides = array<i32>} : memref<128xi32, #tpu.memory_space<vmem>>, vector<16xi32>,
      %add3A_105 = arith.constant 64 : i32
      %add3A_106 = arith.addi %mul3A_25, %add3A_105 : i32
      %get3A_107 = arith.index_cast %add3A_106 : i32 to index
      %get3A_108 = tpu.vector_load %arg8[%get3A_107] {strides = array<i32>} : memref<10112xi32, #tpu.memory_space<vmem>>, vector<16xi32>,
      %get3A_109 = vector.shape_cast %get3A_108 : vector<16xi32> to vector<16xi32>
      %swap3A_110 = arith.constant 64 : index
      %swap3A_111 = tpu.vector_load %arg10[%swap3A_110] {strides = array<i32>} : memref<128xi32, #tpu.memory_space<vmem>>, vector<16xi32>,
      %swap3A_112 = vector.shape_cast %swap3A_111 : vector<16xi32> to vector<16xi32>
      %swap3A_113 = vector.shape_cast %get3A_109 : vector<16xi32> to vector<16xi32>
      tpu.vector_store %arg10[%swap3A_110], %swap3A_113 {strides = array<i32>} : memref<128xi32, #tpu.memory_space<vmem>>, vector<16xi32>,
      %add3A_114 = arith.constant 80 : i32
      %add3A_115 = arith.addi %mul3A_25, %add3A_114 : i32
      %get3A_116 = arith.index_cast %add3A_115 : i32 to index
      %get3A_117 = tpu.vector_load %arg7[%get3A_116] {strides = array<i32>} : memref<10112xi32, #tpu.memory_space<vmem>>, vector<16xi32>,
      %get3A_118 = vector.shape_cast %get3A_117 : vector<16xi32> to vector<16xi32>
      %swap3A_119 = arith.constant 80 : index
      %swap3A_120 = tpu.vector_load %arg9[%swap3A_119] {strides = array<i32>} : memref<128xi32, #tpu.memory_space<vmem>>, vector<16xi32>,
      %swap3A_121 = vector.shape_cast %swap3A_120 : vector<16xi32> to vector<16xi32>
      %swap3A_122 = vector.shape_cast %get3A_118 : vector<16xi32> to vector<16xi32>
      tpu.vector_store %arg9[%swap3A_119], %swap3A_122 {strides = array<i32>} : memref<128xi32, #tpu.memory_space<vmem>>, vector<16xi32>,
      %add3A_123 = arith.constant 80 : i32
      %add3A_124 = arith.addi %mul3A_25, %add3A_123 : i32
      %get3A_125 = arith.index_cast %add3A_124 : i32 to index
      %get3A_126 = tpu.vector_load %arg8[%get3A_125] {strides = array<i32>} : memref<10112xi32, #tpu.memory_space<vmem>>, vector<16xi32>,
      %get3A_127 = vector.shape_cast %get3A_126 : vector<16xi32> to vector<16xi32>
      %swap3A_128 = arith.constant 80 : index
      %swap3A_129 = tpu.vector_load %arg10[%swap3A_128] {strides = array<i32>} : memref<128xi32, #tpu.memory_space<vmem>>, vector<16xi32>,
      %swap3A_130 = vector.shape_cast %swap3A_129 : vector<16xi32> to vector<16xi32>
      %swap3A_131 = vector.shape_cast %get3A_127 : vector<16xi32> to vector<16xi32>
      tpu.vector_store %arg10[%swap3A_128], %swap3A_131 {strides = array<i32>} : memref<128xi32, #tpu.memory_space<vmem>>, vector<16xi32>,
      %add3A_132 = arith.constant 96 : i32
      %add3A_133 = arith.addi %mul3A_25, %add3A_132 : i32
      %get3A_134 = arith.index_cast %add3A_133 : i32 to index
      %get3A_135 = tpu.vector_load %arg7[%get3A_134] {strides = array<i32>} : memref<10112xi32, #tpu.memory_space<vmem>>, vector<16xi32>,
      %get3A_136 = vector.shape_cast %get3A_135 : vector<16xi32> to vector<16xi32>
      %swap3A_137 = arith.constant 96 : index
      %swap3A_138 = tpu.vector_load %arg9[%swap3A_137] {strides = array<i32>} : memref<128xi32, #tpu.memory_space<vmem>>, vector<16xi32>,
      %swap3A_139 = vector.shape_cast %swap3A_138 : vector<16xi32> to vector<16xi32>
      %swap3A_140 = vector.shape_cast %get3A_136 : vector<16xi32> to vector<16xi32>
      tpu.vector_store %arg9[%swap3A_137], %swap3A_140 {strides = array<i32>} : memref<128xi32, #tpu.memory_space<vmem>>, vector<16xi32>,
      %add3A_141 = arith.constant 96 : i32
      %add3A_142 = arith.addi %mul3A_25, %add3A_141 : i32
      %get3A_143 = arith.index_cast %add3A_142 : i32 to index
      %get3A_144 = tpu.vector_load %arg8[%get3A_143] {strides = array<i32>} : memref<10112xi32, #tpu.memory_space<vmem>>, vector<16xi32>,
      %get3A_145 = vector.shape_cast %get3A_144 : vector<16xi32> to vector<16xi32>
      %swap3A_146 = arith.constant 96 : index
      %swap3A_147 = tpu.vector_load %arg10[%swap3A_146] {strides = array<i32>} : memref<128xi32, #tpu.memory_space<vmem>>, vector<16xi32>,
      %swap3A_148 = vector.shape_cast %swap3A_147 : vector<16xi32> to vector<16xi32>
      %swap3A_149 = vector.shape_cast %get3A_145 : vector<16xi32> to vector<16xi32>
      tpu.vector_store %arg10[%swap3A_146], %swap3A_149 {strides = array<i32>} : memref<128xi32, #tpu.memory_space<vmem>>, vector<16xi32>,
      %add3A_150 = arith.constant 112 : i32
      %add3A_151 = arith.addi %mul3A_25, %add3A_150 : i32
      %get3A_152 = arith.index_cast %add3A_151 : i32 to index
      %get3A_153 = tpu.vector_load %arg7[%get3A_152] {strides = array<i32>} : memref<10112xi32, #tpu.memory_space<vmem>>, vector<16xi32>,
      %get3A_154 = vector.shape_cast %get3A_153 : vector<16xi32> to vector<16xi32>
      %swap3A_155 = arith.constant 112 : index
      %swap3A_156 = tpu.vector_load %arg9[%swap3A_155] {strides = array<i32>} : memref<128xi32, #tpu.memory_space<vmem>>, vector<16xi32>,
      %swap3A_157 = vector.shape_cast %swap3A_156 : vector<16xi32> to vector<16xi32>
      %swap3A_158 = vector.shape_cast %get3A_154 : vector<16xi32> to vector<16xi32>
      tpu.vector_store %arg9[%swap3A_155], %swap3A_158 {strides = array<i32>} : memref<128xi32, #tpu.memory_space<vmem>>, vector<16xi32>,
      %add3A_159 = arith.constant 112 : i32
      %add3A_160 = arith.addi %mul3A_25, %add3A_159 : i32
      %get3A_161 = arith.index_cast %add3A_160 : i32 to index
      %get3A_162 = tpu.vector_load %arg8[%get3A_161] {strides = array<i32>} : memref<10112xi32, #tpu.memory_space<vmem>>, vector<16xi32>,
      %get3A_163 = vector.shape_cast %get3A_162 : vector<16xi32> to vector<16xi32>
      %swap3A_164 = arith.constant 112 : index
      %swap3A_165 = tpu.vector_load %arg10[%swap3A_164] {strides = array<i32>} : memref<128xi32, #tpu.memory_space<vmem>>, vector<16xi32>,
      %swap3A_166 = vector.shape_cast %swap3A_165 : vector<16xi32> to vector<16xi32>
      %swap3A_167 = vector.shape_cast %get3A_163 : vector<16xi32> to vector<16xi32>
      tpu.vector_store %arg10[%swap3A_164], %swap3A_167 {strides = array<i32>} : memref<128xi32, #tpu.memory_space<vmem>>, vector<16xi32>,
      "tpu.region"() ({
        %run_scoped3A = tpu.sem_alloc : memref<!tpu.dma_semaphore, #tpu.memory_space<semaphore_mem>>
        %dma_start3A = arith.constant 0 : i32
        %dma_start3A_168 = arith.constant 0 : i32
        %dma_start3A_169 = tpu.memref_slice %arg2[%dma_start3A, %dma_start3A_168] : memref<20000x128xf32, #tpu.memory_space<hbm>> -> memref<20000x128xf32, #tpu.memory_space<hbm>>
        tpu.enqueue_indirect_dma source(%dma_start3A_169 : memref<20000x128xf32, #tpu.memory_space<hbm>>) target(%arg11 : memref<128x128xf32, #tpu.memory_space<vmem>>) offsets(%arg9 : memref<128xi32, #tpu.memory_space<vmem>>) semaphore(%run_scoped3A : memref<!tpu.dma_semaphore, #tpu.memory_space<semaphore_mem>>)
        %dma_wait3A = arith.constant 0 : i32
        %dma_wait3A_170 = arith.constant 0 : i32
        %dma_wait3A_171 = tpu.memref_slice %arg2[%dma_wait3A, %dma_wait3A_170] : memref<20000x128xf32, #tpu.memory_space<hbm>> -> memref<20000x128xf32, #tpu.memory_space<hbm>>
        tpu.wait_indirect_dma semaphore(%run_scoped3A : memref<!tpu.dma_semaphore, #tpu.memory_space<semaphore_mem>>) src(%dma_wait3A_171 : memref<20000x128xf32, #tpu.memory_space<hbm>>) dst(%arg11 : memref<128x128xf32, #tpu.memory_space<vmem>>)
        tpu.yield
      }) : () -> ()
      "tpu.region"() ({
        %run_scoped3A = tpu.sem_alloc : memref<!tpu.dma_semaphore, #tpu.memory_space<semaphore_mem>>
        %dma_start3A = arith.constant 0 : i32
        %dma_start3A_168 = arith.constant 0 : i32
        %dma_start3A_169 = tpu.memref_slice %arg12[%dma_start3A, %dma_start3A_168] : memref<10368x128xf32, #tpu.memory_space<vmem_shared>> -> memref<10368x128xf32, #tpu.memory_space<vmem_shared>>
        tpu.enqueue_indirect_dma source(%arg11 : memref<128x128xf32, #tpu.memory_space<vmem>>) target(%dma_start3A_169 : memref<10368x128xf32, #tpu.memory_space<vmem_shared>>) offsets(%arg10 : memref<128xi32, #tpu.memory_space<vmem>>) semaphore(%run_scoped3A : memref<!tpu.dma_semaphore, #tpu.memory_space<semaphore_mem>>) {add = true}
        %dma_wait3A = arith.constant 0 : i32
        %dma_wait3A_170 = arith.constant 0 : i32
        %dma_wait3A_171 = tpu.memref_slice %arg12[%dma_wait3A, %dma_wait3A_170] : memref<10368x128xf32, #tpu.memory_space<vmem_shared>> -> memref<10368x128xf32, #tpu.memory_space<vmem_shared>>
        tpu.wait_indirect_dma semaphore(%run_scoped3A : memref<!tpu.dma_semaphore, #tpu.memory_space<semaphore_mem>>) src(%arg11 : memref<128x128xf32, #tpu.memory_space<vmem>>) dst(%dma_wait3A_171 : memref<10368x128xf32, #tpu.memory_space<vmem_shared>>)
        tpu.yield
      }) : () -> ()
    }
    %scan3A_15 = arith.constant 79 : i32
    %barrier3A_16 = arith.constant 0 : index
    tpu.barrier barrier_id(%barrier3A_16)
    %mul3A_17 = arith.constant 648 : i32
    %mul3A_18 = arith.muli %arg1, %mul3A_17 : i32
    %mul3A_19 = arith.constant 10368 : i32
    %mul3A_20 = arith.muli %arg0, %mul3A_19 : i32
    %mul3A_21 = arith.constant 648 : i32
    %mul3A_22 = arith.muli %arg1, %mul3A_21 : i32
    %add3A = arith.addi %mul3A_20, %mul3A_22 : i32
    "tpu.region"() ({
      %run_scoped3A = tpu.sem_alloc : memref<!tpu.dma_semaphore, #tpu.memory_space<semaphore_mem>>
      %dma_start3A = arith.constant 0 : i32
      %dma_start3A_23 = tpu.memref_slice %arg6[%add3A, %dma_start3A] : memref<20736x128xf32, #tpu.memory_space<hbm>> -> memref<648x128xf32, #tpu.memory_space<hbm>>
      %dma_start3A_24 = arith.constant 0 : i32
      %dma_start3A_25 = tpu.memref_slice %arg12[%mul3A_18, %dma_start3A_24] : memref<10368x128xf32, #tpu.memory_space<vmem_shared>> -> memref<648x128xf32, #tpu.memory_space<vmem_shared>>
      tpu.enqueue_dma source(%dma_start3A_25 : memref<648x128xf32, #tpu.memory_space<vmem_shared>>) target(%dma_start3A_23 : memref<648x128xf32, #tpu.memory_space<hbm>>) target_semaphore(%run_scoped3A : memref<!tpu.dma_semaphore, #tpu.memory_space<semaphore_mem>>)
      %dma_wait3A = arith.constant 0 : i32
      %dma_wait3A_26 = tpu.memref_slice %arg6[%add3A, %dma_wait3A] : memref<20736x128xf32, #tpu.memory_space<hbm>> -> memref<648x128xf32, #tpu.memory_space<hbm>>
      %dma_wait3A_27 = arith.constant 0 : i32
      %dma_wait3A_28 = tpu.memref_slice %arg12[%mul3A_18, %dma_wait3A_27] : memref<10368x128xf32, #tpu.memory_space<vmem_shared>> -> memref<648x128xf32, #tpu.memory_space<vmem_shared>>
      tpu.wait_dma2 semaphore(%run_scoped3A : memref<!tpu.dma_semaphore, #tpu.memory_space<semaphore_mem>>) src(%dma_wait3A_28 : memref<648x128xf32, #tpu.memory_space<vmem_shared>>) dst(%dma_wait3A_26 : memref<648x128xf32, #tpu.memory_space<hbm>>)
      tpu.yield
    }) : () -> ()
    return
  }
}

#map = affine_map<(d0, d1) -> (0, 0)>
#map1 = affine_map<(d0, d1) -> (0)>
module attributes {stable_mosaic.version = 14 : i64} {
  func.func @_agg_body(%arg0: i32, %arg1: i32, %arg2: memref<20000x128xf32, #tpu.memory_space<hbm>>, %arg3: memref<161792xi32, #tpu.memory_space<hbm>>, %arg4: memref<161792xi32, #tpu.memory_space<hbm>>, %arg5: memref<648x128xf32, #tpu.memory_space<hbm>>, %arg6: memref<20736x128xf32, #tpu.memory_space<hbm>>, %arg7: memref<10112xi32, #tpu.memory_space<vmem>>, %arg8: memref<10112xi32, #tpu.memory_space<vmem>>, %arg9: memref<128xi32, #tpu.memory_space<vmem>>, %arg10: memref<128xi32, #tpu.memory_space<vmem>>, %arg11: memref<128x128xf32, #tpu.memory_space<vmem>>, %arg12: memref<10368x128xf32, #tpu.memory_space<vmem_shared>>) attributes {dimension_semantics = [#tpu.dimension_semantics<core_parallel>, #tpu.dimension_semantics<subcore_parallel>], iteration_bounds = array<i64: 2, 16>, scalar_prefetch = 0 : i64, scratch_operands = 6 : i64, tpu.core_type = #tpu.core_type<sc_vector_subcore>, window_params = [{transform_indices = #map}, {transform_indices = #map1}, {transform_indices = #map1}, {transform_indices = #map}, {transform_indices = #map}]} {
    %mul3A = arith.constant 648 : i32
    %mul3A_0 = arith.muli %arg1, %mul3A : i32
    "tpu.region"() ({
      %run_scoped3A = tpu.sem_alloc : memref<!tpu.dma_semaphore, #tpu.memory_space<semaphore_mem>>
      %dma_start3A = arith.constant 0 : i32
      %dma_start3A_23 = tpu.memref_slice %arg12[%mul3A_0, %dma_start3A] : memref<10368x128xf32, #tpu.memory_space<vmem_shared>> -> memref<648x128xf32, #tpu.memory_space<vmem_shared>>
      tpu.enqueue_dma source(%arg5 : memref<648x128xf32, #tpu.memory_space<hbm>>) target(%dma_start3A_23 : memref<648x128xf32, #tpu.memory_space<vmem_shared>>) target_semaphore(%run_scoped3A : memref<!tpu.dma_semaphore, #tpu.memory_space<semaphore_mem>>)
      %dma_wait3A = arith.constant 0 : i32
      %dma_wait3A_24 = tpu.memref_slice %arg12[%mul3A_0, %dma_wait3A] : memref<10368x128xf32, #tpu.memory_space<vmem_shared>> -> memref<648x128xf32, #tpu.memory_space<vmem_shared>>
      tpu.wait_dma2 semaphore(%run_scoped3A : memref<!tpu.dma_semaphore, #tpu.memory_space<semaphore_mem>>) src(%arg5 : memref<648x128xf32, #tpu.memory_space<hbm>>) dst(%dma_wait3A_24 : memref<648x128xf32, #tpu.memory_space<vmem_shared>>)
      tpu.yield
    }) : () -> ()
    %mul3A_1 = arith.constant 10112 : i32
    %mul3A_2 = arith.muli %arg1, %mul3A_1 : i32
    "tpu.region"() ({
      %run_scoped3A = tpu.sem_alloc : memref<!tpu.dma_semaphore, #tpu.memory_space<semaphore_mem>>
      %dma_start3A = tpu.memref_slice %arg3[%mul3A_2] : memref<161792xi32, #tpu.memory_space<hbm>> -> memref<10112xi32, #tpu.memory_space<hbm>>
      %dma_start3A_23 = tpu.memref_slice %arg3[%mul3A_2] : memref<161792xi32, #tpu.memory_space<hbm>> -> memref<10112xi32, #tpu.memory_space<hbm>>
      tpu.enqueue_dma source(%dma_start3A_23 : memref<10112xi32, #tpu.memory_space<hbm>>) target(%arg7 : memref<10112xi32, #tpu.memory_space<vmem>>) target_semaphore(%run_scoped3A : memref<!tpu.dma_semaphore, #tpu.memory_space<semaphore_mem>>)
      %dma_wait3A = tpu.memref_slice %arg3[%mul3A_2] : memref<161792xi32, #tpu.memory_space<hbm>> -> memref<10112xi32, #tpu.memory_space<hbm>>
      %dma_wait3A_24 = tpu.memref_slice %arg3[%mul3A_2] : memref<161792xi32, #tpu.memory_space<hbm>> -> memref<10112xi32, #tpu.memory_space<hbm>>
      tpu.wait_dma2 semaphore(%run_scoped3A : memref<!tpu.dma_semaphore, #tpu.memory_space<semaphore_mem>>) src(%dma_wait3A_24 : memref<10112xi32, #tpu.memory_space<hbm>>) dst(%arg7 : memref<10112xi32, #tpu.memory_space<vmem>>)
      tpu.yield
    }) : () -> ()
    "tpu.region"() ({
      %run_scoped3A = tpu.sem_alloc : memref<!tpu.dma_semaphore, #tpu.memory_space<semaphore_mem>>
      %dma_start3A = tpu.memref_slice %arg4[%mul3A_2] : memref<161792xi32, #tpu.memory_space<hbm>> -> memref<10112xi32, #tpu.memory_space<hbm>>
      %dma_start3A_23 = tpu.memref_slice %arg4[%mul3A_2] : memref<161792xi32, #tpu.memory_space<hbm>> -> memref<10112xi32, #tpu.memory_space<hbm>>
      tpu.enqueue_dma source(%dma_start3A_23 : memref<10112xi32, #tpu.memory_space<hbm>>) target(%arg8 : memref<10112xi32, #tpu.memory_space<vmem>>) target_semaphore(%run_scoped3A : memref<!tpu.dma_semaphore, #tpu.memory_space<semaphore_mem>>)
      %dma_wait3A = tpu.memref_slice %arg4[%mul3A_2] : memref<161792xi32, #tpu.memory_space<hbm>> -> memref<10112xi32, #tpu.memory_space<hbm>>
      %dma_wait3A_24 = tpu.memref_slice %arg4[%mul3A_2] : memref<161792xi32, #tpu.memory_space<hbm>> -> memref<10112xi32, #tpu.memory_space<hbm>>
      tpu.wait_dma2 semaphore(%run_scoped3A : memref<!tpu.dma_semaphore, #tpu.memory_space<semaphore_mem>>) src(%dma_wait3A_24 : memref<10112xi32, #tpu.memory_space<hbm>>) dst(%arg8 : memref<10112xi32, #tpu.memory_space<vmem>>)
      tpu.yield
    }) : () -> ()
    %mul3A_3 = arith.constant 10000 : i32
    %mul3A_4 = arith.muli %arg0, %mul3A_3 : i32
    %scan3A = arith.constant 0 : i32
    %scan3A_5 = arith.constant 0 : i32
    %scan3A_6 = arith.constant 632 : i32
    %scan3A_7 = arith.addi %scan3A_5, %scan3A_6 : i32
    %scan3A_8 = arith.constant 1 : i32
    scf.for %scan3A_23 = %scan3A_5 to %scan3A_7 step %scan3A_8  : i32 {
      %mul3A_24 = arith.constant 16 : i32
      %mul3A_25 = arith.muli %scan3A_23, %mul3A_24 : i32
      %get3A = arith.index_cast %mul3A_25 : i32 to index
      %get3A_26 = tpu.vector_load %arg7[%get3A] {strides = array<i32>} : memref<10112xi32, #tpu.memory_space<vmem>>, vector<16xi32>,
      %get3A_27 = vector.shape_cast %get3A_26 : vector<16xi32> to vector<16xi32>
      %add3A_28 = vector.broadcast %mul3A_4 : i32 to vector<16xi32>
      %add3A_29 = arith.addi %get3A_27, %add3A_28 : vector<16xi32>
      %swap3A = arith.index_cast %mul3A_25 : i32 to index
      %swap3A_30 = tpu.vector_load %arg7[%swap3A] {strides = array<i32>} : memref<10112xi32, #tpu.memory_space<vmem>>, vector<16xi32>,
      %swap3A_31 = vector.shape_cast %swap3A_30 : vector<16xi32> to vector<16xi32>
      %swap3A_32 = vector.shape_cast %add3A_29 : vector<16xi32> to vector<16xi32>
      tpu.vector_store %arg7[%swap3A], %swap3A_32 {strides = array<i32>} : memref<10112xi32, #tpu.memory_space<vmem>>, vector<16xi32>,
    }
    %scan3A_9 = arith.constant 632 : i32
    %barrier3A = arith.constant 0 : index
    tpu.barrier barrier_id(%barrier3A)
    %scan3A_10 = arith.constant 0 : i32
    %scan3A_11 = arith.constant 0 : i32
    %scan3A_12 = arith.constant 79 : i32
    %scan3A_13 = arith.addi %scan3A_11, %scan3A_12 : i32
    %scan3A_14 = arith.constant 1 : i32
    scf.for %scan3A_23 = %scan3A_11 to %scan3A_13 step %scan3A_14  : i32 {
      %mul3A_24 = arith.constant 128 : i32
      %mul3A_25 = arith.muli %scan3A_23, %mul3A_24 : i32
      %add3A_26 = arith.constant 0 : i32
      %add3A_27 = arith.addi %mul3A_25, %add3A_26 : i32
      %get3A = arith.index_cast %add3A_27 : i32 to index
      %get3A_28 = tpu.vector_load %arg7[%get3A] {strides = array<i32>} : memref<10112xi32, #tpu.memory_space<vmem>>, vector<16xi32>,
      %get3A_29 = vector.shape_cast %get3A_28 : vector<16xi32> to vector<16xi32>
      %swap3A = arith.constant 0 : index
      %swap3A_30 = tpu.vector_load %arg9[%swap3A] {strides = array<i32>} : memref<128xi32, #tpu.memory_space<vmem>>, vector<16xi32>,
      %swap3A_31 = vector.shape_cast %swap3A_30 : vector<16xi32> to vector<16xi32>
      %swap3A_32 = vector.shape_cast %get3A_29 : vector<16xi32> to vector<16xi32>
      tpu.vector_store %arg9[%swap3A], %swap3A_32 {strides = array<i32>} : memref<128xi32, #tpu.memory_space<vmem>>, vector<16xi32>,
      %add3A_33 = arith.constant 0 : i32
      %add3A_34 = arith.addi %mul3A_25, %add3A_33 : i32
      %get3A_35 = arith.index_cast %add3A_34 : i32 to index
      %get3A_36 = tpu.vector_load %arg8[%get3A_35] {strides = array<i32>} : memref<10112xi32, #tpu.memory_space<vmem>>, vector<16xi32>,
      %get3A_37 = vector.shape_cast %get3A_36 : vector<16xi32> to vector<16xi32>
      %swap3A_38 = arith.constant 0 : index
      %swap3A_39 = tpu.vector_load %arg10[%swap3A_38] {strides = array<i32>} : memref<128xi32, #tpu.memory_space<vmem>>, vector<16xi32>,
      %swap3A_40 = vector.shape_cast %swap3A_39 : vector<16xi32> to vector<16xi32>
      %swap3A_41 = vector.shape_cast %get3A_37 : vector<16xi32> to vector<16xi32>
      tpu.vector_store %arg10[%swap3A_38], %swap3A_41 {strides = array<i32>} : memref<128xi32, #tpu.memory_space<vmem>>, vector<16xi32>,
      %add3A_42 = arith.constant 16 : i32
      %add3A_43 = arith.addi %mul3A_25, %add3A_42 : i32
      %get3A_44 = arith.index_cast %add3A_43 : i32 to index
      %get3A_45 = tpu.vector_load %arg7[%get3A_44] {strides = array<i32>} : memref<10112xi32, #tpu.memory_space<vmem>>, vector<16xi32>,
      %get3A_46 = vector.shape_cast %get3A_45 : vector<16xi32> to vector<16xi32>
      %swap3A_47 = arith.constant 16 : index
      %swap3A_48 = tpu.vector_load %arg9[%swap3A_47] {strides = array<i32>} : memref<128xi32, #tpu.memory_space<vmem>>, vector<16xi32>,
      %swap3A_49 = vector.shape_cast %swap3A_48 : vector<16xi32> to vector<16xi32>
      %swap3A_50 = vector.shape_cast %get3A_46 : vector<16xi32> to vector<16xi32>
      tpu.vector_store %arg9[%swap3A_47], %swap3A_50 {strides = array<i32>} : memref<128xi32, #tpu.memory_space<vmem>>, vector<16xi32>,
      %add3A_51 = arith.constant 16 : i32
      %add3A_52 = arith.addi %mul3A_25, %add3A_51 : i32
      %get3A_53 = arith.index_cast %add3A_52 : i32 to index
      %get3A_54 = tpu.vector_load %arg8[%get3A_53] {strides = array<i32>} : memref<10112xi32, #tpu.memory_space<vmem>>, vector<16xi32>,
      %get3A_55 = vector.shape_cast %get3A_54 : vector<16xi32> to vector<16xi32>
      %swap3A_56 = arith.constant 16 : index
      %swap3A_57 = tpu.vector_load %arg10[%swap3A_56] {strides = array<i32>} : memref<128xi32, #tpu.memory_space<vmem>>, vector<16xi32>,
      %swap3A_58 = vector.shape_cast %swap3A_57 : vector<16xi32> to vector<16xi32>
      %swap3A_59 = vector.shape_cast %get3A_55 : vector<16xi32> to vector<16xi32>
      tpu.vector_store %arg10[%swap3A_56], %swap3A_59 {strides = array<i32>} : memref<128xi32, #tpu.memory_space<vmem>>, vector<16xi32>,
      %add3A_60 = arith.constant 32 : i32
      %add3A_61 = arith.addi %mul3A_25, %add3A_60 : i32
      %get3A_62 = arith.index_cast %add3A_61 : i32 to index
      %get3A_63 = tpu.vector_load %arg7[%get3A_62] {strides = array<i32>} : memref<10112xi32, #tpu.memory_space<vmem>>, vector<16xi32>,
      %get3A_64 = vector.shape_cast %get3A_63 : vector<16xi32> to vector<16xi32>
      %swap3A_65 = arith.constant 32 : index
      %swap3A_66 = tpu.vector_load %arg9[%swap3A_65] {strides = array<i32>} : memref<128xi32, #tpu.memory_space<vmem>>, vector<16xi32>,
      %swap3A_67 = vector.shape_cast %swap3A_66 : vector<16xi32> to vector<16xi32>
      %swap3A_68 = vector.shape_cast %get3A_64 : vector<16xi32> to vector<16xi32>
      tpu.vector_store %arg9[%swap3A_65], %swap3A_68 {strides = array<i32>} : memref<128xi32, #tpu.memory_space<vmem>>, vector<16xi32>,
      %add3A_69 = arith.constant 32 : i32
      %add3A_70 = arith.addi %mul3A_25, %add3A_69 : i32
      %get3A_71 = arith.index_cast %add3A_70 : i32 to index
      %get3A_72 = tpu.vector_load %arg8[%get3A_71] {strides = array<i32>} : memref<10112xi32, #tpu.memory_space<vmem>>, vector<16xi32>,
      %get3A_73 = vector.shape_cast %get3A_72 : vector<16xi32> to vector<16xi32>
      %swap3A_74 = arith.constant 32 : index
      %swap3A_75 = tpu.vector_load %arg10[%swap3A_74] {strides = array<i32>} : memref<128xi32, #tpu.memory_space<vmem>>, vector<16xi32>,
      %swap3A_76 = vector.shape_cast %swap3A_75 : vector<16xi32> to vector<16xi32>
      %swap3A_77 = vector.shape_cast %get3A_73 : vector<16xi32> to vector<16xi32>
      tpu.vector_store %arg10[%swap3A_74], %swap3A_77 {strides = array<i32>} : memref<128xi32, #tpu.memory_space<vmem>>, vector<16xi32>,
      %add3A_78 = arith.constant 48 : i32
      %add3A_79 = arith.addi %mul3A_25, %add3A_78 : i32
      %get3A_80 = arith.index_cast %add3A_79 : i32 to index
      %get3A_81 = tpu.vector_load %arg7[%get3A_80] {strides = array<i32>} : memref<10112xi32, #tpu.memory_space<vmem>>, vector<16xi32>,
      %get3A_82 = vector.shape_cast %get3A_81 : vector<16xi32> to vector<16xi32>
      %swap3A_83 = arith.constant 48 : index
      %swap3A_84 = tpu.vector_load %arg9[%swap3A_83] {strides = array<i32>} : memref<128xi32, #tpu.memory_space<vmem>>, vector<16xi32>,
      %swap3A_85 = vector.shape_cast %swap3A_84 : vector<16xi32> to vector<16xi32>
      %swap3A_86 = vector.shape_cast %get3A_82 : vector<16xi32> to vector<16xi32>
      tpu.vector_store %arg9[%swap3A_83], %swap3A_86 {strides = array<i32>} : memref<128xi32, #tpu.memory_space<vmem>>, vector<16xi32>,
      %add3A_87 = arith.constant 48 : i32
      %add3A_88 = arith.addi %mul3A_25, %add3A_87 : i32
      %get3A_89 = arith.index_cast %add3A_88 : i32 to index
      %get3A_90 = tpu.vector_load %arg8[%get3A_89] {strides = array<i32>} : memref<10112xi32, #tpu.memory_space<vmem>>, vector<16xi32>,
      %get3A_91 = vector.shape_cast %get3A_90 : vector<16xi32> to vector<16xi32>
      %swap3A_92 = arith.constant 48 : index
      %swap3A_93 = tpu.vector_load %arg10[%swap3A_92] {strides = array<i32>} : memref<128xi32, #tpu.memory_space<vmem>>, vector<16xi32>,
      %swap3A_94 = vector.shape_cast %swap3A_93 : vector<16xi32> to vector<16xi32>
      %swap3A_95 = vector.shape_cast %get3A_91 : vector<16xi32> to vector<16xi32>
      tpu.vector_store %arg10[%swap3A_92], %swap3A_95 {strides = array<i32>} : memref<128xi32, #tpu.memory_space<vmem>>, vector<16xi32>,
      %add3A_96 = arith.constant 64 : i32
      %add3A_97 = arith.addi %mul3A_25, %add3A_96 : i32
      %get3A_98 = arith.index_cast %add3A_97 : i32 to index
      %get3A_99 = tpu.vector_load %arg7[%get3A_98] {strides = array<i32>} : memref<10112xi32, #tpu.memory_space<vmem>>, vector<16xi32>,
      %get3A_100 = vector.shape_cast %get3A_99 : vector<16xi32> to vector<16xi32>
      %swap3A_101 = arith.constant 64 : index
      %swap3A_102 = tpu.vector_load %arg9[%swap3A_101] {strides = array<i32>} : memref<128xi32, #tpu.memory_space<vmem>>, vector<16xi32>,
      %swap3A_103 = vector.shape_cast %swap3A_102 : vector<16xi32> to vector<16xi32>
      %swap3A_104 = vector.shape_cast %get3A_100 : vector<16xi32> to vector<16xi32>
      tpu.vector_store %arg9[%swap3A_101], %swap3A_104 {strides = array<i32>} : memref<128xi32, #tpu.memory_space<vmem>>, vector<16xi32>,
      %add3A_105 = arith.constant 64 : i32
      %add3A_106 = arith.addi %mul3A_25, %add3A_105 : i32
      %get3A_107 = arith.index_cast %add3A_106 : i32 to index
      %get3A_108 = tpu.vector_load %arg8[%get3A_107] {strides = array<i32>} : memref<10112xi32, #tpu.memory_space<vmem>>, vector<16xi32>,
      %get3A_109 = vector.shape_cast %get3A_108 : vector<16xi32> to vector<16xi32>
      %swap3A_110 = arith.constant 64 : index
      %swap3A_111 = tpu.vector_load %arg10[%swap3A_110] {strides = array<i32>} : memref<128xi32, #tpu.memory_space<vmem>>, vector<16xi32>,
      %swap3A_112 = vector.shape_cast %swap3A_111 : vector<16xi32> to vector<16xi32>
      %swap3A_113 = vector.shape_cast %get3A_109 : vector<16xi32> to vector<16xi32>
      tpu.vector_store %arg10[%swap3A_110], %swap3A_113 {strides = array<i32>} : memref<128xi32, #tpu.memory_space<vmem>>, vector<16xi32>,
      %add3A_114 = arith.constant 80 : i32
      %add3A_115 = arith.addi %mul3A_25, %add3A_114 : i32
      %get3A_116 = arith.index_cast %add3A_115 : i32 to index
      %get3A_117 = tpu.vector_load %arg7[%get3A_116] {strides = array<i32>} : memref<10112xi32, #tpu.memory_space<vmem>>, vector<16xi32>,
      %get3A_118 = vector.shape_cast %get3A_117 : vector<16xi32> to vector<16xi32>
      %swap3A_119 = arith.constant 80 : index
      %swap3A_120 = tpu.vector_load %arg9[%swap3A_119] {strides = array<i32>} : memref<128xi32, #tpu.memory_space<vmem>>, vector<16xi32>,
      %swap3A_121 = vector.shape_cast %swap3A_120 : vector<16xi32> to vector<16xi32>
      %swap3A_122 = vector.shape_cast %get3A_118 : vector<16xi32> to vector<16xi32>
      tpu.vector_store %arg9[%swap3A_119], %swap3A_122 {strides = array<i32>} : memref<128xi32, #tpu.memory_space<vmem>>, vector<16xi32>,
      %add3A_123 = arith.constant 80 : i32
      %add3A_124 = arith.addi %mul3A_25, %add3A_123 : i32
      %get3A_125 = arith.index_cast %add3A_124 : i32 to index
      %get3A_126 = tpu.vector_load %arg8[%get3A_125] {strides = array<i32>} : memref<10112xi32, #tpu.memory_space<vmem>>, vector<16xi32>,
      %get3A_127 = vector.shape_cast %get3A_126 : vector<16xi32> to vector<16xi32>
      %swap3A_128 = arith.constant 80 : index
      %swap3A_129 = tpu.vector_load %arg10[%swap3A_128] {strides = array<i32>} : memref<128xi32, #tpu.memory_space<vmem>>, vector<16xi32>,
      %swap3A_130 = vector.shape_cast %swap3A_129 : vector<16xi32> to vector<16xi32>
      %swap3A_131 = vector.shape_cast %get3A_127 : vector<16xi32> to vector<16xi32>
      tpu.vector_store %arg10[%swap3A_128], %swap3A_131 {strides = array<i32>} : memref<128xi32, #tpu.memory_space<vmem>>, vector<16xi32>,
      %add3A_132 = arith.constant 96 : i32
      %add3A_133 = arith.addi %mul3A_25, %add3A_132 : i32
      %get3A_134 = arith.index_cast %add3A_133 : i32 to index
      %get3A_135 = tpu.vector_load %arg7[%get3A_134] {strides = array<i32>} : memref<10112xi32, #tpu.memory_space<vmem>>, vector<16xi32>,
      %get3A_136 = vector.shape_cast %get3A_135 : vector<16xi32> to vector<16xi32>
      %swap3A_137 = arith.constant 96 : index
      %swap3A_138 = tpu.vector_load %arg9[%swap3A_137] {strides = array<i32>} : memref<128xi32, #tpu.memory_space<vmem>>, vector<16xi32>,
      %swap3A_139 = vector.shape_cast %swap3A_138 : vector<16xi32> to vector<16xi32>
      %swap3A_140 = vector.shape_cast %get3A_136 : vector<16xi32> to vector<16xi32>
      tpu.vector_store %arg9[%swap3A_137], %swap3A_140 {strides = array<i32>} : memref<128xi32, #tpu.memory_space<vmem>>, vector<16xi32>,
      %add3A_141 = arith.constant 96 : i32
      %add3A_142 = arith.addi %mul3A_25, %add3A_141 : i32
      %get3A_143 = arith.index_cast %add3A_142 : i32 to index
      %get3A_144 = tpu.vector_load %arg8[%get3A_143] {strides = array<i32>} : memref<10112xi32, #tpu.memory_space<vmem>>, vector<16xi32>,
      %get3A_145 = vector.shape_cast %get3A_144 : vector<16xi32> to vector<16xi32>
      %swap3A_146 = arith.constant 96 : index
      %swap3A_147 = tpu.vector_load %arg10[%swap3A_146] {strides = array<i32>} : memref<128xi32, #tpu.memory_space<vmem>>, vector<16xi32>,
      %swap3A_148 = vector.shape_cast %swap3A_147 : vector<16xi32> to vector<16xi32>
      %swap3A_149 = vector.shape_cast %get3A_145 : vector<16xi32> to vector<16xi32>
      tpu.vector_store %arg10[%swap3A_146], %swap3A_149 {strides = array<i32>} : memref<128xi32, #tpu.memory_space<vmem>>, vector<16xi32>,
      %add3A_150 = arith.constant 112 : i32
      %add3A_151 = arith.addi %mul3A_25, %add3A_150 : i32
      %get3A_152 = arith.index_cast %add3A_151 : i32 to index
      %get3A_153 = tpu.vector_load %arg7[%get3A_152] {strides = array<i32>} : memref<10112xi32, #tpu.memory_space<vmem>>, vector<16xi32>,
      %get3A_154 = vector.shape_cast %get3A_153 : vector<16xi32> to vector<16xi32>
      %swap3A_155 = arith.constant 112 : index
      %swap3A_156 = tpu.vector_load %arg9[%swap3A_155] {strides = array<i32>} : memref<128xi32, #tpu.memory_space<vmem>>, vector<16xi32>,
      %swap3A_157 = vector.shape_cast %swap3A_156 : vector<16xi32> to vector<16xi32>
      %swap3A_158 = vector.shape_cast %get3A_154 : vector<16xi32> to vector<16xi32>
      tpu.vector_store %arg9[%swap3A_155], %swap3A_158 {strides = array<i32>} : memref<128xi32, #tpu.memory_space<vmem>>, vector<16xi32>,
      %add3A_159 = arith.constant 112 : i32
      %add3A_160 = arith.addi %mul3A_25, %add3A_159 : i32
      %get3A_161 = arith.index_cast %add3A_160 : i32 to index
      %get3A_162 = tpu.vector_load %arg8[%get3A_161] {strides = array<i32>} : memref<10112xi32, #tpu.memory_space<vmem>>, vector<16xi32>,
      %get3A_163 = vector.shape_cast %get3A_162 : vector<16xi32> to vector<16xi32>
      %swap3A_164 = arith.constant 112 : index
      %swap3A_165 = tpu.vector_load %arg10[%swap3A_164] {strides = array<i32>} : memref<128xi32, #tpu.memory_space<vmem>>, vector<16xi32>,
      %swap3A_166 = vector.shape_cast %swap3A_165 : vector<16xi32> to vector<16xi32>
      %swap3A_167 = vector.shape_cast %get3A_163 : vector<16xi32> to vector<16xi32>
      tpu.vector_store %arg10[%swap3A_164], %swap3A_167 {strides = array<i32>} : memref<128xi32, #tpu.memory_space<vmem>>, vector<16xi32>,
      "tpu.region"() ({
        %run_scoped3A = tpu.sem_alloc : memref<!tpu.dma_semaphore, #tpu.memory_space<semaphore_mem>>
        %dma_start3A = arith.constant 0 : i32
        %dma_start3A_168 = arith.constant 0 : i32
        %dma_start3A_169 = tpu.memref_slice %arg2[%dma_start3A, %dma_start3A_168] : memref<20000x128xf32, #tpu.memory_space<hbm>> -> memref<20000x128xf32, #tpu.memory_space<hbm>>
        tpu.enqueue_indirect_dma source(%dma_start3A_169 : memref<20000x128xf32, #tpu.memory_space<hbm>>) target(%arg11 : memref<128x128xf32, #tpu.memory_space<vmem>>) offsets(%arg9 : memref<128xi32, #tpu.memory_space<vmem>>) semaphore(%run_scoped3A : memref<!tpu.dma_semaphore, #tpu.memory_space<semaphore_mem>>)
        %dma_wait3A = arith.constant 0 : i32
        %dma_wait3A_170 = arith.constant 0 : i32
        %dma_wait3A_171 = tpu.memref_slice %arg2[%dma_wait3A, %dma_wait3A_170] : memref<20000x128xf32, #tpu.memory_space<hbm>> -> memref<20000x128xf32, #tpu.memory_space<hbm>>
        tpu.wait_indirect_dma semaphore(%run_scoped3A : memref<!tpu.dma_semaphore, #tpu.memory_space<semaphore_mem>>) src(%dma_wait3A_171 : memref<20000x128xf32, #tpu.memory_space<hbm>>) dst(%arg11 : memref<128x128xf32, #tpu.memory_space<vmem>>)
        tpu.yield
      }) : () -> ()
      "tpu.region"() ({
        %run_scoped3A = tpu.sem_alloc : memref<!tpu.dma_semaphore, #tpu.memory_space<semaphore_mem>>
        %dma_start3A = arith.constant 0 : i32
        %dma_start3A_168 = arith.constant 0 : i32
        %dma_start3A_169 = tpu.memref_slice %arg12[%dma_start3A, %dma_start3A_168] : memref<10368x128xf32, #tpu.memory_space<vmem_shared>> -> memref<10368x128xf32, #tpu.memory_space<vmem_shared>>
        tpu.enqueue_indirect_dma source(%arg11 : memref<128x128xf32, #tpu.memory_space<vmem>>) target(%dma_start3A_169 : memref<10368x128xf32, #tpu.memory_space<vmem_shared>>) offsets(%arg10 : memref<128xi32, #tpu.memory_space<vmem>>) semaphore(%run_scoped3A : memref<!tpu.dma_semaphore, #tpu.memory_space<semaphore_mem>>) {add = true}
        %dma_wait3A = arith.constant 0 : i32
        %dma_wait3A_170 = arith.constant 0 : i32
        %dma_wait3A_171 = tpu.memref_slice %arg12[%dma_wait3A, %dma_wait3A_170] : memref<10368x128xf32, #tpu.memory_space<vmem_shared>> -> memref<10368x128xf32, #tpu.memory_space<vmem_shared>>
        tpu.wait_indirect_dma semaphore(%run_scoped3A : memref<!tpu.dma_semaphore, #tpu.memory_space<semaphore_mem>>) src(%arg11 : memref<128x128xf32, #tpu.memory_space<vmem>>) dst(%dma_wait3A_171 : memref<10368x128xf32, #tpu.memory_space<vmem_shared>>)
        tpu.yield
      }) : () -> ()
    }
    %scan3A_15 = arith.constant 79 : i32
    %barrier3A_16 = arith.constant 0 : index
    tpu.barrier barrier_id(%barrier3A_16)
    %mul3A_17 = arith.constant 648 : i32
    %mul3A_18 = arith.muli %arg1, %mul3A_17 : i32
    %mul3A_19 = arith.constant 10368 : i32
    %mul3A_20 = arith.muli %arg0, %mul3A_19 : i32
    %mul3A_21 = arith.constant 648 : i32
    %mul3A_22 = arith.muli %arg1, %mul3A_21 : i32
    %add3A = arith.addi %mul3A_20, %mul3A_22 : i32
    "tpu.region"() ({
      %run_scoped3A = tpu.sem_alloc : memref<!tpu.dma_semaphore, #tpu.memory_space<semaphore_mem>>
      %dma_start3A = arith.constant 0 : i32
      %dma_start3A_23 = tpu.memref_slice %arg6[%add3A, %dma_start3A] : memref<20736x128xf32, #tpu.memory_space<hbm>> -> memref<648x128xf32, #tpu.memory_space<hbm>>
      %dma_start3A_24 = arith.constant 0 : i32
      %dma_start3A_25 = tpu.memref_slice %arg12[%mul3A_18, %dma_start3A_24] : memref<10368x128xf32, #tpu.memory_space<vmem_shared>> -> memref<648x128xf32, #tpu.memory_space<vmem_shared>>
      tpu.enqueue_dma source(%dma_start3A_25 : memref<648x128xf32, #tpu.memory_space<vmem_shared>>) target(%dma_start3A_23 : memref<648x128xf32, #tpu.memory_space<hbm>>) target_semaphore(%run_scoped3A : memref<!tpu.dma_semaphore, #tpu.memory_space<semaphore_mem>>)
      %dma_wait3A = arith.constant 0 : i32
      %dma_wait3A_26 = tpu.memref_slice %arg6[%add3A, %dma_wait3A] : memref<20736x128xf32, #tpu.memory_space<hbm>> -> memref<648x128xf32, #tpu.memory_space<hbm>>
      %dma_wait3A_27 = arith.constant 0 : i32
      %dma_wait3A_28 = tpu.memref_slice %arg12[%mul3A_18, %dma_wait3A_27] : memref<10368x128xf32, #tpu.memory_space<vmem_shared>> -> memref<648x128xf32, #tpu.memory_space<vmem_shared>>
      tpu.wait_dma2 semaphore(%run_scoped3A : memref<!tpu.dma_semaphore, #tpu.memory_space<semaphore_mem>>) src(%dma_wait3A_28 : memref<648x128xf32, #tpu.memory_space<vmem_shared>>) dst(%dma_wait3A_26 : memref<648x128xf32, #tpu.memory_space<hbm>>)
      tpu.yield
    }) : () -> ()
    return
  }
}

#map = affine_map<(d0, d1) -> (0)>
#map1 = affine_map<(d0, d1) -> (0, 0)>
module attributes {stable_mosaic.version = 14 : i64} {
  func.func @_deg_body(%arg0: i32, %arg1: i32, %arg2: memref<160000xi32, #tpu.memory_space<hbm>>, %arg3: memref<648x128xf32, #tpu.memory_space<hbm>>, %arg4: memref<128x128xf32, #tpu.memory_space<hbm>>, %arg5: memref<20736x128xf32, #tpu.memory_space<hbm>>, %arg6: memref<5120xi32, #tpu.memory_space<vmem>>, %arg7: memref<128xi32, #tpu.memory_space<vmem>>, %arg8: memref<128x128xf32, #tpu.memory_space<vmem>>, %arg9: memref<10368x128xf32, #tpu.memory_space<vmem_shared>>) attributes {dimension_semantics = [#tpu.dimension_semantics<core_parallel>, #tpu.dimension_semantics<subcore_parallel>], iteration_bounds = array<i64: 2, 16>, scalar_prefetch = 0 : i64, scratch_operands = 4 : i64, tpu.core_type = #tpu.core_type<sc_vector_subcore>, window_params = [{transform_indices = #map}, {transform_indices = #map1}, {transform_indices = #map1}, {transform_indices = #map1}]} {
    %mul3A = arith.constant 648 : i32
    %mul3A_0 = arith.muli %arg1, %mul3A : i32
    "tpu.region"() ({
      %run_scoped3A = tpu.sem_alloc : memref<!tpu.dma_semaphore, #tpu.memory_space<semaphore_mem>>
      %dma_start3A = arith.constant 0 : i32
      %dma_start3A_140 = tpu.memref_slice %arg9[%mul3A_0, %dma_start3A] : memref<10368x128xf32, #tpu.memory_space<vmem_shared>> -> memref<648x128xf32, #tpu.memory_space<vmem_shared>>
      tpu.enqueue_dma source(%arg3 : memref<648x128xf32, #tpu.memory_space<hbm>>) target(%dma_start3A_140 : memref<648x128xf32, #tpu.memory_space<vmem_shared>>) target_semaphore(%run_scoped3A : memref<!tpu.dma_semaphore, #tpu.memory_space<semaphore_mem>>)
      %dma_wait3A = arith.constant 0 : i32
      %dma_wait3A_141 = tpu.memref_slice %arg9[%mul3A_0, %dma_wait3A] : memref<10368x128xf32, #tpu.memory_space<vmem_shared>> -> memref<648x128xf32, #tpu.memory_space<vmem_shared>>
      tpu.wait_dma2 semaphore(%run_scoped3A : memref<!tpu.dma_semaphore, #tpu.memory_space<semaphore_mem>>) src(%arg3 : memref<648x128xf32, #tpu.memory_space<hbm>>) dst(%dma_wait3A_141 : memref<648x128xf32, #tpu.memory_space<vmem_shared>>)
      tpu.yield
    }) : () -> ()
    %mul3A_1 = arith.constant 80000 : i32
    %mul3A_2 = arith.muli %arg0, %mul3A_1 : i32
    %mul3A_3 = arith.constant 5000 : i32
    %mul3A_4 = arith.muli %arg1, %mul3A_3 : i32
    %add3A = arith.addi %mul3A_2, %mul3A_4 : i32
    "tpu.region"() ({
      %run_scoped3A = tpu.sem_alloc : memref<!tpu.dma_semaphore, #tpu.memory_space<semaphore_mem>>
      %dma_start3A = arith.constant 0 : i32
      %dma_start3A_140 = tpu.memref_slice %arg6[%dma_start3A] : memref<5120xi32, #tpu.memory_space<vmem>> -> memref<5000xi32, #tpu.memory_space<vmem>>
      %dma_start3A_141 = tpu.memref_slice %arg2[%add3A] : memref<160000xi32, #tpu.memory_space<hbm>> -> memref<5000xi32, #tpu.memory_space<hbm>>
      %dma_start3A_142 = arith.constant 0 : i32
      %dma_start3A_143 = tpu.memref_slice %arg6[%dma_start3A_142] : memref<5120xi32, #tpu.memory_space<vmem>> -> memref<5000xi32, #tpu.memory_space<vmem>>
      %dma_start3A_144 = tpu.memref_slice %arg2[%add3A] : memref<160000xi32, #tpu.memory_space<hbm>> -> memref<5000xi32, #tpu.memory_space<hbm>>
      tpu.enqueue_dma source(%dma_start3A_144 : memref<5000xi32, #tpu.memory_space<hbm>>) target(%dma_start3A_143 : memref<5000xi32, #tpu.memory_space<vmem>>) target_semaphore(%run_scoped3A : memref<!tpu.dma_semaphore, #tpu.memory_space<semaphore_mem>>)
      %dma_wait3A = arith.constant 0 : i32
      %dma_wait3A_145 = tpu.memref_slice %arg6[%dma_wait3A] : memref<5120xi32, #tpu.memory_space<vmem>> -> memref<5000xi32, #tpu.memory_space<vmem>>
      %dma_wait3A_146 = tpu.memref_slice %arg2[%add3A] : memref<160000xi32, #tpu.memory_space<hbm>> -> memref<5000xi32, #tpu.memory_space<hbm>>
      %dma_wait3A_147 = arith.constant 0 : i32
      %dma_wait3A_148 = tpu.memref_slice %arg6[%dma_wait3A_147] : memref<5120xi32, #tpu.memory_space<vmem>> -> memref<5000xi32, #tpu.memory_space<vmem>>
      %dma_wait3A_149 = tpu.memref_slice %arg2[%add3A] : memref<160000xi32, #tpu.memory_space<hbm>> -> memref<5000xi32, #tpu.memory_space<hbm>>
      tpu.wait_dma2 semaphore(%run_scoped3A : memref<!tpu.dma_semaphore, #tpu.memory_space<semaphore_mem>>) src(%dma_wait3A_149 : memref<5000xi32, #tpu.memory_space<hbm>>) dst(%dma_wait3A_148 : memref<5000xi32, #tpu.memory_space<vmem>>)
      tpu.yield
    }) : () -> ()
    "tpu.region"() ({
      %run_scoped3A = tpu.sem_alloc : memref<!tpu.dma_semaphore, #tpu.memory_space<semaphore_mem>>
      tpu.enqueue_dma source(%arg4 : memref<128x128xf32, #tpu.memory_space<hbm>>) target(%arg8 : memref<128x128xf32, #tpu.memory_space<vmem>>) target_semaphore(%run_scoped3A : memref<!tpu.dma_semaphore, #tpu.memory_space<semaphore_mem>>)
      tpu.wait_dma2 semaphore(%run_scoped3A : memref<!tpu.dma_semaphore, #tpu.memory_space<semaphore_mem>>) src(%arg4 : memref<128x128xf32, #tpu.memory_space<hbm>>) dst(%arg8 : memref<128x128xf32, #tpu.memory_space<vmem>>)
      tpu.yield
    }) : () -> ()
    %barrier3A = arith.constant 0 : index
    tpu.barrier barrier_id(%barrier3A)
    %scan3A = arith.constant 0 : i32
    %scan3A_5 = arith.constant 0 : i32
    %scan3A_6 = arith.constant 39 : i32
    %scan3A_7 = arith.addi %scan3A_5, %scan3A_6 : i32
    %scan3A_8 = arith.constant 1 : i32
    scf.for %scan3A_140 = %scan3A_5 to %scan3A_7 step %scan3A_8  : i32 {
      %mul3A_141 = arith.constant 128 : i32
      %mul3A_142 = arith.muli %scan3A_140, %mul3A_141 : i32
      %add3A_143 = arith.constant 0 : i32
      %add3A_144 = arith.addi %mul3A_142, %add3A_143 : i32
      %get3A_145 = arith.index_cast %add3A_144 : i32 to index
      %get3A_146 = tpu.vector_load %arg6[%get3A_145] {strides = array<i32>} : memref<5120xi32, #tpu.memory_space<vmem>>, vector<16xi32>,
      %get3A_147 = vector.shape_cast %get3A_146 : vector<16xi32> to vector<16xi32>
      %swap3A_148 = arith.constant 0 : index
      %swap3A_149 = tpu.vector_load %arg7[%swap3A_148] {strides = array<i32>} : memref<128xi32, #tpu.memory_space<vmem>>, vector<16xi32>,
      %swap3A_150 = vector.shape_cast %swap3A_149 : vector<16xi32> to vector<16xi32>
      %swap3A_151 = vector.shape_cast %get3A_147 : vector<16xi32> to vector<16xi32>
      tpu.vector_store %arg7[%swap3A_148], %swap3A_151 {strides = array<i32>} : memref<128xi32, #tpu.memory_space<vmem>>, vector<16xi32>,
      %add3A_152 = arith.constant 16 : i32
      %add3A_153 = arith.addi %mul3A_142, %add3A_152 : i32
      %get3A_154 = arith.index_cast %add3A_153 : i32 to index
      %get3A_155 = tpu.vector_load %arg6[%get3A_154] {strides = array<i32>} : memref<5120xi32, #tpu.memory_space<vmem>>, vector<16xi32>,
      %get3A_156 = vector.shape_cast %get3A_155 : vector<16xi32> to vector<16xi32>
      %swap3A_157 = arith.constant 16 : index
      %swap3A_158 = tpu.vector_load %arg7[%swap3A_157] {strides = array<i32>} : memref<128xi32, #tpu.memory_space<vmem>>, vector<16xi32>,
      %swap3A_159 = vector.shape_cast %swap3A_158 : vector<16xi32> to vector<16xi32>
      %swap3A_160 = vector.shape_cast %get3A_156 : vector<16xi32> to vector<16xi32>
      tpu.vector_store %arg7[%swap3A_157], %swap3A_160 {strides = array<i32>} : memref<128xi32, #tpu.memory_space<vmem>>, vector<16xi32>,
      %add3A_161 = arith.constant 32 : i32
      %add3A_162 = arith.addi %mul3A_142, %add3A_161 : i32
      %get3A_163 = arith.index_cast %add3A_162 : i32 to index
      %get3A_164 = tpu.vector_load %arg6[%get3A_163] {strides = array<i32>} : memref<5120xi32, #tpu.memory_space<vmem>>, vector<16xi32>,
      %get3A_165 = vector.shape_cast %get3A_164 : vector<16xi32> to vector<16xi32>
      %swap3A_166 = arith.constant 32 : index
      %swap3A_167 = tpu.vector_load %arg7[%swap3A_166] {strides = array<i32>} : memref<128xi32, #tpu.memory_space<vmem>>, vector<16xi32>,
      %swap3A_168 = vector.shape_cast %swap3A_167 : vector<16xi32> to vector<16xi32>
      %swap3A_169 = vector.shape_cast %get3A_165 : vector<16xi32> to vector<16xi32>
      tpu.vector_store %arg7[%swap3A_166], %swap3A_169 {strides = array<i32>} : memref<128xi32, #tpu.memory_space<vmem>>, vector<16xi32>,
      %add3A_170 = arith.constant 48 : i32
      %add3A_171 = arith.addi %mul3A_142, %add3A_170 : i32
      %get3A_172 = arith.index_cast %add3A_171 : i32 to index
      %get3A_173 = tpu.vector_load %arg6[%get3A_172] {strides = array<i32>} : memref<5120xi32, #tpu.memory_space<vmem>>, vector<16xi32>,
      %get3A_174 = vector.shape_cast %get3A_173 : vector<16xi32> to vector<16xi32>
      %swap3A_175 = arith.constant 48 : index
      %swap3A_176 = tpu.vector_load %arg7[%swap3A_175] {strides = array<i32>} : memref<128xi32, #tpu.memory_space<vmem>>, vector<16xi32>,
      %swap3A_177 = vector.shape_cast %swap3A_176 : vector<16xi32> to vector<16xi32>
      %swap3A_178 = vector.shape_cast %get3A_174 : vector<16xi32> to vector<16xi32>
      tpu.vector_store %arg7[%swap3A_175], %swap3A_178 {strides = array<i32>} : memref<128xi32, #tpu.memory_space<vmem>>, vector<16xi32>,
      %add3A_179 = arith.constant 64 : i32
      %add3A_180 = arith.addi %mul3A_142, %add3A_179 : i32
      %get3A_181 = arith.index_cast %add3A_180 : i32 to index
      %get3A_182 = tpu.vector_load %arg6[%get3A_181] {strides = array<i32>} : memref<5120xi32, #tpu.memory_space<vmem>>, vector<16xi32>,
      %get3A_183 = vector.shape_cast %get3A_182 : vector<16xi32> to vector<16xi32>
      %swap3A_184 = arith.constant 64 : index
      %swap3A_185 = tpu.vector_load %arg7[%swap3A_184] {strides = array<i32>} : memref<128xi32, #tpu.memory_space<vmem>>, vector<16xi32>,
      %swap3A_186 = vector.shape_cast %swap3A_185 : vector<16xi32> to vector<16xi32>
      %swap3A_187 = vector.shape_cast %get3A_183 : vector<16xi32> to vector<16xi32>
      tpu.vector_store %arg7[%swap3A_184], %swap3A_187 {strides = array<i32>} : memref<128xi32, #tpu.memory_space<vmem>>, vector<16xi32>,
      %add3A_188 = arith.constant 80 : i32
      %add3A_189 = arith.addi %mul3A_142, %add3A_188 : i32
      %get3A_190 = arith.index_cast %add3A_189 : i32 to index
      %get3A_191 = tpu.vector_load %arg6[%get3A_190] {strides = array<i32>} : memref<5120xi32, #tpu.memory_space<vmem>>, vector<16xi32>,
      %get3A_192 = vector.shape_cast %get3A_191 : vector<16xi32> to vector<16xi32>
      %swap3A_193 = arith.constant 80 : index
      %swap3A_194 = tpu.vector_load %arg7[%swap3A_193] {strides = array<i32>} : memref<128xi32, #tpu.memory_space<vmem>>, vector<16xi32>,
      %swap3A_195 = vector.shape_cast %swap3A_194 : vector<16xi32> to vector<16xi32>
      %swap3A_196 = vector.shape_cast %get3A_192 : vector<16xi32> to vector<16xi32>
      tpu.vector_store %arg7[%swap3A_193], %swap3A_196 {strides = array<i32>} : memref<128xi32, #tpu.memory_space<vmem>>, vector<16xi32>,
      %add3A_197 = arith.constant 96 : i32
      %add3A_198 = arith.addi %mul3A_142, %add3A_197 : i32
      %get3A_199 = arith.index_cast %add3A_198 : i32 to index
      %get3A_200 = tpu.vector_load %arg6[%get3A_199] {strides = array<i32>} : memref<5120xi32, #tpu.memory_space<vmem>>, vector<16xi32>,
      %get3A_201 = vector.shape_cast %get3A_200 : vector<16xi32> to vector<16xi32>
      %swap3A_202 = arith.constant 96 : index
      %swap3A_203 = tpu.vector_load %arg7[%swap3A_202] {strides = array<i32>} : memref<128xi32, #tpu.memory_space<vmem>>, vector<16xi32>,
      %swap3A_204 = vector.shape_cast %swap3A_203 : vector<16xi32> to vector<16xi32>
      %swap3A_205 = vector.shape_cast %get3A_201 : vector<16xi32> to vector<16xi32>
      tpu.vector_store %arg7[%swap3A_202], %swap3A_205 {strides = array<i32>} : memref<128xi32, #tpu.memory_space<vmem>>, vector<16xi32>,
      %add3A_206 = arith.constant 112 : i32
      %add3A_207 = arith.addi %mul3A_142, %add3A_206 : i32
      %get3A_208 = arith.index_cast %add3A_207 : i32 to index
      %get3A_209 = tpu.vector_load %arg6[%get3A_208] {strides = array<i32>} : memref<5120xi32, #tpu.memory_space<vmem>>, vector<16xi32>,
      %get3A_210 = vector.shape_cast %get3A_209 : vector<16xi32> to vector<16xi32>
      %swap3A_211 = arith.constant 112 : index
      %swap3A_212 = tpu.vector_load %arg7[%swap3A_211] {strides = array<i32>} : memref<128xi32, #tpu.memory_space<vmem>>, vector<16xi32>,
      %swap3A_213 = vector.shape_cast %swap3A_212 : vector<16xi32> to vector<16xi32>
      %swap3A_214 = vector.shape_cast %get3A_210 : vector<16xi32> to vector<16xi32>
      tpu.vector_store %arg7[%swap3A_211], %swap3A_214 {strides = array<i32>} : memref<128xi32, #tpu.memory_space<vmem>>, vector<16xi32>,
      "tpu.region"() ({
        %run_scoped3A = tpu.sem_alloc : memref<!tpu.dma_semaphore, #tpu.memory_space<semaphore_mem>>
        %dma_start3A = arith.constant 0 : i32
        %dma_start3A_215 = arith.constant 0 : i32
        %dma_start3A_216 = tpu.memref_slice %arg9[%dma_start3A, %dma_start3A_215] : memref<10368x128xf32, #tpu.memory_space<vmem_shared>> -> memref<10368x128xf32, #tpu.memory_space<vmem_shared>>
        tpu.enqueue_indirect_dma source(%arg8 : memref<128x128xf32, #tpu.memory_space<vmem>>) target(%dma_start3A_216 : memref<10368x128xf32, #tpu.memory_space<vmem_shared>>) offsets(%arg7 : memref<128xi32, #tpu.memory_space<vmem>>) semaphore(%run_scoped3A : memref<!tpu.dma_semaphore, #tpu.memory_space<semaphore_mem>>) {add = true}
        %dma_wait3A = arith.constant 0 : i32
        %dma_wait3A_217 = arith.constant 0 : i32
        %dma_wait3A_218 = tpu.memref_slice %arg9[%dma_wait3A, %dma_wait3A_217] : memref<10368x128xf32, #tpu.memory_space<vmem_shared>> -> memref<10368x128xf32, #tpu.memory_space<vmem_shared>>
        tpu.wait_indirect_dma semaphore(%run_scoped3A : memref<!tpu.dma_semaphore, #tpu.memory_space<semaphore_mem>>) src(%arg8 : memref<128x128xf32, #tpu.memory_space<vmem>>) dst(%dma_wait3A_218 : memref<10368x128xf32, #tpu.memory_space<vmem_shared>>)
        tpu.yield
      }) : () -> ()
    }
    %scan3A_9 = arith.constant 39 : i32
    %iota3A = tpu.iota {dimensions = array<i32: 0>} : vector<16xi32>
    %get3A = arith.constant 4992 : index
    %get3A_10 = tpu.vector_load %arg6[%get3A] {strides = array<i32>} : memref<5120xi32, #tpu.memory_space<vmem>>, vector<16xi32>,
    %get3A_11 = vector.shape_cast %get3A_10 : vector<16xi32> to vector<16xi32>
    %add3A_12 = arith.constant 4992 : i32
    %add3A_13 = vector.broadcast %add3A_12 : i32 to vector<16xi32>
    %add3A_14 = arith.addi %add3A_13, %iota3A : vector<16xi32>
    %lt3A = arith.constant 5000 : i32
    %lt3A_15 = vector.broadcast %lt3A : i32 to vector<16xi32>
    %lt3A_16 = arith.cmpi slt, %add3A_14, %lt3A_15 : vector<16xi32>
    %jit3A = arith.constant 10000 : i32
    %broadcast_in_dim3A = vector.broadcast %jit3A : i32 to vector<16xi32>
    %select_n3A = arith.select %lt3A_16, %get3A_11, %broadcast_in_dim3A : vector<16xi1>, vector<16xi32>
    %swap3A = arith.constant 0 : index
    %swap3A_17 = tpu.vector_load %arg7[%swap3A] {strides = array<i32>} : memref<128xi32, #tpu.memory_space<vmem>>, vector<16xi32>,
    %swap3A_18 = vector.shape_cast %swap3A_17 : vector<16xi32> to vector<16xi32>
    %swap3A_19 = vector.shape_cast %select_n3A : vector<16xi32> to vector<16xi32>
    tpu.vector_store %arg7[%swap3A], %swap3A_19 {strides = array<i32>} : memref<128xi32, #tpu.memory_space<vmem>>, vector<16xi32>,
    %get3A_20 = arith.constant 5008 : index
    %get3A_21 = tpu.vector_load %arg6[%get3A_20] {strides = array<i32>} : memref<5120xi32, #tpu.memory_space<vmem>>, vector<16xi32>,
    %get3A_22 = vector.shape_cast %get3A_21 : vector<16xi32> to vector<16xi32>
    %add3A_23 = arith.constant 5008 : i32
    %add3A_24 = vector.broadcast %add3A_23 : i32 to vector<16xi32>
    %add3A_25 = arith.addi %add3A_24, %iota3A : vector<16xi32>
    %lt3A_26 = arith.constant 5000 : i32
    %lt3A_27 = vector.broadcast %lt3A_26 : i32 to vector<16xi32>
    %lt3A_28 = arith.cmpi slt, %add3A_25, %lt3A_27 : vector<16xi32>
    %jit3A_29 = arith.constant 10000 : i32
    %broadcast_in_dim3A_30 = vector.broadcast %jit3A_29 : i32 to vector<16xi32>
    %select_n3A_31 = arith.select %lt3A_28, %get3A_22, %broadcast_in_dim3A_30 : vector<16xi1>, vector<16xi32>
    %swap3A_32 = arith.constant 16 : index
    %swap3A_33 = tpu.vector_load %arg7[%swap3A_32] {strides = array<i32>} : memref<128xi32, #tpu.memory_space<vmem>>, vector<16xi32>,
    %swap3A_34 = vector.shape_cast %swap3A_33 : vector<16xi32> to vector<16xi32>
    %swap3A_35 = vector.shape_cast %select_n3A_31 : vector<16xi32> to vector<16xi32>
    tpu.vector_store %arg7[%swap3A_32], %swap3A_35 {strides = array<i32>} : memref<128xi32, #tpu.memory_space<vmem>>, vector<16xi32>,
    %get3A_36 = arith.constant 5024 : index
    %get3A_37 = tpu.vector_load %arg6[%get3A_36] {strides = array<i32>} : memref<5120xi32, #tpu.memory_space<vmem>>, vector<16xi32>,
    %get3A_38 = vector.shape_cast %get3A_37 : vector<16xi32> to vector<16xi32>
    %add3A_39 = arith.constant 5024 : i32
    %add3A_40 = vector.broadcast %add3A_39 : i32 to vector<16xi32>
    %add3A_41 = arith.addi %add3A_40, %iota3A : vector<16xi32>
    %lt3A_42 = arith.constant 5000 : i32
    %lt3A_43 = vector.broadcast %lt3A_42 : i32 to vector<16xi32>
    %lt3A_44 = arith.cmpi slt, %add3A_41, %lt3A_43 : vector<16xi32>
    %jit3A_45 = arith.constant 10000 : i32
    %broadcast_in_dim3A_46 = vector.broadcast %jit3A_45 : i32 to vector<16xi32>
    %select_n3A_47 = arith.select %lt3A_44, %get3A_38, %broadcast_in_dim3A_46 : vector<16xi1>, vector<16xi32>
    %swap3A_48 = arith.constant 32 : index
    %swap3A_49 = tpu.vector_load %arg7[%swap3A_48] {strides = array<i32>} : memref<128xi32, #tpu.memory_space<vmem>>, vector<16xi32>,
    %swap3A_50 = vector.shape_cast %swap3A_49 : vector<16xi32> to vector<16xi32>
    %swap3A_51 = vector.shape_cast %select_n3A_47 : vector<16xi32> to vector<16xi32>
    tpu.vector_store %arg7[%swap3A_48], %swap3A_51 {strides = array<i32>} : memref<128xi32, #tpu.memory_space<vmem>>, vector<16xi32>,
    %get3A_52 = arith.constant 5040 : index
    %get3A_53 = tpu.vector_load %arg6[%get3A_52] {strides = array<i32>} : memref<5120xi32, #tpu.memory_space<vmem>>, vector<16xi32>,
    %get3A_54 = vector.shape_cast %get3A_53 : vector<16xi32> to vector<16xi32>
    %add3A_55 = arith.constant 5040 : i32
    %add3A_56 = vector.broadcast %add3A_55 : i32 to vector<16xi32>
    %add3A_57 = arith.addi %add3A_56, %iota3A : vector<16xi32>
    %lt3A_58 = arith.constant 5000 : i32
    %lt3A_59 = vector.broadcast %lt3A_58 : i32 to vector<16xi32>
    %lt3A_60 = arith.cmpi slt, %add3A_57, %lt3A_59 : vector<16xi32>
    %jit3A_61 = arith.constant 10000 : i32
    %broadcast_in_dim3A_62 = vector.broadcast %jit3A_61 : i32 to vector<16xi32>
    %select_n3A_63 = arith.select %lt3A_60, %get3A_54, %broadcast_in_dim3A_62 : vector<16xi1>, vector<16xi32>
    %swap3A_64 = arith.constant 48 : index
    %swap3A_65 = tpu.vector_load %arg7[%swap3A_64] {strides = array<i32>} : memref<128xi32, #tpu.memory_space<vmem>>, vector<16xi32>,
    %swap3A_66 = vector.shape_cast %swap3A_65 : vector<16xi32> to vector<16xi32>
    %swap3A_67 = vector.shape_cast %select_n3A_63 : vector<16xi32> to vector<16xi32>
    tpu.vector_store %arg7[%swap3A_64], %swap3A_67 {strides = array<i32>} : memref<128xi32, #tpu.memory_space<vmem>>, vector<16xi32>,
    %get3A_68 = arith.constant 5056 : index
    %get3A_69 = tpu.vector_load %arg6[%get3A_68] {strides = array<i32>} : memref<5120xi32, #tpu.memory_space<vmem>>, vector<16xi32>,
    %get3A_70 = vector.shape_cast %get3A_69 : vector<16xi32> to vector<16xi32>
    %add3A_71 = arith.constant 5056 : i32
    %add3A_72 = vector.broadcast %add3A_71 : i32 to vector<16xi32>
    %add3A_73 = arith.addi %add3A_72, %iota3A : vector<16xi32>
    %lt3A_74 = arith.constant 5000 : i32
    %lt3A_75 = vector.broadcast %lt3A_74 : i32 to vector<16xi32>
    %lt3A_76 = arith.cmpi slt, %add3A_73, %lt3A_75 : vector<16xi32>
    %jit3A_77 = arith.constant 10000 : i32
    %broadcast_in_dim3A_78 = vector.broadcast %jit3A_77 : i32 to vector<16xi32>
    %select_n3A_79 = arith.select %lt3A_76, %get3A_70, %broadcast_in_dim3A_78 : vector<16xi1>, vector<16xi32>
    %swap3A_80 = arith.constant 64 : index
    %swap3A_81 = tpu.vector_load %arg7[%swap3A_80] {strides = array<i32>} : memref<128xi32, #tpu.memory_space<vmem>>, vector<16xi32>,
    %swap3A_82 = vector.shape_cast %swap3A_81 : vector<16xi32> to vector<16xi32>
    %swap3A_83 = vector.shape_cast %select_n3A_79 : vector<16xi32> to vector<16xi32>
    tpu.vector_store %arg7[%swap3A_80], %swap3A_83 {strides = array<i32>} : memref<128xi32, #tpu.memory_space<vmem>>, vector<16xi32>,
    %get3A_84 = arith.constant 5072 : index
    %get3A_85 = tpu.vector_load %arg6[%get3A_84] {strides = array<i32>} : memref<5120xi32, #tpu.memory_space<vmem>>, vector<16xi32>,
    %get3A_86 = vector.shape_cast %get3A_85 : vector<16xi32> to vector<16xi32>
    %add3A_87 = arith.constant 5072 : i32
    %add3A_88 = vector.broadcast %add3A_87 : i32 to vector<16xi32>
    %add3A_89 = arith.addi %add3A_88, %iota3A : vector<16xi32>
    %lt3A_90 = arith.constant 5000 : i32
    %lt3A_91 = vector.broadcast %lt3A_90 : i32 to vector<16xi32>
    %lt3A_92 = arith.cmpi slt, %add3A_89, %lt3A_91 : vector<16xi32>
    %jit3A_93 = arith.constant 10000 : i32
    %broadcast_in_dim3A_94 = vector.broadcast %jit3A_93 : i32 to vector<16xi32>
    %select_n3A_95 = arith.select %lt3A_92, %get3A_86, %broadcast_in_dim3A_94 : vector<16xi1>, vector<16xi32>
    %swap3A_96 = arith.constant 80 : index
    %swap3A_97 = tpu.vector_load %arg7[%swap3A_96] {strides = array<i32>} : memref<128xi32, #tpu.memory_space<vmem>>, vector<16xi32>,
    %swap3A_98 = vector.shape_cast %swap3A_97 : vector<16xi32> to vector<16xi32>
    %swap3A_99 = vector.shape_cast %select_n3A_95 : vector<16xi32> to vector<16xi32>
    tpu.vector_store %arg7[%swap3A_96], %swap3A_99 {strides = array<i32>} : memref<128xi32, #tpu.memory_space<vmem>>, vector<16xi32>,
    %get3A_100 = arith.constant 5088 : index
    %get3A_101 = tpu.vector_load %arg6[%get3A_100] {strides = array<i32>} : memref<5120xi32, #tpu.memory_space<vmem>>, vector<16xi32>,
    %get3A_102 = vector.shape_cast %get3A_101 : vector<16xi32> to vector<16xi32>
    %add3A_103 = arith.constant 5088 : i32
    %add3A_104 = vector.broadcast %add3A_103 : i32 to vector<16xi32>
    %add3A_105 = arith.addi %add3A_104, %iota3A : vector<16xi32>
    %lt3A_106 = arith.constant 5000 : i32
    %lt3A_107 = vector.broadcast %lt3A_106 : i32 to vector<16xi32>
    %lt3A_108 = arith.cmpi slt, %add3A_105, %lt3A_107 : vector<16xi32>
    %jit3A_109 = arith.constant 10000 : i32
    %broadcast_in_dim3A_110 = vector.broadcast %jit3A_109 : i32 to vector<16xi32>
    %select_n3A_111 = arith.select %lt3A_108, %get3A_102, %broadcast_in_dim3A_110 : vector<16xi1>, vector<16xi32>
    %swap3A_112 = arith.constant 96 : index
    %swap3A_113 = tpu.vector_load %arg7[%swap3A_112] {strides = array<i32>} : memref<128xi32, #tpu.memory_space<vmem>>, vector<16xi32>,
    %swap3A_114 = vector.shape_cast %swap3A_113 : vector<16xi32> to vector<16xi32>
    %swap3A_115 = vector.shape_cast %select_n3A_111 : vector<16xi32> to vector<16xi32>
    tpu.vector_store %arg7[%swap3A_112], %swap3A_115 {strides = array<i32>} : memref<128xi32, #tpu.memory_space<vmem>>, vector<16xi32>,
    %get3A_116 = arith.constant 5104 : index
    %get3A_117 = tpu.vector_load %arg6[%get3A_116] {strides = array<i32>} : memref<5120xi32, #tpu.memory_space<vmem>>, vector<16xi32>,
    %get3A_118 = vector.shape_cast %get3A_117 : vector<16xi32> to vector<16xi32>
    %add3A_119 = arith.constant 5104 : i32
    %add3A_120 = vector.broadcast %add3A_119 : i32 to vector<16xi32>
    %add3A_121 = arith.addi %add3A_120, %iota3A : vector<16xi32>
    %lt3A_122 = arith.constant 5000 : i32
    %lt3A_123 = vector.broadcast %lt3A_122 : i32 to vector<16xi32>
    %lt3A_124 = arith.cmpi slt, %add3A_121, %lt3A_123 : vector<16xi32>
    %jit3A_125 = arith.constant 10000 : i32
    %broadcast_in_dim3A_126 = vector.broadcast %jit3A_125 : i32 to vector<16xi32>
    %select_n3A_127 = arith.select %lt3A_124, %get3A_118, %broadcast_in_dim3A_126 : vector<16xi1>, vector<16xi32>
    %swap3A_128 = arith.constant 112 : index
    %swap3A_129 = tpu.vector_load %arg7[%swap3A_128] {strides = array<i32>} : memref<128xi32, #tpu.memory_space<vmem>>, vector<16xi32>,
    %swap3A_130 = vector.shape_cast %swap3A_129 : vector<16xi32> to vector<16xi32>
    %swap3A_131 = vector.shape_cast %select_n3A_127 : vector<16xi32> to vector<16xi32>
    tpu.vector_store %arg7[%swap3A_128], %swap3A_131 {strides = array<i32>} : memref<128xi32, #tpu.memory_space<vmem>>, vector<16xi32>,
    "tpu.region"() ({
      %run_scoped3A = tpu.sem_alloc : memref<!tpu.dma_semaphore, #tpu.memory_space<semaphore_mem>>
      %dma_start3A = arith.constant 0 : i32
      %dma_start3A_140 = arith.constant 0 : i32
      %dma_start3A_141 = tpu.memref_slice %arg9[%dma_start3A, %dma_start3A_140] : memref<10368x128xf32, #tpu.memory_space<vmem_shared>> -> memref<10368x128xf32, #tpu.memory_space<vmem_shared>>
      tpu.enqueue_indirect_dma source(%arg8 : memref<128x128xf32, #tpu.memory_space<vmem>>) target(%dma_start3A_141 : memref<10368x128xf32, #tpu.memory_space<vmem_shared>>) offsets(%arg7 : memref<128xi32, #tpu.memory_space<vmem>>) semaphore(%run_scoped3A : memref<!tpu.dma_semaphore, #tpu.memory_space<semaphore_mem>>) {add = true}
      %dma_wait3A = arith.constant 0 : i32
      %dma_wait3A_142 = arith.constant 0 : i32
      %dma_wait3A_143 = tpu.memref_slice %arg9[%dma_wait3A, %dma_wait3A_142] : memref<10368x128xf32, #tpu.memory_space<vmem_shared>> -> memref<10368x128xf32, #tpu.memory_space<vmem_shared>>
      tpu.wait_indirect_dma semaphore(%run_scoped3A : memref<!tpu.dma_semaphore, #tpu.memory_space<semaphore_mem>>) src(%arg8 : memref<128x128xf32, #tpu.memory_space<vmem>>) dst(%dma_wait3A_143 : memref<10368x128xf32, #tpu.memory_space<vmem_shared>>)
      tpu.yield
    }) : () -> ()
    %barrier3A_132 = arith.constant 0 : index
    tpu.barrier barrier_id(%barrier3A_132)
    %mul3A_133 = arith.constant 648 : i32
    %mul3A_134 = arith.muli %arg1, %mul3A_133 : i32
    %mul3A_135 = arith.constant 10368 : i32
    %mul3A_136 = arith.muli %arg0, %mul3A_135 : i32
    %mul3A_137 = arith.constant 648 : i32
    %mul3A_138 = arith.muli %arg1, %mul3A_137 : i32
    %add3A_139 = arith.addi %mul3A_136, %mul3A_138 : i32
    "tpu.region"() ({
      %run_scoped3A = tpu.sem_alloc : memref<!tpu.dma_semaphore, #tpu.memory_space<semaphore_mem>>
      %dma_start3A = arith.constant 0 : i32
      %dma_start3A_140 = tpu.memref_slice %arg5[%add3A_139, %dma_start3A] : memref<20736x128xf32, #tpu.memory_space<hbm>> -> memref<648x128xf32, #tpu.memory_space<hbm>>
      %dma_start3A_141 = arith.constant 0 : i32
      %dma_start3A_142 = tpu.memref_slice %arg9[%mul3A_134, %dma_start3A_141] : memref<10368x128xf32, #tpu.memory_space<vmem_shared>> -> memref<648x128xf32, #tpu.memory_space<vmem_shared>>
      tpu.enqueue_dma source(%dma_start3A_142 : memref<648x128xf32, #tpu.memory_space<vmem_shared>>) target(%dma_start3A_140 : memref<648x128xf32, #tpu.memory_space<hbm>>) target_semaphore(%run_scoped3A : memref<!tpu.dma_semaphore, #tpu.memory_space<semaphore_mem>>)
      %dma_wait3A = arith.constant 0 : i32
      %dma_wait3A_143 = tpu.memref_slice %arg5[%add3A_139, %dma_wait3A] : memref<20736x128xf32, #tpu.memory_space<hbm>> -> memref<648x128xf32, #tpu.memory_space<hbm>>
      %dma_wait3A_144 = arith.constant 0 : i32
      %dma_wait3A_145 = tpu.memref_slice %arg9[%mul3A_134, %dma_wait3A_144] : memref<10368x128xf32, #tpu.memory_space<vmem_shared>> -> memref<648x128xf32, #tpu.memory_space<vmem_shared>>
      tpu.wait_dma2 semaphore(%run_scoped3A : memref<!tpu.dma_semaphore, #tpu.memory_space<semaphore_mem>>) src(%dma_wait3A_145 : memref<648x128xf32, #tpu.memory_space<vmem_shared>>) dst(%dma_wait3A_143 : memref<648x128xf32, #tpu.memory_space<hbm>>)
      tpu.yield
    }) : () -> ()
    return
  }
}

#map = affine_map<(d0, d1) -> (0, 0)>
#map1 = affine_map<(d0, d1) -> (0)>
module attributes {stable_mosaic.version = 14 : i64} {
  func.func @_agg_body(%arg0: i32, %arg1: i32, %arg2: memref<20000x128xf32, #tpu.memory_space<hbm>>, %arg3: memref<161792xi32, #tpu.memory_space<hbm>>, %arg4: memref<161792xi32, #tpu.memory_space<hbm>>, %arg5: memref<648x128xf32, #tpu.memory_space<hbm>>, %arg6: memref<20736x128xf32, #tpu.memory_space<hbm>>, %arg7: memref<10112xi32, #tpu.memory_space<vmem>>, %arg8: memref<10112xi32, #tpu.memory_space<vmem>>, %arg9: memref<128xi32, #tpu.memory_space<vmem>>, %arg10: memref<128xi32, #tpu.memory_space<vmem>>, %arg11: memref<128x128xf32, #tpu.memory_space<vmem>>, %arg12: memref<10368x128xf32, #tpu.memory_space<vmem_shared>>) attributes {dimension_semantics = [#tpu.dimension_semantics<core_parallel>, #tpu.dimension_semantics<subcore_parallel>], iteration_bounds = array<i64: 2, 16>, scalar_prefetch = 0 : i64, scratch_operands = 6 : i64, tpu.core_type = #tpu.core_type<sc_vector_subcore>, window_params = [{transform_indices = #map}, {transform_indices = #map1}, {transform_indices = #map1}, {transform_indices = #map}, {transform_indices = #map}]} {
    %mul3A = arith.constant 648 : i32
    %mul3A_0 = arith.muli %arg1, %mul3A : i32
    "tpu.region"() ({
      %run_scoped3A = tpu.sem_alloc : memref<!tpu.dma_semaphore, #tpu.memory_space<semaphore_mem>>
      %dma_start3A = arith.constant 0 : i32
      %dma_start3A_23 = tpu.memref_slice %arg12[%mul3A_0, %dma_start3A] : memref<10368x128xf32, #tpu.memory_space<vmem_shared>> -> memref<648x128xf32, #tpu.memory_space<vmem_shared>>
      tpu.enqueue_dma source(%arg5 : memref<648x128xf32, #tpu.memory_space<hbm>>) target(%dma_start3A_23 : memref<648x128xf32, #tpu.memory_space<vmem_shared>>) target_semaphore(%run_scoped3A : memref<!tpu.dma_semaphore, #tpu.memory_space<semaphore_mem>>)
      %dma_wait3A = arith.constant 0 : i32
      %dma_wait3A_24 = tpu.memref_slice %arg12[%mul3A_0, %dma_wait3A] : memref<10368x128xf32, #tpu.memory_space<vmem_shared>> -> memref<648x128xf32, #tpu.memory_space<vmem_shared>>
      tpu.wait_dma2 semaphore(%run_scoped3A : memref<!tpu.dma_semaphore, #tpu.memory_space<semaphore_mem>>) src(%arg5 : memref<648x128xf32, #tpu.memory_space<hbm>>) dst(%dma_wait3A_24 : memref<648x128xf32, #tpu.memory_space<vmem_shared>>)
      tpu.yield
    }) : () -> ()
    %mul3A_1 = arith.constant 10112 : i32
    %mul3A_2 = arith.muli %arg1, %mul3A_1 : i32
    "tpu.region"() ({
      %run_scoped3A = tpu.sem_alloc : memref<!tpu.dma_semaphore, #tpu.memory_space<semaphore_mem>>
      %dma_start3A = tpu.memref_slice %arg3[%mul3A_2] : memref<161792xi32, #tpu.memory_space<hbm>> -> memref<10112xi32, #tpu.memory_space<hbm>>
      %dma_start3A_23 = tpu.memref_slice %arg3[%mul3A_2] : memref<161792xi32, #tpu.memory_space<hbm>> -> memref<10112xi32, #tpu.memory_space<hbm>>
      tpu.enqueue_dma source(%dma_start3A_23 : memref<10112xi32, #tpu.memory_space<hbm>>) target(%arg7 : memref<10112xi32, #tpu.memory_space<vmem>>) target_semaphore(%run_scoped3A : memref<!tpu.dma_semaphore, #tpu.memory_space<semaphore_mem>>)
      %dma_wait3A = tpu.memref_slice %arg3[%mul3A_2] : memref<161792xi32, #tpu.memory_space<hbm>> -> memref<10112xi32, #tpu.memory_space<hbm>>
      %dma_wait3A_24 = tpu.memref_slice %arg3[%mul3A_2] : memref<161792xi32, #tpu.memory_space<hbm>> -> memref<10112xi32, #tpu.memory_space<hbm>>
      tpu.wait_dma2 semaphore(%run_scoped3A : memref<!tpu.dma_semaphore, #tpu.memory_space<semaphore_mem>>) src(%dma_wait3A_24 : memref<10112xi32, #tpu.memory_space<hbm>>) dst(%arg7 : memref<10112xi32, #tpu.memory_space<vmem>>)
      tpu.yield
    }) : () -> ()
    "tpu.region"() ({
      %run_scoped3A = tpu.sem_alloc : memref<!tpu.dma_semaphore, #tpu.memory_space<semaphore_mem>>
      %dma_start3A = tpu.memref_slice %arg4[%mul3A_2] : memref<161792xi32, #tpu.memory_space<hbm>> -> memref<10112xi32, #tpu.memory_space<hbm>>
      %dma_start3A_23 = tpu.memref_slice %arg4[%mul3A_2] : memref<161792xi32, #tpu.memory_space<hbm>> -> memref<10112xi32, #tpu.memory_space<hbm>>
      tpu.enqueue_dma source(%dma_start3A_23 : memref<10112xi32, #tpu.memory_space<hbm>>) target(%arg8 : memref<10112xi32, #tpu.memory_space<vmem>>) target_semaphore(%run_scoped3A : memref<!tpu.dma_semaphore, #tpu.memory_space<semaphore_mem>>)
      %dma_wait3A = tpu.memref_slice %arg4[%mul3A_2] : memref<161792xi32, #tpu.memory_space<hbm>> -> memref<10112xi32, #tpu.memory_space<hbm>>
      %dma_wait3A_24 = tpu.memref_slice %arg4[%mul3A_2] : memref<161792xi32, #tpu.memory_space<hbm>> -> memref<10112xi32, #tpu.memory_space<hbm>>
      tpu.wait_dma2 semaphore(%run_scoped3A : memref<!tpu.dma_semaphore, #tpu.memory_space<semaphore_mem>>) src(%dma_wait3A_24 : memref<10112xi32, #tpu.memory_space<hbm>>) dst(%arg8 : memref<10112xi32, #tpu.memory_space<vmem>>)
      tpu.yield
    }) : () -> ()
    %mul3A_3 = arith.constant 10000 : i32
    %mul3A_4 = arith.muli %arg0, %mul3A_3 : i32
    %scan3A = arith.constant 0 : i32
    %scan3A_5 = arith.constant 0 : i32
    %scan3A_6 = arith.constant 632 : i32
    %scan3A_7 = arith.addi %scan3A_5, %scan3A_6 : i32
    %scan3A_8 = arith.constant 1 : i32
    scf.for %scan3A_23 = %scan3A_5 to %scan3A_7 step %scan3A_8  : i32 {
      %mul3A_24 = arith.constant 16 : i32
      %mul3A_25 = arith.muli %scan3A_23, %mul3A_24 : i32
      %get3A = arith.index_cast %mul3A_25 : i32 to index
      %get3A_26 = tpu.vector_load %arg7[%get3A] {strides = array<i32>} : memref<10112xi32, #tpu.memory_space<vmem>>, vector<16xi32>,
      %get3A_27 = vector.shape_cast %get3A_26 : vector<16xi32> to vector<16xi32>
      %add3A_28 = vector.broadcast %mul3A_4 : i32 to vector<16xi32>
      %add3A_29 = arith.addi %get3A_27, %add3A_28 : vector<16xi32>
      %swap3A = arith.index_cast %mul3A_25 : i32 to index
      %swap3A_30 = tpu.vector_load %arg7[%swap3A] {strides = array<i32>} : memref<10112xi32, #tpu.memory_space<vmem>>, vector<16xi32>,
      %swap3A_31 = vector.shape_cast %swap3A_30 : vector<16xi32> to vector<16xi32>
      %swap3A_32 = vector.shape_cast %add3A_29 : vector<16xi32> to vector<16xi32>
      tpu.vector_store %arg7[%swap3A], %swap3A_32 {strides = array<i32>} : memref<10112xi32, #tpu.memory_space<vmem>>, vector<16xi32>,
    }
    %scan3A_9 = arith.constant 632 : i32
    %barrier3A = arith.constant 0 : index
    tpu.barrier barrier_id(%barrier3A)
    %scan3A_10 = arith.constant 0 : i32
    %scan3A_11 = arith.constant 0 : i32
    %scan3A_12 = arith.constant 79 : i32
    %scan3A_13 = arith.addi %scan3A_11, %scan3A_12 : i32
    %scan3A_14 = arith.constant 1 : i32
    scf.for %scan3A_23 = %scan3A_11 to %scan3A_13 step %scan3A_14  : i32 {
      %mul3A_24 = arith.constant 128 : i32
      %mul3A_25 = arith.muli %scan3A_23, %mul3A_24 : i32
      %add3A_26 = arith.constant 0 : i32
      %add3A_27 = arith.addi %mul3A_25, %add3A_26 : i32
      %get3A = arith.index_cast %add3A_27 : i32 to index
      %get3A_28 = tpu.vector_load %arg7[%get3A] {strides = array<i32>} : memref<10112xi32, #tpu.memory_space<vmem>>, vector<16xi32>,
      %get3A_29 = vector.shape_cast %get3A_28 : vector<16xi32> to vector<16xi32>
      %swap3A = arith.constant 0 : index
      %swap3A_30 = tpu.vector_load %arg9[%swap3A] {strides = array<i32>} : memref<128xi32, #tpu.memory_space<vmem>>, vector<16xi32>,
      %swap3A_31 = vector.shape_cast %swap3A_30 : vector<16xi32> to vector<16xi32>
      %swap3A_32 = vector.shape_cast %get3A_29 : vector<16xi32> to vector<16xi32>
      tpu.vector_store %arg9[%swap3A], %swap3A_32 {strides = array<i32>} : memref<128xi32, #tpu.memory_space<vmem>>, vector<16xi32>,
      %add3A_33 = arith.constant 0 : i32
      %add3A_34 = arith.addi %mul3A_25, %add3A_33 : i32
      %get3A_35 = arith.index_cast %add3A_34 : i32 to index
      %get3A_36 = tpu.vector_load %arg8[%get3A_35] {strides = array<i32>} : memref<10112xi32, #tpu.memory_space<vmem>>, vector<16xi32>,
      %get3A_37 = vector.shape_cast %get3A_36 : vector<16xi32> to vector<16xi32>
      %swap3A_38 = arith.constant 0 : index
      %swap3A_39 = tpu.vector_load %arg10[%swap3A_38] {strides = array<i32>} : memref<128xi32, #tpu.memory_space<vmem>>, vector<16xi32>,
      %swap3A_40 = vector.shape_cast %swap3A_39 : vector<16xi32> to vector<16xi32>
      %swap3A_41 = vector.shape_cast %get3A_37 : vector<16xi32> to vector<16xi32>
      tpu.vector_store %arg10[%swap3A_38], %swap3A_41 {strides = array<i32>} : memref<128xi32, #tpu.memory_space<vmem>>, vector<16xi32>,
      %add3A_42 = arith.constant 16 : i32
      %add3A_43 = arith.addi %mul3A_25, %add3A_42 : i32
      %get3A_44 = arith.index_cast %add3A_43 : i32 to index
      %get3A_45 = tpu.vector_load %arg7[%get3A_44] {strides = array<i32>} : memref<10112xi32, #tpu.memory_space<vmem>>, vector<16xi32>,
      %get3A_46 = vector.shape_cast %get3A_45 : vector<16xi32> to vector<16xi32>
      %swap3A_47 = arith.constant 16 : index
      %swap3A_48 = tpu.vector_load %arg9[%swap3A_47] {strides = array<i32>} : memref<128xi32, #tpu.memory_space<vmem>>, vector<16xi32>,
      %swap3A_49 = vector.shape_cast %swap3A_48 : vector<16xi32> to vector<16xi32>
      %swap3A_50 = vector.shape_cast %get3A_46 : vector<16xi32> to vector<16xi32>
      tpu.vector_store %arg9[%swap3A_47], %swap3A_50 {strides = array<i32>} : memref<128xi32, #tpu.memory_space<vmem>>, vector<16xi32>,
      %add3A_51 = arith.constant 16 : i32
      %add3A_52 = arith.addi %mul3A_25, %add3A_51 : i32
      %get3A_53 = arith.index_cast %add3A_52 : i32 to index
      %get3A_54 = tpu.vector_load %arg8[%get3A_53] {strides = array<i32>} : memref<10112xi32, #tpu.memory_space<vmem>>, vector<16xi32>,
      %get3A_55 = vector.shape_cast %get3A_54 : vector<16xi32> to vector<16xi32>
      %swap3A_56 = arith.constant 16 : index
      %swap3A_57 = tpu.vector_load %arg10[%swap3A_56] {strides = array<i32>} : memref<128xi32, #tpu.memory_space<vmem>>, vector<16xi32>,
      %swap3A_58 = vector.shape_cast %swap3A_57 : vector<16xi32> to vector<16xi32>
      %swap3A_59 = vector.shape_cast %get3A_55 : vector<16xi32> to vector<16xi32>
      tpu.vector_store %arg10[%swap3A_56], %swap3A_59 {strides = array<i32>} : memref<128xi32, #tpu.memory_space<vmem>>, vector<16xi32>,
      %add3A_60 = arith.constant 32 : i32
      %add3A_61 = arith.addi %mul3A_25, %add3A_60 : i32
      %get3A_62 = arith.index_cast %add3A_61 : i32 to index
      %get3A_63 = tpu.vector_load %arg7[%get3A_62] {strides = array<i32>} : memref<10112xi32, #tpu.memory_space<vmem>>, vector<16xi32>,
      %get3A_64 = vector.shape_cast %get3A_63 : vector<16xi32> to vector<16xi32>
      %swap3A_65 = arith.constant 32 : index
      %swap3A_66 = tpu.vector_load %arg9[%swap3A_65] {strides = array<i32>} : memref<128xi32, #tpu.memory_space<vmem>>, vector<16xi32>,
      %swap3A_67 = vector.shape_cast %swap3A_66 : vector<16xi32> to vector<16xi32>
      %swap3A_68 = vector.shape_cast %get3A_64 : vector<16xi32> to vector<16xi32>
      tpu.vector_store %arg9[%swap3A_65], %swap3A_68 {strides = array<i32>} : memref<128xi32, #tpu.memory_space<vmem>>, vector<16xi32>,
      %add3A_69 = arith.constant 32 : i32
      %add3A_70 = arith.addi %mul3A_25, %add3A_69 : i32
      %get3A_71 = arith.index_cast %add3A_70 : i32 to index
      %get3A_72 = tpu.vector_load %arg8[%get3A_71] {strides = array<i32>} : memref<10112xi32, #tpu.memory_space<vmem>>, vector<16xi32>,
      %get3A_73 = vector.shape_cast %get3A_72 : vector<16xi32> to vector<16xi32>
      %swap3A_74 = arith.constant 32 : index
      %swap3A_75 = tpu.vector_load %arg10[%swap3A_74] {strides = array<i32>} : memref<128xi32, #tpu.memory_space<vmem>>, vector<16xi32>,
      %swap3A_76 = vector.shape_cast %swap3A_75 : vector<16xi32> to vector<16xi32>
      %swap3A_77 = vector.shape_cast %get3A_73 : vector<16xi32> to vector<16xi32>
      tpu.vector_store %arg10[%swap3A_74], %swap3A_77 {strides = array<i32>} : memref<128xi32, #tpu.memory_space<vmem>>, vector<16xi32>,
      %add3A_78 = arith.constant 48 : i32
      %add3A_79 = arith.addi %mul3A_25, %add3A_78 : i32
      %get3A_80 = arith.index_cast %add3A_79 : i32 to index
      %get3A_81 = tpu.vector_load %arg7[%get3A_80] {strides = array<i32>} : memref<10112xi32, #tpu.memory_space<vmem>>, vector<16xi32>,
      %get3A_82 = vector.shape_cast %get3A_81 : vector<16xi32> to vector<16xi32>
      %swap3A_83 = arith.constant 48 : index
      %swap3A_84 = tpu.vector_load %arg9[%swap3A_83] {strides = array<i32>} : memref<128xi32, #tpu.memory_space<vmem>>, vector<16xi32>,
      %swap3A_85 = vector.shape_cast %swap3A_84 : vector<16xi32> to vector<16xi32>
      %swap3A_86 = vector.shape_cast %get3A_82 : vector<16xi32> to vector<16xi32>
      tpu.vector_store %arg9[%swap3A_83], %swap3A_86 {strides = array<i32>} : memref<128xi32, #tpu.memory_space<vmem>>, vector<16xi32>,
      %add3A_87 = arith.constant 48 : i32
      %add3A_88 = arith.addi %mul3A_25, %add3A_87 : i32
      %get3A_89 = arith.index_cast %add3A_88 : i32 to index
      %get3A_90 = tpu.vector_load %arg8[%get3A_89] {strides = array<i32>} : memref<10112xi32, #tpu.memory_space<vmem>>, vector<16xi32>,
      %get3A_91 = vector.shape_cast %get3A_90 : vector<16xi32> to vector<16xi32>
      %swap3A_92 = arith.constant 48 : index
      %swap3A_93 = tpu.vector_load %arg10[%swap3A_92] {strides = array<i32>} : memref<128xi32, #tpu.memory_space<vmem>>, vector<16xi32>,
      %swap3A_94 = vector.shape_cast %swap3A_93 : vector<16xi32> to vector<16xi32>
      %swap3A_95 = vector.shape_cast %get3A_91 : vector<16xi32> to vector<16xi32>
      tpu.vector_store %arg10[%swap3A_92], %swap3A_95 {strides = array<i32>} : memref<128xi32, #tpu.memory_space<vmem>>, vector<16xi32>,
      %add3A_96 = arith.constant 64 : i32
      %add3A_97 = arith.addi %mul3A_25, %add3A_96 : i32
      %get3A_98 = arith.index_cast %add3A_97 : i32 to index
      %get3A_99 = tpu.vector_load %arg7[%get3A_98] {strides = array<i32>} : memref<10112xi32, #tpu.memory_space<vmem>>, vector<16xi32>,
      %get3A_100 = vector.shape_cast %get3A_99 : vector<16xi32> to vector<16xi32>
      %swap3A_101 = arith.constant 64 : index
      %swap3A_102 = tpu.vector_load %arg9[%swap3A_101] {strides = array<i32>} : memref<128xi32, #tpu.memory_space<vmem>>, vector<16xi32>,
      %swap3A_103 = vector.shape_cast %swap3A_102 : vector<16xi32> to vector<16xi32>
      %swap3A_104 = vector.shape_cast %get3A_100 : vector<16xi32> to vector<16xi32>
      tpu.vector_store %arg9[%swap3A_101], %swap3A_104 {strides = array<i32>} : memref<128xi32, #tpu.memory_space<vmem>>, vector<16xi32>,
      %add3A_105 = arith.constant 64 : i32
      %add3A_106 = arith.addi %mul3A_25, %add3A_105 : i32
      %get3A_107 = arith.index_cast %add3A_106 : i32 to index
      %get3A_108 = tpu.vector_load %arg8[%get3A_107] {strides = array<i32>} : memref<10112xi32, #tpu.memory_space<vmem>>, vector<16xi32>,
      %get3A_109 = vector.shape_cast %get3A_108 : vector<16xi32> to vector<16xi32>
      %swap3A_110 = arith.constant 64 : index
      %swap3A_111 = tpu.vector_load %arg10[%swap3A_110] {strides = array<i32>} : memref<128xi32, #tpu.memory_space<vmem>>, vector<16xi32>,
      %swap3A_112 = vector.shape_cast %swap3A_111 : vector<16xi32> to vector<16xi32>
      %swap3A_113 = vector.shape_cast %get3A_109 : vector<16xi32> to vector<16xi32>
      tpu.vector_store %arg10[%swap3A_110], %swap3A_113 {strides = array<i32>} : memref<128xi32, #tpu.memory_space<vmem>>, vector<16xi32>,
      %add3A_114 = arith.constant 80 : i32
      %add3A_115 = arith.addi %mul3A_25, %add3A_114 : i32
      %get3A_116 = arith.index_cast %add3A_115 : i32 to index
      %get3A_117 = tpu.vector_load %arg7[%get3A_116] {strides = array<i32>} : memref<10112xi32, #tpu.memory_space<vmem>>, vector<16xi32>,
      %get3A_118 = vector.shape_cast %get3A_117 : vector<16xi32> to vector<16xi32>
      %swap3A_119 = arith.constant 80 : index
      %swap3A_120 = tpu.vector_load %arg9[%swap3A_119] {strides = array<i32>} : memref<128xi32, #tpu.memory_space<vmem>>, vector<16xi32>,
      %swap3A_121 = vector.shape_cast %swap3A_120 : vector<16xi32> to vector<16xi32>
      %swap3A_122 = vector.shape_cast %get3A_118 : vector<16xi32> to vector<16xi32>
      tpu.vector_store %arg9[%swap3A_119], %swap3A_122 {strides = array<i32>} : memref<128xi32, #tpu.memory_space<vmem>>, vector<16xi32>,
      %add3A_123 = arith.constant 80 : i32
      %add3A_124 = arith.addi %mul3A_25, %add3A_123 : i32
      %get3A_125 = arith.index_cast %add3A_124 : i32 to index
      %get3A_126 = tpu.vector_load %arg8[%get3A_125] {strides = array<i32>} : memref<10112xi32, #tpu.memory_space<vmem>>, vector<16xi32>,
      %get3A_127 = vector.shape_cast %get3A_126 : vector<16xi32> to vector<16xi32>
      %swap3A_128 = arith.constant 80 : index
      %swap3A_129 = tpu.vector_load %arg10[%swap3A_128] {strides = array<i32>} : memref<128xi32, #tpu.memory_space<vmem>>, vector<16xi32>,
      %swap3A_130 = vector.shape_cast %swap3A_129 : vector<16xi32> to vector<16xi32>
      %swap3A_131 = vector.shape_cast %get3A_127 : vector<16xi32> to vector<16xi32>
      tpu.vector_store %arg10[%swap3A_128], %swap3A_131 {strides = array<i32>} : memref<128xi32, #tpu.memory_space<vmem>>, vector<16xi32>,
      %add3A_132 = arith.constant 96 : i32
      %add3A_133 = arith.addi %mul3A_25, %add3A_132 : i32
      %get3A_134 = arith.index_cast %add3A_133 : i32 to index
      %get3A_135 = tpu.vector_load %arg7[%get3A_134] {strides = array<i32>} : memref<10112xi32, #tpu.memory_space<vmem>>, vector<16xi32>,
      %get3A_136 = vector.shape_cast %get3A_135 : vector<16xi32> to vector<16xi32>
      %swap3A_137 = arith.constant 96 : index
      %swap3A_138 = tpu.vector_load %arg9[%swap3A_137] {strides = array<i32>} : memref<128xi32, #tpu.memory_space<vmem>>, vector<16xi32>,
      %swap3A_139 = vector.shape_cast %swap3A_138 : vector<16xi32> to vector<16xi32>
      %swap3A_140 = vector.shape_cast %get3A_136 : vector<16xi32> to vector<16xi32>
      tpu.vector_store %arg9[%swap3A_137], %swap3A_140 {strides = array<i32>} : memref<128xi32, #tpu.memory_space<vmem>>, vector<16xi32>,
      %add3A_141 = arith.constant 96 : i32
      %add3A_142 = arith.addi %mul3A_25, %add3A_141 : i32
      %get3A_143 = arith.index_cast %add3A_142 : i32 to index
      %get3A_144 = tpu.vector_load %arg8[%get3A_143] {strides = array<i32>} : memref<10112xi32, #tpu.memory_space<vmem>>, vector<16xi32>,
      %get3A_145 = vector.shape_cast %get3A_144 : vector<16xi32> to vector<16xi32>
      %swap3A_146 = arith.constant 96 : index
      %swap3A_147 = tpu.vector_load %arg10[%swap3A_146] {strides = array<i32>} : memref<128xi32, #tpu.memory_space<vmem>>, vector<16xi32>,
      %swap3A_148 = vector.shape_cast %swap3A_147 : vector<16xi32> to vector<16xi32>
      %swap3A_149 = vector.shape_cast %get3A_145 : vector<16xi32> to vector<16xi32>
      tpu.vector_store %arg10[%swap3A_146], %swap3A_149 {strides = array<i32>} : memref<128xi32, #tpu.memory_space<vmem>>, vector<16xi32>,
      %add3A_150 = arith.constant 112 : i32
      %add3A_151 = arith.addi %mul3A_25, %add3A_150 : i32
      %get3A_152 = arith.index_cast %add3A_151 : i32 to index
      %get3A_153 = tpu.vector_load %arg7[%get3A_152] {strides = array<i32>} : memref<10112xi32, #tpu.memory_space<vmem>>, vector<16xi32>,
      %get3A_154 = vector.shape_cast %get3A_153 : vector<16xi32> to vector<16xi32>
      %swap3A_155 = arith.constant 112 : index
      %swap3A_156 = tpu.vector_load %arg9[%swap3A_155] {strides = array<i32>} : memref<128xi32, #tpu.memory_space<vmem>>, vector<16xi32>,
      %swap3A_157 = vector.shape_cast %swap3A_156 : vector<16xi32> to vector<16xi32>
      %swap3A_158 = vector.shape_cast %get3A_154 : vector<16xi32> to vector<16xi32>
      tpu.vector_store %arg9[%swap3A_155], %swap3A_158 {strides = array<i32>} : memref<128xi32, #tpu.memory_space<vmem>>, vector<16xi32>,
      %add3A_159 = arith.constant 112 : i32
      %add3A_160 = arith.addi %mul3A_25, %add3A_159 : i32
      %get3A_161 = arith.index_cast %add3A_160 : i32 to index
      %get3A_162 = tpu.vector_load %arg8[%get3A_161] {strides = array<i32>} : memref<10112xi32, #tpu.memory_space<vmem>>, vector<16xi32>,
      %get3A_163 = vector.shape_cast %get3A_162 : vector<16xi32> to vector<16xi32>
      %swap3A_164 = arith.constant 112 : index
      %swap3A_165 = tpu.vector_load %arg10[%swap3A_164] {strides = array<i32>} : memref<128xi32, #tpu.memory_space<vmem>>, vector<16xi32>,
      %swap3A_166 = vector.shape_cast %swap3A_165 : vector<16xi32> to vector<16xi32>
      %swap3A_167 = vector.shape_cast %get3A_163 : vector<16xi32> to vector<16xi32>
      tpu.vector_store %arg10[%swap3A_164], %swap3A_167 {strides = array<i32>} : memref<128xi32, #tpu.memory_space<vmem>>, vector<16xi32>,
      "tpu.region"() ({
        %run_scoped3A = tpu.sem_alloc : memref<!tpu.dma_semaphore, #tpu.memory_space<semaphore_mem>>
        %dma_start3A = arith.constant 0 : i32
        %dma_start3A_168 = arith.constant 0 : i32
        %dma_start3A_169 = tpu.memref_slice %arg2[%dma_start3A, %dma_start3A_168] : memref<20000x128xf32, #tpu.memory_space<hbm>> -> memref<20000x128xf32, #tpu.memory_space<hbm>>
        tpu.enqueue_indirect_dma source(%dma_start3A_169 : memref<20000x128xf32, #tpu.memory_space<hbm>>) target(%arg11 : memref<128x128xf32, #tpu.memory_space<vmem>>) offsets(%arg9 : memref<128xi32, #tpu.memory_space<vmem>>) semaphore(%run_scoped3A : memref<!tpu.dma_semaphore, #tpu.memory_space<semaphore_mem>>)
        %dma_wait3A = arith.constant 0 : i32
        %dma_wait3A_170 = arith.constant 0 : i32
        %dma_wait3A_171 = tpu.memref_slice %arg2[%dma_wait3A, %dma_wait3A_170] : memref<20000x128xf32, #tpu.memory_space<hbm>> -> memref<20000x128xf32, #tpu.memory_space<hbm>>
        tpu.wait_indirect_dma semaphore(%run_scoped3A : memref<!tpu.dma_semaphore, #tpu.memory_space<semaphore_mem>>) src(%dma_wait3A_171 : memref<20000x128xf32, #tpu.memory_space<hbm>>) dst(%arg11 : memref<128x128xf32, #tpu.memory_space<vmem>>)
        tpu.yield
      }) : () -> ()
      "tpu.region"() ({
        %run_scoped3A = tpu.sem_alloc : memref<!tpu.dma_semaphore, #tpu.memory_space<semaphore_mem>>
        %dma_start3A = arith.constant 0 : i32
        %dma_start3A_168 = arith.constant 0 : i32
        %dma_start3A_169 = tpu.memref_slice %arg12[%dma_start3A, %dma_start3A_168] : memref<10368x128xf32, #tpu.memory_space<vmem_shared>> -> memref<10368x128xf32, #tpu.memory_space<vmem_shared>>
        tpu.enqueue_indirect_dma source(%arg11 : memref<128x128xf32, #tpu.memory_space<vmem>>) target(%dma_start3A_169 : memref<10368x128xf32, #tpu.memory_space<vmem_shared>>) offsets(%arg10 : memref<128xi32, #tpu.memory_space<vmem>>) semaphore(%run_scoped3A : memref<!tpu.dma_semaphore, #tpu.memory_space<semaphore_mem>>) {add = true}
        %dma_wait3A = arith.constant 0 : i32
        %dma_wait3A_170 = arith.constant 0 : i32
        %dma_wait3A_171 = tpu.memref_slice %arg12[%dma_wait3A, %dma_wait3A_170] : memref<10368x128xf32, #tpu.memory_space<vmem_shared>> -> memref<10368x128xf32, #tpu.memory_space<vmem_shared>>
        tpu.wait_indirect_dma semaphore(%run_scoped3A : memref<!tpu.dma_semaphore, #tpu.memory_space<semaphore_mem>>) src(%arg11 : memref<128x128xf32, #tpu.memory_space<vmem>>) dst(%dma_wait3A_171 : memref<10368x128xf32, #tpu.memory_space<vmem_shared>>)
        tpu.yield
      }) : () -> ()
    }
    %scan3A_15 = arith.constant 79 : i32
    %barrier3A_16 = arith.constant 0 : index
    tpu.barrier barrier_id(%barrier3A_16)
    %mul3A_17 = arith.constant 648 : i32
    %mul3A_18 = arith.muli %arg1, %mul3A_17 : i32
    %mul3A_19 = arith.constant 10368 : i32
    %mul3A_20 = arith.muli %arg0, %mul3A_19 : i32
    %mul3A_21 = arith.constant 648 : i32
    %mul3A_22 = arith.muli %arg1, %mul3A_21 : i32
    %add3A = arith.addi %mul3A_20, %mul3A_22 : i32
    "tpu.region"() ({
      %run_scoped3A = tpu.sem_alloc : memref<!tpu.dma_semaphore, #tpu.memory_space<semaphore_mem>>
      %dma_start3A = arith.constant 0 : i32
      %dma_start3A_23 = tpu.memref_slice %arg6[%add3A, %dma_start3A] : memref<20736x128xf32, #tpu.memory_space<hbm>> -> memref<648x128xf32, #tpu.memory_space<hbm>>
      %dma_start3A_24 = arith.constant 0 : i32
      %dma_start3A_25 = tpu.memref_slice %arg12[%mul3A_18, %dma_start3A_24] : memref<10368x128xf32, #tpu.memory_space<vmem_shared>> -> memref<648x128xf32, #tpu.memory_space<vmem_shared>>
      tpu.enqueue_dma source(%dma_start3A_25 : memref<648x128xf32, #tpu.memory_space<vmem_shared>>) target(%dma_start3A_23 : memref<648x128xf32, #tpu.memory_space<hbm>>) target_semaphore(%run_scoped3A : memref<!tpu.dma_semaphore, #tpu.memory_space<semaphore_mem>>)
      %dma_wait3A = arith.constant 0 : i32
      %dma_wait3A_26 = tpu.memref_slice %arg6[%add3A, %dma_wait3A] : memref<20736x128xf32, #tpu.memory_space<hbm>> -> memref<648x128xf32, #tpu.memory_space<hbm>>
      %dma_wait3A_27 = arith.constant 0 : i32
      %dma_wait3A_28 = tpu.memref_slice %arg12[%mul3A_18, %dma_wait3A_27] : memref<10368x128xf32, #tpu.memory_space<vmem_shared>> -> memref<648x128xf32, #tpu.memory_space<vmem_shared>>
      tpu.wait_dma2 semaphore(%run_scoped3A : memref<!tpu.dma_semaphore, #tpu.memory_space<semaphore_mem>>) src(%dma_wait3A_28 : memref<648x128xf32, #tpu.memory_space<vmem_shared>>) dst(%dma_wait3A_26 : memref<648x128xf32, #tpu.memory_space<hbm>>)
      tpu.yield
    }) : () -> ()
    return
  }
}

module attributes {stable_mosaic.version = 14 : i64} {
  func.func @_xrs_body(%arg0: i32, %arg1: memref<1000x256xf32, #tpu.memory_space<vmem>>, %arg2: memref<256x512xf32, #tpu.memory_space<vmem>>, %arg3: memref<1x512xf32, #tpu.memory_space<vmem>>, %arg4: memref<1000x512xf32, #tpu.memory_space<vmem>>) attributes {dimension_semantics = [#tpu.dimension_semantics<arbitrary>], iteration_bounds = array<i64: 10>, scalar_prefetch = 0 : i64, scratch_operands = 0 : i64, tpu.core_type = #tpu.core_type<tc>, window_params = [{transform_indices = @transform_0, window_bounds = array<i64: 1000, 256>}, {pipeline_mode = #tpu.pipeline_mode<synchronous>, transform_indices = @transform_1, window_bounds = array<i64: 256, 512>}, {pipeline_mode = #tpu.pipeline_mode<synchronous>, transform_indices = @transform_2, window_bounds = array<i64: 1, 512>}, {transform_indices = @transform_3, window_bounds = array<i64: 1000, 512>}]} {
    %get3A = arith.constant 0 : index
    %get3A_0 = arith.constant 0 : index
    %get3A_1 = vector.load %arg1[%get3A, %get3A_0] : memref<1000x256xf32, #tpu.memory_space<vmem>>, vector<1000x256xf32>
    %get3A_2 = arith.constant 0 : index
    %get3A_3 = arith.constant 0 : index
    %get3A_4 = vector.load %arg2[%get3A_2, %get3A_3] : memref<256x512xf32, #tpu.memory_space<vmem>>, vector<256x512xf32>
    %dot_general3A = arith.constant dense<0.000000e+00> : vector<1000x512xf32>
    %dot_general3A_5 = tpu.matmul %get3A_1, %get3A_4, %dot_general3A {dimension_numbers = #tpu.dot_dimension_numbers<[1], [0], [0], [1], [0, 0, 1, 1], [], []>, transpose_lhs_hint = false} : vector<1000x256xf32>, vector<256x512xf32>, vector<1000x512xf32> -> vector<1000x512xf32>
    %get3A_6 = arith.constant 0 : index
    %get3A_7 = arith.constant 0 : index
    %get3A_8 = vector.load %arg3[%get3A_6, %get3A_7] : memref<1x512xf32, #tpu.memory_space<vmem>>, vector<1x512xf32>
    %add3A = vector.broadcast %get3A_8 : vector<1x512xf32> to vector<1000x512xf32>
    %add3A_9 = arith.addf %dot_general3A_5, %add3A : vector<1000x512xf32>
    %swap3A = arith.constant 0 : index
    %swap3A_10 = arith.constant 0 : index
    %swap3A_11 = vector.load %arg4[%swap3A, %swap3A_10] : memref<1000x512xf32, #tpu.memory_space<vmem>>, vector<1000x512xf32>
    tpu.vector_store %arg4[%swap3A, %swap3A_10], %add3A_9 {strides = array<i32>} : memref<1000x512xf32, #tpu.memory_space<vmem>>, vector<1000x512xf32>,
    return
  }
  func.func @transform_0(%arg0: i32) -> (i32, i32) {
    %c0_i32 = arith.constant 0 : i32
    %c0_i32_0 = arith.constant 0 : i32
    return %arg0, %c0_i32 : i32, i32
  }
  func.func @transform_1(%arg0: i32) -> (i32, i32) {
    %c0_i32 = arith.constant 0 : i32
    %c0_i32_0 = arith.constant 0 : i32
    %c0_i32_1 = arith.constant 0 : i32
    return %c0_i32, %c0_i32_0 : i32, i32
  }
  func.func @transform_2(%arg0: i32) -> (i32, i32) {
    %c0_i32 = arith.constant 0 : i32
    %c0_i32_0 = arith.constant 0 : i32
    %c0_i32_1 = arith.constant 0 : i32
    return %c0_i32, %c0_i32_0 : i32, i32
  }
  func.func @transform_3(%arg0: i32) -> (i32, i32) {
    %c0_i32 = arith.constant 0 : i32
    %c0_i32_0 = arith.constant 0 : i32
    return %arg0, %c0_i32 : i32, i32
  }
}

module attributes {stable_mosaic.version = 14 : i64} {
  func.func @_h_body(%arg0: i32, %arg1: memref<1000x128xf32, #tpu.memory_space<vmem>>, %arg2: memref<1000x128xf32, #tpu.memory_space<vmem>>, %arg3: memref<1000x16xf32, #tpu.memory_space<vmem>>, %arg4: memref<1000x16xf32, #tpu.memory_space<vmem>>, %arg5: memref<256x256xf32, #tpu.memory_space<vmem>>, %arg6: memref<1000x256xf32, #tpu.memory_space<vmem>>, %arg7: memref<1000x256xf32, #tpu.memory_space<vmem>>, %arg8: memref<2x256xf32, #tpu.memory_space<vmem>>) attributes {dimension_semantics = [#tpu.dimension_semantics<arbitrary>], iteration_bounds = array<i64: 10>, scalar_prefetch = 0 : i64, scratch_operands = 0 : i64, tpu.core_type = #tpu.core_type<tc>, window_params = [{transform_indices = @transform_0, window_bounds = array<i64: 1000, 128>}, {transform_indices = @transform_1, window_bounds = array<i64: 1000, 128>}, {transform_indices = @transform_2, window_bounds = array<i64: 1000, 16>}, {transform_indices = @transform_3, window_bounds = array<i64: 1000, 16>}, {pipeline_mode = #tpu.pipeline_mode<synchronous>, transform_indices = @transform_4, window_bounds = array<i64: 256, 256>}, {transform_indices = @transform_5, window_bounds = array<i64: 1000, 256>}, {transform_indices = @transform_6, window_bounds = array<i64: 1000, 256>}, {pipeline_mode = #tpu.pipeline_mode<synchronous>, transform_indices = @transform_7, window_bounds = array<i64: 2, 256>}]} {
    %get3A = arith.constant 0 : index
    %get3A_0 = arith.constant 0 : index
    %get3A_1 = vector.load %arg3[%get3A, %get3A_0] : memref<1000x16xf32, #tpu.memory_space<vmem>>, vector<1000x1xf32>
    %get3A_2 = arith.constant 0 : index
    %get3A_3 = arith.constant 0 : index
    %get3A_4 = vector.load %arg4[%get3A_2, %get3A_3] : memref<1000x16xf32, #tpu.memory_space<vmem>>, vector<1000x1xf32>
    %add3A = arith.addf %get3A_1, %get3A_4 : vector<1000x1xf32>
    %max3A = arith.constant 1.000000e+00 : f32
    %max3A_5 = vector.broadcast %max3A : f32 to vector<1000x1xf32>
    %max3A_6 = arith.maximumf %add3A, %max3A_5 : vector<1000x1xf32>
    %div3A = arith.constant 1.000000e+00 : f32
    %div3A_7 = vector.broadcast %div3A : f32 to vector<1000x1xf32>
    %div3A_8 = arith.divf %div3A_7, %max3A_6 : vector<1000x1xf32>
    %get3A_9 = arith.constant 0 : index
    %get3A_10 = arith.constant 0 : index
    %get3A_11 = vector.load %arg1[%get3A_9, %get3A_10] : memref<1000x128xf32, #tpu.memory_space<vmem>>, vector<1000x128xf32>
    %mul3A = vector.broadcast %div3A_8 : vector<1000x1xf32> to vector<1000x128xf32>
    %mul3A_12 = arith.mulf %get3A_11, %mul3A : vector<1000x128xf32>
    %get3A_13 = arith.constant 0 : index
    %get3A_14 = arith.constant 0 : index
    %get3A_15 = vector.load %arg5[%get3A_13, %get3A_14] : memref<256x256xf32, #tpu.memory_space<vmem>>, vector<128x256xf32>
    %dot_general3A = arith.constant dense<0.000000e+00> : vector<1000x256xf32>
    %dot_general3A_16 = tpu.matmul %mul3A_12, %get3A_15, %dot_general3A {dimension_numbers = #tpu.dot_dimension_numbers<[1], [0], [0], [1], [0, 0, 1, 1], [], []>, transpose_lhs_hint = false} : vector<1000x128xf32>, vector<128x256xf32>, vector<1000x256xf32> -> vector<1000x256xf32>
    %get3A_17 = arith.constant 0 : index
    %get3A_18 = arith.constant 0 : index
    %get3A_19 = vector.load %arg2[%get3A_17, %get3A_18] : memref<1000x128xf32, #tpu.memory_space<vmem>>, vector<1000x128xf32>
    %mul3A_20 = vector.broadcast %div3A_8 : vector<1000x1xf32> to vector<1000x128xf32>
    %mul3A_21 = arith.mulf %get3A_19, %mul3A_20 : vector<1000x128xf32>
    %get3A_22 = arith.constant 128 : index
    %get3A_23 = arith.constant 0 : index
    %get3A_24 = vector.load %arg5[%get3A_22, %get3A_23] : memref<256x256xf32, #tpu.memory_space<vmem>>, vector<128x256xf32>
    %dot_general3A_25 = arith.constant dense<0.000000e+00> : vector<1000x256xf32>
    %dot_general3A_26 = tpu.matmul %mul3A_21, %get3A_24, %dot_general3A_25 {dimension_numbers = #tpu.dot_dimension_numbers<[1], [0], [0], [1], [0, 0, 1, 1], [], []>, transpose_lhs_hint = false} : vector<1000x128xf32>, vector<128x256xf32>, vector<1000x256xf32> -> vector<1000x256xf32>
    %add3A_27 = arith.addf %dot_general3A_16, %dot_general3A_26 : vector<1000x256xf32>
    %get3A_28 = arith.constant 0 : index
    %get3A_29 = arith.constant 0 : index
    %get3A_30 = vector.load %arg6[%get3A_28, %get3A_29] : memref<1000x256xf32, #tpu.memory_space<vmem>>, vector<1000x256xf32>
    %add3A_31 = arith.addf %add3A_27, %get3A_30 : vector<1000x256xf32>
    %swap3A = arith.constant 0 : index
    %swap3A_32 = arith.constant 0 : index
    %swap3A_33 = vector.load %arg7[%swap3A, %swap3A_32] : memref<1000x256xf32, #tpu.memory_space<vmem>>, vector<1000x256xf32>
    tpu.vector_store %arg7[%swap3A, %swap3A_32], %add3A_31 {strides = array<i32>} : memref<1000x256xf32, #tpu.memory_space<vmem>>, vector<1000x256xf32>,
    %reduce_sum3A = arith.constant dense<0.000000e+00> : vector<256xf32>
    %reduce_sum3A_34 = vector.multi_reduction <add>, %add3A_31, %reduce_sum3A [0] : vector<1000x256xf32> to vector<256xf32>
    %broadcast_in_dim3A = vector.shape_cast %reduce_sum3A_34 : vector<256xf32> to vector<1x256xf32>
    %mul3A_35 = arith.mulf %add3A_31, %add3A_31 : vector<1000x256xf32>
    %reduce_sum3A_36 = arith.constant dense<0.000000e+00> : vector<256xf32>
    %reduce_sum3A_37 = vector.multi_reduction <add>, %mul3A_35, %reduce_sum3A_36 [0] : vector<1000x256xf32> to vector<256xf32>
    %broadcast_in_dim3A_38 = vector.shape_cast %reduce_sum3A_37 : vector<256xf32> to vector<1x256xf32>
    %concatenate3A = tpu.concatenate %broadcast_in_dim3A, %broadcast_in_dim3A_38 in 0 : vector<1x256xf32>, vector<1x256xf32> -> vector<2x256xf32>
    %eq3A = arith.constant 0 : i32
    %eq3A_39 = arith.cmpi eq, %arg0, %eq3A : i32
    %convert_element_type3A = arith.extui %eq3A_39 : i1 to i32
    %cond3A = arith.constant 0 : i32
    %cond3A_40 = arith.cmpi ne, %convert_element_type3A, %cond3A : i32
    scf.if %cond3A_40 {
      %swap3A_45 = arith.constant 0 : index
      %swap3A_46 = arith.constant 0 : index
      %swap3A_47 = vector.load %arg8[%swap3A_45, %swap3A_46] : memref<2x256xf32, #tpu.memory_space<vmem>>, vector<2x256xf32>
      tpu.vector_store %arg8[%swap3A_45, %swap3A_46], %concatenate3A {strides = array<i32>} : memref<2x256xf32, #tpu.memory_space<vmem>>, vector<2x256xf32>,
    } else {
    }
    %ne3A = arith.constant 0 : i32
    %ne3A_41 = arith.cmpi ne, %arg0, %ne3A : i32
    %convert_element_type3A_42 = arith.extui %ne3A_41 : i1 to i32
    %cond3A_43 = arith.constant 0 : i32
    %cond3A_44 = arith.cmpi ne, %convert_element_type3A_42, %cond3A_43 : i32
    scf.if %cond3A_44 {
      %get3A_45 = arith.constant 0 : index
      %get3A_46 = arith.constant 0 : index
      %get3A_47 = vector.load %arg8[%get3A_45, %get3A_46] : memref<2x256xf32, #tpu.memory_space<vmem>>, vector<2x256xf32>
      %add3A_48 = arith.addf %get3A_47, %concatenate3A : vector<2x256xf32>
      %swap3A_49 = arith.constant 0 : index
      %swap3A_50 = arith.constant 0 : index
      %swap3A_51 = vector.load %arg8[%swap3A_49, %swap3A_50] : memref<2x256xf32, #tpu.memory_space<vmem>>, vector<2x256xf32>
      tpu.vector_store %arg8[%swap3A_49, %swap3A_50], %add3A_48 {strides = array<i32>} : memref<2x256xf32, #tpu.memory_space<vmem>>, vector<2x256xf32>,
    } else {
    }
    return
  }
  func.func @transform_0(%arg0: i32) -> (i32, i32) {
    %c0_i32 = arith.constant 0 : i32
    %c0_i32_0 = arith.constant 0 : i32
    return %arg0, %c0_i32 : i32, i32
  }
  func.func @transform_1(%arg0: i32) -> (i32, i32) {
    %c0_i32 = arith.constant 0 : i32
    %c0_i32_0 = arith.constant 0 : i32
    return %arg0, %c0_i32 : i32, i32
  }
  func.func @transform_2(%arg0: i32) -> (i32, i32) {
    %c0_i32 = arith.constant 0 : i32
    %c0_i32_0 = arith.constant 0 : i32
    return %arg0, %c0_i32 : i32, i32
  }
  func.func @transform_3(%arg0: i32) -> (i32, i32) {
    %c0_i32 = arith.constant 0 : i32
    %c0_i32_0 = arith.constant 0 : i32
    return %arg0, %c0_i32 : i32, i32
  }
  func.func @transform_4(%arg0: i32) -> (i32, i32) {
    %c0_i32 = arith.constant 0 : i32
    %c0_i32_0 = arith.constant 0 : i32
    %c0_i32_1 = arith.constant 0 : i32
    return %c0_i32, %c0_i32_0 : i32, i32
  }
  func.func @transform_5(%arg0: i32) -> (i32, i32) {
    %c0_i32 = arith.constant 0 : i32
    %c0_i32_0 = arith.constant 0 : i32
    return %arg0, %c0_i32 : i32, i32
  }
  func.func @transform_6(%arg0: i32) -> (i32, i32) {
    %c0_i32 = arith.constant 0 : i32
    %c0_i32_0 = arith.constant 0 : i32
    return %arg0, %c0_i32 : i32, i32
  }
  func.func @transform_7(%arg0: i32) -> (i32, i32) {
    %c0_i32 = arith.constant 0 : i32
    %c0_i32_0 = arith.constant 0 : i32
    %c0_i32_1 = arith.constant 0 : i32
    return %c0_i32, %c0_i32_0 : i32, i32
  }
}

module attributes {stable_mosaic.version = 14 : i64} {
  func.func @_bn_body(%arg0: i32, %arg1: memref<1000x256xf32, #tpu.memory_space<vmem>>, %arg2: memref<2x256xf32, #tpu.memory_space<vmem>>, %arg3: memref<1000x256xf32, #tpu.memory_space<vmem>>, %arg4: memref<2x256xf32, #tpu.memory_space<vmem>>, %arg5: memref<1000x256xf32, #tpu.memory_space<vmem>>) attributes {dimension_semantics = [#tpu.dimension_semantics<arbitrary>], iteration_bounds = array<i64: 10>, scalar_prefetch = 0 : i64, scratch_operands = 0 : i64, tpu.core_type = #tpu.core_type<tc>, window_params = [{transform_indices = @transform_0, window_bounds = array<i64: 1000, 256>}, {pipeline_mode = #tpu.pipeline_mode<synchronous>, transform_indices = @transform_1, window_bounds = array<i64: 2, 256>}, {transform_indices = @transform_2, window_bounds = array<i64: 1000, 256>}, {pipeline_mode = #tpu.pipeline_mode<synchronous>, transform_indices = @transform_3, window_bounds = array<i64: 2, 256>}, {transform_indices = @transform_4, window_bounds = array<i64: 1000, 256>}]} {
    %get3A = arith.constant 0 : index
    %get3A_0 = arith.constant 0 : index
    %get3A_1 = vector.load %arg2[%get3A, %get3A_0] : memref<2x256xf32, #tpu.memory_space<vmem>>, vector<1x256xf32>
    %mul3A = arith.constant 9.99999974E-5 : f32
    %mul3A_2 = vector.broadcast %mul3A : f32 to vector<1x256xf32>
    %mul3A_3 = arith.mulf %get3A_1, %mul3A_2 : vector<1x256xf32>
    %get3A_4 = arith.constant 1 : index
    %get3A_5 = arith.constant 0 : index
    %get3A_6 = vector.load %arg2[%get3A_4, %get3A_5] : memref<2x256xf32, #tpu.memory_space<vmem>>, vector<1x256xf32>
    %mul3A_7 = arith.constant 9.99999974E-5 : f32
    %mul3A_8 = vector.broadcast %mul3A_7 : f32 to vector<1x256xf32>
    %mul3A_9 = arith.mulf %get3A_6, %mul3A_8 : vector<1x256xf32>
    %mul3A_10 = arith.mulf %mul3A_3, %mul3A_3 : vector<1x256xf32>
    %sub3A = arith.subf %mul3A_9, %mul3A_10 : vector<1x256xf32>
    %add3A = arith.constant 9.99999974E-6 : f32
    %add3A_11 = vector.broadcast %add3A : f32 to vector<1x256xf32>
    %add3A_12 = arith.addf %sub3A, %add3A_11 : vector<1x256xf32>
    %rsqrt3A = math.rsqrt %add3A_12 : vector<1x256xf32>
    %get3A_13 = arith.constant 0 : index
    %get3A_14 = arith.constant 0 : index
    %get3A_15 = vector.load %arg1[%get3A_13, %get3A_14] : memref<1000x256xf32, #tpu.memory_space<vmem>>, vector<1000x256xf32>
    %sub3A_16 = vector.broadcast %mul3A_3 : vector<1x256xf32> to vector<1000x256xf32>
    %sub3A_17 = arith.subf %get3A_15, %sub3A_16 : vector<1000x256xf32>
    %get3A_18 = arith.constant 0 : index
    %get3A_19 = arith.constant 0 : index
    %get3A_20 = vector.load %arg4[%get3A_18, %get3A_19] : memref<2x256xf32, #tpu.memory_space<vmem>>, vector<1x256xf32>
    %mul3A_21 = arith.mulf %rsqrt3A, %get3A_20 : vector<1x256xf32>
    %mul3A_22 = vector.broadcast %mul3A_21 : vector<1x256xf32> to vector<1000x256xf32>
    %mul3A_23 = arith.mulf %sub3A_17, %mul3A_22 : vector<1000x256xf32>
    %get3A_24 = arith.constant 1 : index
    %get3A_25 = arith.constant 0 : index
    %get3A_26 = vector.load %arg4[%get3A_24, %get3A_25] : memref<2x256xf32, #tpu.memory_space<vmem>>, vector<1x256xf32>
    %add3A_27 = vector.broadcast %get3A_26 : vector<1x256xf32> to vector<1000x256xf32>
    %add3A_28 = arith.addf %mul3A_23, %add3A_27 : vector<1000x256xf32>
    %max3A = arith.constant 0.000000e+00 : f32
    %max3A_29 = vector.broadcast %max3A : f32 to vector<1000x256xf32>
    %max3A_30 = arith.maximumf %add3A_28, %max3A_29 : vector<1000x256xf32>
    %get3A_31 = arith.constant 0 : index
    %get3A_32 = arith.constant 0 : index
    %get3A_33 = vector.load %arg3[%get3A_31, %get3A_32] : memref<1000x256xf32, #tpu.memory_space<vmem>>, vector<1000x256xf32>
    %add3A_34 = arith.addf %max3A_30, %get3A_33 : vector<1000x256xf32>
    %swap3A = arith.constant 0 : index
    %swap3A_35 = arith.constant 0 : index
    %swap3A_36 = vector.load %arg5[%swap3A, %swap3A_35] : memref<1000x256xf32, #tpu.memory_space<vmem>>, vector<1000x256xf32>
    tpu.vector_store %arg5[%swap3A, %swap3A_35], %add3A_34 {strides = array<i32>} : memref<1000x256xf32, #tpu.memory_space<vmem>>, vector<1000x256xf32>,
    return
  }
  func.func @transform_0(%arg0: i32) -> (i32, i32) {
    %c0_i32 = arith.constant 0 : i32
    %c0_i32_0 = arith.constant 0 : i32
    return %arg0, %c0_i32 : i32, i32
  }
  func.func @transform_1(%arg0: i32) -> (i32, i32) {
    %c0_i32 = arith.constant 0 : i32
    %c0_i32_0 = arith.constant 0 : i32
    %c0_i32_1 = arith.constant 0 : i32
    return %c0_i32, %c0_i32_0 : i32, i32
  }
  func.func @transform_2(%arg0: i32) -> (i32, i32) {
    %c1_i32 = arith.constant 1 : i32
    %c0_i32 = arith.constant 0 : i32
    return %arg0, %c1_i32 : i32, i32
  }
  func.func @transform_3(%arg0: i32) -> (i32, i32) {
    %c0_i32 = arith.constant 0 : i32
    %c0_i32_0 = arith.constant 0 : i32
    %c0_i32_1 = arith.constant 0 : i32
    return %c0_i32, %c0_i32_0 : i32, i32
  }
  func.func @transform_4(%arg0: i32) -> (i32, i32) {
    %c0_i32 = arith.constant 0 : i32
    %c0_i32_0 = arith.constant 0 : i32
    return %arg0, %c0_i32 : i32, i32
  }
}

module attributes {stable_mosaic.version = 14 : i64} {
  func.func @_bn_body(%arg0: i32, %arg1: memref<1000x256xf32, #tpu.memory_space<vmem>>, %arg2: memref<2x256xf32, #tpu.memory_space<vmem>>, %arg3: memref<1000x256xf32, #tpu.memory_space<vmem>>, %arg4: memref<2x256xf32, #tpu.memory_space<vmem>>, %arg5: memref<1000x256xf32, #tpu.memory_space<vmem>>) attributes {dimension_semantics = [#tpu.dimension_semantics<arbitrary>], iteration_bounds = array<i64: 10>, scalar_prefetch = 0 : i64, scratch_operands = 0 : i64, tpu.core_type = #tpu.core_type<tc>, window_params = [{transform_indices = @transform_0, window_bounds = array<i64: 1000, 256>}, {pipeline_mode = #tpu.pipeline_mode<synchronous>, transform_indices = @transform_1, window_bounds = array<i64: 2, 256>}, {transform_indices = @transform_2, window_bounds = array<i64: 1000, 256>}, {pipeline_mode = #tpu.pipeline_mode<synchronous>, transform_indices = @transform_3, window_bounds = array<i64: 2, 256>}, {transform_indices = @transform_4, window_bounds = array<i64: 1000, 256>}]} {
    %get3A = arith.constant 0 : index
    %get3A_0 = arith.constant 0 : index
    %get3A_1 = vector.load %arg2[%get3A, %get3A_0] : memref<2x256xf32, #tpu.memory_space<vmem>>, vector<1x256xf32>
    %mul3A = arith.constant 9.99999974E-5 : f32
    %mul3A_2 = vector.broadcast %mul3A : f32 to vector<1x256xf32>
    %mul3A_3 = arith.mulf %get3A_1, %mul3A_2 : vector<1x256xf32>
    %get3A_4 = arith.constant 1 : index
    %get3A_5 = arith.constant 0 : index
    %get3A_6 = vector.load %arg2[%get3A_4, %get3A_5] : memref<2x256xf32, #tpu.memory_space<vmem>>, vector<1x256xf32>
    %mul3A_7 = arith.constant 9.99999974E-5 : f32
    %mul3A_8 = vector.broadcast %mul3A_7 : f32 to vector<1x256xf32>
    %mul3A_9 = arith.mulf %get3A_6, %mul3A_8 : vector<1x256xf32>
    %mul3A_10 = arith.mulf %mul3A_3, %mul3A_3 : vector<1x256xf32>
    %sub3A = arith.subf %mul3A_9, %mul3A_10 : vector<1x256xf32>
    %add3A = arith.constant 9.99999974E-6 : f32
    %add3A_11 = vector.broadcast %add3A : f32 to vector<1x256xf32>
    %add3A_12 = arith.addf %sub3A, %add3A_11 : vector<1x256xf32>
    %rsqrt3A = math.rsqrt %add3A_12 : vector<1x256xf32>
    %get3A_13 = arith.constant 0 : index
    %get3A_14 = arith.constant 0 : index
    %get3A_15 = vector.load %arg1[%get3A_13, %get3A_14] : memref<1000x256xf32, #tpu.memory_space<vmem>>, vector<1000x256xf32>
    %sub3A_16 = vector.broadcast %mul3A_3 : vector<1x256xf32> to vector<1000x256xf32>
    %sub3A_17 = arith.subf %get3A_15, %sub3A_16 : vector<1000x256xf32>
    %get3A_18 = arith.constant 0 : index
    %get3A_19 = arith.constant 0 : index
    %get3A_20 = vector.load %arg4[%get3A_18, %get3A_19] : memref<2x256xf32, #tpu.memory_space<vmem>>, vector<1x256xf32>
    %mul3A_21 = arith.mulf %rsqrt3A, %get3A_20 : vector<1x256xf32>
    %mul3A_22 = vector.broadcast %mul3A_21 : vector<1x256xf32> to vector<1000x256xf32>
    %mul3A_23 = arith.mulf %sub3A_17, %mul3A_22 : vector<1000x256xf32>
    %get3A_24 = arith.constant 1 : index
    %get3A_25 = arith.constant 0 : index
    %get3A_26 = vector.load %arg4[%get3A_24, %get3A_25] : memref<2x256xf32, #tpu.memory_space<vmem>>, vector<1x256xf32>
    %add3A_27 = vector.broadcast %get3A_26 : vector<1x256xf32> to vector<1000x256xf32>
    %add3A_28 = arith.addf %mul3A_23, %add3A_27 : vector<1000x256xf32>
    %max3A = arith.constant 0.000000e+00 : f32
    %max3A_29 = vector.broadcast %max3A : f32 to vector<1000x256xf32>
    %max3A_30 = arith.maximumf %add3A_28, %max3A_29 : vector<1000x256xf32>
    %get3A_31 = arith.constant 0 : index
    %get3A_32 = arith.constant 0 : index
    %get3A_33 = vector.load %arg3[%get3A_31, %get3A_32] : memref<1000x256xf32, #tpu.memory_space<vmem>>, vector<1000x256xf32>
    %add3A_34 = arith.addf %max3A_30, %get3A_33 : vector<1000x256xf32>
    %swap3A = arith.constant 0 : index
    %swap3A_35 = arith.constant 0 : index
    %swap3A_36 = vector.load %arg5[%swap3A, %swap3A_35] : memref<1000x256xf32, #tpu.memory_space<vmem>>, vector<1000x256xf32>
    tpu.vector_store %arg5[%swap3A, %swap3A_35], %add3A_34 {strides = array<i32>} : memref<1000x256xf32, #tpu.memory_space<vmem>>, vector<1000x256xf32>,
    return
  }
  func.func @transform_0(%arg0: i32) -> (i32, i32) {
    %c0_i32 = arith.constant 0 : i32
    %c0_i32_0 = arith.constant 0 : i32
    return %arg0, %c0_i32 : i32, i32
  }
  func.func @transform_1(%arg0: i32) -> (i32, i32) {
    %c0_i32 = arith.constant 0 : i32
    %c0_i32_0 = arith.constant 0 : i32
    %c0_i32_1 = arith.constant 0 : i32
    return %c0_i32, %c0_i32_0 : i32, i32
  }
  func.func @transform_2(%arg0: i32) -> (i32, i32) {
    %c1_i32 = arith.constant 1 : i32
    %c0_i32 = arith.constant 0 : i32
    return %arg0, %c1_i32 : i32, i32
  }
  func.func @transform_3(%arg0: i32) -> (i32, i32) {
    %c0_i32 = arith.constant 0 : i32
    %c0_i32_0 = arith.constant 0 : i32
    %c0_i32_1 = arith.constant 0 : i32
    return %c0_i32, %c0_i32_0 : i32, i32
  }
  func.func @transform_4(%arg0: i32) -> (i32, i32) {
    %c0_i32 = arith.constant 0 : i32
    %c0_i32_0 = arith.constant 0 : i32
    return %arg0, %c0_i32 : i32, i32
  }
}

</mosaic_0001>

<sc_bundles>
// kernel: kernel.15.cloned.1.call-start
scs
__scs_entry_jumppad:
0x0: {  	(pc) =	sbr.rel $0x88, $3  }
0x1: {  	(tag) =	ssettag $0x0;
	lr =	simm.s32 $0x1  }
0x2: {  	[smem:$0x3F98] =	sst lr;
	_ =	strace $0xD0000000  }
0x3: {  	_ = 	snop  }
0x4: {  	_ = 	snop  }
0x5: {  	_ = 	snop  }
0x6: {  	_ = 	snop  }
0x7: {  	_ = 	snop  }
__scs_overlays_trampoline_lowered:
0x8: {  	[smem:$0x3FA7] =	sst s0  }
0x9: {  	[smem:$0x3FA8] =	sst s1  }
0xa: {  	[smem:$0x3FA9] =	sst s2  }
0xb: {  	[smem:$0x3FAA] =	sst s3  }
0xc: {  	[smem:$0x3FAB] =	sst s4  }
0xd: {  	[smem:$0x3FAC] =	sst s5  }
0xe: {  	[smem:$0x3FAD] =	sst s6  }
0xf: {  	[smem:$0x3FAE] =	sst s7  }
0x10: {  	[smem:$0x3FAF] =	sst s8  }
0x11: {  	[smem:$0x3FB0] =	sst s9;
	s0 =	simm.s32 @!p0 $0x0  }
0x12: {  	s1 =	sld [smem:$0x3F96];
	s0 =	simm.s32 @p0 $0x1  }
0x13: {  	[smem:$0x3FB1] =	sst s0;
	s0 =	simm.s32 @!p1 $0x0  }
0x14: {  	s2 =	sld [smem:$0x3F95];
	s0 =	simm.s32 @p1 $0x1  }
0x15: {  	[smem:$0x3FB2] =	sst s0;
	s0 =	simm.s32 @!p2 $0x0  }
0x16: {  	s3 =	sld [smem:$0x3FDB];
	s0 =	simm.s32 @p2 $0x1  }
0x17: {  	s4 =	simm.s32 $0x1BF5;
	[smem:$0x3FB4] =	sst s0  }
0x18: {  	s0 =	sld [smem:$0x3F97];
	_ =	swait.ge [sflag:s4], $0x0  }
0x19: {  	s7 =	sld [smem:$0x3F98]  }
0x1a: {  	s8 =	sadd.s32 $0xFFFFE003, lr  }
0x1b: {  	s9 =	sadd.s32 $0xFFFFFEF7, lr;
	s5 =	simm.s32 $0xFFFFFFFF;
	p2 =	slt.u32 s8, $0xFFFFF086  }
0x1c: {  	p1 =	slt.u32 s9, $0xF7A;
	s5 =	simm.s32 @!p2 $0x0  }
0x1d: {  	s5 =	simm.s32 @p1 $0x1;
	p0 =	seq.s32 s7, s2  }
0x1e: {  	s7 =	smul.u32 @!p0 $0xF7A, s2;
	p2 =	seq.s32 @!p0 s5, $0x0  }
0x1f: {  	s9 =	smul.u32 $0xF7A, s1;
	s8 =	simm.s32 @!p0 $0x1BF5;
	p2 =	por !p2, p0  }
0x20: {  	[sflag:s8] =	ssyncset.s32 @!p0 $0xFFFFF086;
	s6 =	sadd.s32 @!p0 s3, s7;
	s7 =	simm.s32 @!p0 $0x108  }
0x21: {  	s3 =	sadd.s32 s3, s9;
	s6 =	sadd.s32 @!p0 $0x88, s6;
	s7 =	simm.s32 @p2 $0x1082  }
0x22: {  	[simem:s7], [sflag:s8] =	dma.local @!p0 [hbm:s6], $0xF7A  }
0x23: {  	s9 =	sor.u32 $0xD0000000, s2;
	s6 =	simm.s32 $0x108;
	_ =	swait.ge @!p0 [sflag:s8], $0x0  }
0x24: {  	s3 =	sadd.s32 $0x88, s3;
	s6 =	simm.s32 @!p1 $0x1082;
	[sflag:s4] =	ssyncset.s32 $0xFFFFF086  }
0x25: {  	[simem:s6], [sflag:s4] =	dma.local [hbm:s3], $0xF7A  }
0x26: {  	[smem:$0x3F98] =	sst s1;
	(tag) =	ssettag s2;
	_ =	strace s9  }
0x27: {  	s1 =	sld [smem:$0x3FA8]  }
0x28: {  	s2 =	sld [smem:$0x3FA9]  }
0x29: {  	s4 =	sld [smem:$0x3FAB]  }
0x2a: {  	p0 =	seq.s32 s5, $0x0;
	s5 =	sld [smem:$0x3FAC]  }
0x2b: {  	s6 =	sld [smem:$0x3FAD]  }
0x2c: {  	s7 =	sld [smem:$0x3FAE]  }
0x2d: {  	s3 =	simm.s32 $0x108;
	s8 =	sld [smem:$0x3FAF]  }
0x2e: {  	s3 =	simm.s32 @!p0 $0x1082;
	s9 =	sld [smem:$0x3FB0]  }
0x2f: {  	lr =	sadd.s32 s0, s3;
	s0 =	sld [smem:$0x3FA7]  }
0x30: {  	s3 =	sld [smem:$0x3FAA]  }
0x31: {  	[smem:$0x3FB3] =	sst s10  }
0x32: {  	s10 =	sld [smem:$0x3FB1];
	_ =	sdelay $0x3  }
0x33: {  	p0 =	seq.s32 s10, $0x1;
	s10 =	sld [smem:$0x3FB3];
	_ =	sdelay $0x3  }
0x34: {  	[smem:$0x3FB3] =	sst s10  }
0x35: {  	s10 =	sld [smem:$0x3FB2];
	_ =	sdelay $0x3  }
0x36: {  	p1 =	seq.s32 s10, $0x1;
	s10 =	sld [smem:$0x3FB3];
	_ =	sdelay $0x3  }
0x37: {  	[smem:$0x3FB3] =	sst s10  }
0x38: {  	s10 =	sld [smem:$0x3FB4]  }
0x39: {  	_ = 	snop;
	(pc) =	sbr.ind lr, $3  }
0x3a: {  	_ = 	snop  }
0x3b: {  	_ = 	snop  }
0x3c: {  	p2 =	seq.s32 s10, $0x1;
	s10 =	sld [smem:$0x3FB3]  }
0x3d: {  	_ =	shalt  }
0x3e: {  	_ =	shalt  }
0x3f: {  	_ =	shalt  }
0x40: {  	_ =	shalt  }
0x41: {  	_ =	shalt  }
0x42: {  	_ =	shalt  }
0x43: {  	_ =	shalt  }
0x44: {  	_ =	shalt  }
0x45: {  	_ =	shalt  }
0x46: {  	_ =	shalt  }
0x47: {  	_ =	shalt  }
0x48: {  	_ =	shalt  }
0x49: {  	_ =	shalt  }
0x4a: {  	_ =	shalt  }
0x4b: {  	_ =	shalt  }
0x4c: {  	_ =	shalt  }
0x4d: {  	_ =	shalt  }
0x4e: {  	_ =	shalt  }
0x4f: {  	_ =	shalt  }
0x50: {  	_ =	shalt  }
0x51: {  	_ =	shalt  }
0x52: {  	_ =	shalt  }
0x53: {  	_ =	shalt  }
0x54: {  	_ =	shalt  }
0x55: {  	_ =	shalt  }
0x56: {  	_ =	shalt  }
0x57: {  	_ =	shalt  }
0x58: {  	_ =	shalt  }
0x59: {  	_ =	shalt  }
0x5a: {  	_ =	shalt  }
0x5b: {  	_ =	shalt  }
0x5c: {  	_ =	shalt  }
0x5d: {  	_ =	shalt  }
0x5e: {  	_ =	shalt  }
0x5f: {  	_ =	shalt  }
0x60: {  	_ =	shalt  }
0x61: {  	_ =	shalt  }
0x62: {  	_ =	shalt  }
0x63: {  	_ =	shalt  }
0x64: {  	_ =	shalt  }
0x65: {  	_ =	shalt  }
0x66: {  	_ =	shalt  }
0x67: {  	_ =	shalt  }
0x68: {  	_ =	shalt  }
0x69: {  	_ =	shalt  }
0x6a: {  	_ =	shalt  }
0x6b: {  	_ =	shalt  }
0x6c: {  	_ =	shalt  }
0x6d: {  	_ =	shalt  }
0x6e: {  	_ =	shalt  }
0x6f: {  	_ =	shalt  }
0x70: {  	_ =	shalt  }
0x71: {  	_ =	shalt  }
0x72: {  	_ =	shalt  }
0x73: {  	_ =	shalt  }
0x74: {  	_ =	shalt  }
0x75: {  	_ =	shalt  }
0x76: {  	_ =	shalt  }
0x77: {  	_ =	shalt  }
0x78: {  	_ =	shalt  }
0x79: {  	_ =	shalt  }
0x7a: {  	_ =	shalt  }
0x7b: {  	_ =	shalt  }
0x7c: {  	_ =	shalt  }
0x7d: {  	_ =	shalt  }
0x7e: {  	_ =	shalt  }
0x7f: {  	_ =	shalt  }
0x80: {  	_ =	shalt  }
0x81: {  	_ =	shalt  }
0x82: {  	_ =	shalt  }
0x83: {  	_ =	shalt  }
0x84: {  	_ =	shalt  }
0x85: {  	_ =	shalt  }
0x86: {  	_ =	shalt  }
0x87: {  	_ =	shalt  }
.Lfunc_end0:
.L_simem_size_0:
called_computation_lowered:
.L_overlay_start_0:
0x88: {  	s2 =	sld [smem:$0x3FD9]  }
0x89: {  	s3 =	sld [smem:$0x3FFE];
	_ =	sdelay $0x1  }
0x8a: {  	s1 =	srdreg.scid  }
0x8b: {  	s0 =	sand.u32 $0x1, s1  }
0x8c: {  	s17 =	sshll.u32 s0, $0xA;
	s2 =	sadd.s32 s3, s2  }
0x8d: {  	s2 =	sadd.s32 s2, s17  }
0x8e: {  	[smem:$0x3FBF] =	sst s2  }
0x8f: {  	_ = 	snop  }
0x90: {  	(tm) =	ssettm $0x1  }
0x91: {  	s18 =	sld [smem:$0x3FFB];
	_ =	sdelay $0x3  }
0x92: {  	_ =	strace s18  }
0x93: {  	s2 =	sld [smem:$0x3FFC];
	_ =	sdelay $0x3  }
0x94: {  	_ =	strace s2  }
0x95: {  	s2 =	sld [smem:$0x3FFD];
	_ =	sdelay $0x3  }
0x96: {  	_ =	strace s2  }
0x97: {  	_ =	strace $0x8FFFFFFF  }
0x98: {  	s19 =	sld [smem:$0x3FDB];
	_ =	sdelay $0x1  }
0x99: {  	s20 =	simm.s32 $_scs_section_size  }
0x9a: {  	s4 =	simm.s32 $_size__tile_overlayer_lowered;
	s5 =	simm.s32 $_tile_overlayer_lowered  }
0x9b: {  	s6 =	simm.s32 $0x1BFF;
	s21 =	sshll.u32 s5, $0x1;
	s3 =	sadd.s32 s20, s19  }
0x9c: {  	s22 =	simm.s32 $0x0;
	s4 =	sshll.u32 s4, $0x1;
	s5 =	sadd.s32 s21, s3  }
0x9d: {  	[timem:s22], [sflag:s6] =	dma.local [hbm:s5], s4  }
0x9e: {  	_ =	swait.ge [sflag:s6], s4  }
0x9f: {  	s4 =	ssub.s32 $0x0, s4;
	[sflag:s6] =	ssyncset.done $0x0  }
0xa0: {  	[sflag:s6] =	ssyncadd.s32 s4;
	_ =	sdelay $0x1  }
0xa1: {  	s23 =	simm.s32 $0x1B8B  }
0xa2: {  	_ =	swait.ge [sflag:s23], $0x1  }
0xa3: {  	[sflag:s23] =	ssyncset.done $0x0  }
0xa4: {  	[sflag:s23] =	ssyncadd.s32 $0xFFFFFFFF  }
0xa5: {  	s4 =	sld [smem:$0x0]  }
0xa6: {  	s5 =	sand.u32 $0xFFFFFFFE, s1  }
0xa7: {  	p0 =	sne.s32 s1, s5  }
0xa8: {  	s5 =	sshll.u32 @p0 s5, $0xE  }
0xa9: {  	s5 =	sadd.s32 @p0 $0x11B8D, s5;
	s6 =	sshll.u32 @p0 s4, $0x11  }
0xaa: {  	s5 =	sor.u32 @p0 s6, s5  }
0xab: {  	[sflag:s5] =	ssyncadd.remote.s32 @p0 $0x1;
	_ =	sdelay $0x1  }
0xac: {  	s5 =	simm.s32 @p0 $0x1B8D  }
0xad: {  	_ =	swait.eq @p0 [sflag:s5], $0x1  }
0xae: {  	[sflag:s5] =	ssyncadd.s32 @p0 $0xFFFFFFFF  }
0xaf: {  	s6 =	sshll.u32 @!p0 s1, $0xE  }
0xb0: {  	s6 =	sor.u32 @!p0 $0x4000, s6;
	s5 =	simm.s32 @!p0 $0x1B8D  }
0xb1: {  	s4 =	sshll.u32 @!p0 s4, $0x11;
	s6 =	sadd.s32 @!p0 $0x11B8D, s6;
	_ =	swait.eq @!p0 [sflag:s5], $0x1  }
0xb2: {  	s4 =	sor.u32 @!p0 s4, s6;
	[sflag:s5] =	ssyncadd.s32 @!p0 $0xFFFFFFFF  }
0xb3: {  	s25 =	simm.s32 $0x1B8E;
	s24 =	sld [smem:$0x3FFE];
	[sflag:s4] =	ssyncadd.remote.s32 @!p0 $0x1  }
0xb4: {  	s26 =	simm.s32 $execute0_lowered;
	[smem:$0x3FD2] =	sst s25  }
0xb5: {  	s5 =	sshll.u32 s26, $0x1;
	_ =	strace $0x80000049;
	[dreg:$0x1] =	wrdreg $0xFFFFFFFF  }
0xb6: {  	s28 =	simm.s32 $_size_execute0_lowered;
	s3 =	sadd.s32 s3, s5;
	[dreg:$0x0] =	wrdreg $0x0  }
0xb7: {  	s5 =	sshll.u32 s28, $0x1;
	[dreg:$0x2] =	wrdreg s3  }
0xb8: {  	[dreg:$0x3] =	wrdreg s5  }
0xb9: {  	[dreg:$0x4] =	wrdreg $0xC0  }
0xba: {  	_ =	task [dreg:s22], $0x5FFFF  }
0xbb: {  	[dreg:$0x1] =	wrdreg $0xFFFFFFFF  }
0xbc: {  	[dreg:$0x0] =	wrdreg $0x60  }
0xbd: {  	[dreg:$0x2] =	wrdreg s24  }
0xbe: {  	[dreg:$0x3] =	wrdreg $0x54800  }
0xbf: {  	[dreg:$0x4] =	wrdreg $0x9  }
0xc0: {  	_ =	task.clear_ibuf [dreg:s22], $0x5FFFF;
	_ =	strace $0x90000049  }
0xc1: {  	s29 =	simm.s32 $0x9;
	_ =	strace $0x8000004B  }
0xc2: {  	_ =	swait.ge [sflag:s29], $0x1  }
0xc3: {  	[sflag:s29] =	ssyncadd.s32 $0xFFFFFFFF  }
0xc4: {  	_ =	strace $0x9000004B  }
0xc5: {  	_ =	sfence  }
0xc6: {  	s30 =	sld [smem:$0x0];
	_ =	sdelay $0x2  }
0xc7: {  	s31 =	sshll.u32 s1, $0xD;
	s1 =	sshrl.u32 s1, $0x2  }
0xc8: {  	s4 =	sand.u32 $0x4000, s31;
	s1 =	sadd.s32 s1, s30  }
0xc9: {  	s0 =	sor.u32 s4, s0;
	s1 =	sshll.u32 s1, $0x11  }
0xca: {  	s0 =	sor.u32 s1, s0  }
0xcb: {  	s0 =	sadd.s32 $0x8F2B, s0  }
0xcc: {  	[sflag:s0] =	ssyncadd.remote.s32 $0x1  }
0xcd: {  	_ =	sfence.sel $0xFFFF  }
0xce: {  	[dreg:$0x0] =	wrdreg $0xFFFFFFFF;
	(pc) =	sbr.abs _section_cstart, $3  }
0xcf: {  	[dreg:$0x1] =	wrdreg $0xFFFFFFFF  }
0xd0: {  	_ =	task.clear_ibuf [dreg:s22], $0x2FFFF;
	_ =	strace $0x9FFFFFFF  }
0xd1: {  	(tm) =	ssettm $0x7FFFFFFF  }
tec
execute0_lowered:
.L_overlay_start_1:
0x0: {  	(tag) =	ssettag $0x1  }
0x1: {  	s6 =	rddreg [dreg:$0x0]  }
0x2: {  	s0 =	srdreg.scid;
	s2 =	rddreg [dreg:$0x1]  }
0x3: {  	s1 =	rddreg [dreg:$0x2];
	s7 =	sand.u32 $0x1, s0  }
0x4: {  	s0 =	stileid.u32;
	s4 =	smul.u32 $0x13880, s7  }
0x5: {  	s3 =	simm.s32 $0x0;
	s13 =	simm.s32 $0x80;
	s5 =	smul.u32 $0x1388, s0  }
0x6: {  	s14 =	simm.s32 $0x1400;
	[smem:$0x7FF] =	sst s3;
	s30 =	smul.u32 $0x2880, s0  }
0x7: {  	s15 =	simm.s32 $0x0;
	s8 =	smul.u32 $0x28800, s7;
	_ =	strace $0x8000004A  }
0x8: {  	s10 =	smul.u32 $0x51000, s0;
	s31 =	ssub.s32 $0x2, s7;
	s11 =	sshll.u32 s0, $0x6  }
0x9: {  	s7 =	sshrl.u32 s31, $0x1;
	s4 =	sadd.s32 s5, s4;
	s8 =	sadd.s32 s30, s8  }
0xa: {  	s5 =	sadd.s32 $0x66A00, s6;
	s10 =	sshrl.u32 s10, $0x2;
	s12 =	ssub.s32 s31, s7  }
0xb: {  	s4 =	sshrl.u32 s4, $0x3;
	s8 =	sadd.s32 s8, s6;
	s10 =	sadd.s32 s10, s2  }
0xc: {  	s9 =	sadd.s32 s4, s6;
	s4 =	sadd.s32 $0x13000, s6;
	s6 =	sor.u32 $0x1C01, s11  }
0xd: {  	s8 =	sadd.s32 $0x67200, s8;
	s10 =	sshrl.u32 s10, $0x3;
	s11 =	simm.s32 $0x1  }
0xe: {  	vm0 =	vmmov $0xff;
	v0 =	vimm.s32 $0x2710;
	s7 =	sadd.s32 $0x4000, s9;
	s9 =	smax.u32 s12, $0x1;
	s12 =	simm.s32 $0x1480  }
.LBB2_1:
0xf: {  	[spmem:s10], [sflag:s6] =	dma.local [hbm:s4], $0x2880  }
0x10: {  	_ =	swait.ge [sflag:s11], $0x2880  }
0x11: {  	[sflag:s11] =	ssyncset.done $0x0  }
0x12: {  	[sflag:s11] =	ssyncadd.s32 $0xFFFFD780  }
0x13: {  	[tilespmem:s3], [sflag:$0x1] =	stream.linear.gather [hbm4b:s7+s3], $0x1388, $0x38;
	[tilespmem:$0x19880] =	vst v63  }
0x14: {  	_ =	swait.ge [sflag:s11], $0x1388  }
0x15: {  	[sflag:s11] =	ssyncset.done $0x0  }
0x16: {  	[sflag:s11] =	ssyncadd.s32 $0xFFFFEC78  }
0x17: {  	[tilespmem:s12], [sflag:$0x1] =	stream.linear.gather [hbm4b:s5+s3], $0x4000, $0x38;
	[tilespmem:$0x19880] =	vst v63  }
0x18: {  	_ =	swait.ge [sflag:s11], $0x4000  }
0x19: {  	[sflag:s11] =	ssyncset.done $0x0  }
0x1a: {  	[sflag:s11] =	ssyncadd.s32 $0xFFFFC000  }
0x1b: {  	s16 =	simm.s32 $0x0;
	[bflag:$0x0] =	sbarrier.arrive $0xFFFF  }
0x1c: {  	v1 =	vld [tilespmem:s16+$0x0];
	_ =	sdelay $0x4  }
0x1d: {  	[tilespmem:$0x1400] =	vst v1  }
0x1e: {  	v1 =	vld [tilespmem:s16+$0x10];
	_ =	sdelay $0x4  }
0x1f: {  	[tilespmem:$0x1410] =	vst v1  }
0x20: {  	v1 =	vld [tilespmem:s16+$0x20];
	_ =	sdelay $0x4  }
0x21: {  	[tilespmem:$0x1420] =	vst v1  }
0x22: {  	v1 =	vld [tilespmem:s16+$0x30];
	_ =	sdelay $0x4  }
0x23: {  	[tilespmem:$0x1430] =	vst v1  }
0x24: {  	v1 =	vld [tilespmem:s16+$0x40];
	_ =	sdelay $0x4  }
0x25: {  	[tilespmem:$0x1440] =	vst v1  }
0x26: {  	v1 =	vld [tilespmem:s16+$0x50];
	_ =	sdelay $0x4  }
0x27: {  	[tilespmem:$0x1450] =	vst v1  }
0x28: {  	v1 =	vld [tilespmem:s16+$0x60];
	_ =	sdelay $0x4  }
0x29: {  	[tilespmem:$0x1460] =	vst v1  }
0x2a: {  	v1 =	vld [tilespmem:s16+$0x70];
	_ =	sdelay $0x4  }
0x2b: {  	[tilespmem:$0x1470] =	vst v1  }
0x2c: {  	[spmem:s2] =	stream.indirect.scatter.add.f32 [tilespmem:s12], [sflag:$0x1], $0x80, s14, s13, $0xb8;
	[tilespmem:$0x19880] =	vst v63  }
0x2d: {  	_ =	swait.ge [sflag:s11], $0x4000  }
0x2e: {  	s18 =	simm.s32 $0x400;
	s16 =	simm.s32 $0x200;
	[sflag:s11] =	ssyncset.done $0x0  }
.LBB2_2:
0x2f: {  	s19 =	sshra.s32 s16, $0x2  }
0x30: {  	[sflag:s11] =	ssyncadd.s32 $0xFFFFC000;
	s16 =	smov.u32 s18;
	s17 =	sadd.s32 $0x200, s18  }
0x31: {  	p0 =	sne.s32 s18, $0x4C00;
	v1 =	vld [tilespmem:s19+$0x0];
	_ =	sdelay $0x4  }
0x32: {  	[tilespmem:$0x1400] =	vst v1  }
0x33: {  	v1 =	vld [tilespmem:s19+$0x10];
	_ =	sdelay $0x4  }
0x34: {  	[tilespmem:$0x1410] =	vst v1  }
0x35: {  	v1 =	vld [tilespmem:s19+$0x20];
	_ =	sdelay $0x4  }
0x36: {  	[tilespmem:$0x1420] =	vst v1  }
0x37: {  	v1 =	vld [tilespmem:s19+$0x30];
	_ =	sdelay $0x4  }
0x38: {  	[tilespmem:$0x1430] =	vst v1  }
0x39: {  	v1 =	vld [tilespmem:s19+$0x40];
	_ =	sdelay $0x4  }
0x3a: {  	[tilespmem:$0x1440] =	vst v1  }
0x3b: {  	v1 =	vld [tilespmem:s19+$0x50];
	_ =	sdelay $0x4  }
0x3c: {  	[tilespmem:$0x1450] =	vst v1  }
0x3d: {  	v1 =	vld [tilespmem:s19+$0x60];
	_ =	sdelay $0x4  }
0x3e: {  	[tilespmem:$0x1460] =	vst v1  }
0x3f: {  	v1 =	vld [tilespmem:s19+$0x70];
	_ =	sdelay $0x3  }
.Ltmp0:
0x40: {  	(pc) =	sbr.rel @p0 .LBB2_2-.Ltmp0, $4  }
0x41: {  	[tilespmem:$0x1470] =	vst v1  }
0x42: {  	[spmem:s2] =	stream.indirect.scatter.add.f32 [tilespmem:s12], [sflag:$0x1], $0x80, s14, s13, $0xb8;
	[tilespmem:$0x19880] =	vst v63  }
0x43: {  	_ =	swait.ge [sflag:s11], $0x4000  }
0x44: {  	s18 =	smov.u32 s17;
	[sflag:s11] =	ssyncset.done $0x0  }
0x45: {  	s16 =	sshra.s32 s16, $0x2;
	[sflag:s11] =	ssyncadd.s32 $0xFFFFC000  }
0x46: {  	v1 =	vld [tilespmem:s16+$0x0];
	_ =	sdelay $0x4  }
0x47: {  	[tilespmem:$0x1400] =	vst v1  }
0x48: {  	v1 =	vld [tilespmem:s16+$0x10];
	_ =	sdelay $0x4  }
0x49: {  	[tilespmem:$0x1410] =	vst v1  }
0x4a: {  	v1 =	vld [tilespmem:s16+$0x20];
	_ =	sdelay $0x4  }
0x4b: {  	[tilespmem:$0x1420] =	vst v1  }
0x4c: {  	v1 =	vld [tilespmem:s16+$0x30];
	_ =	sdelay $0x4  }
0x4d: {  	[tilespmem:$0x1430] =	vst v1  }
0x4e: {  	v1 =	vld [tilespmem:s16+$0x40];
	_ =	sdelay $0x4  }
0x4f: {  	[tilespmem:$0x1440] =	vst v1  }
0x50: {  	v1 =	vld [tilespmem:s16+$0x50];
	_ =	sdelay $0x4  }
0x51: {  	[tilespmem:$0x1450] =	vst v1  }
0x52: {  	v1 =	vld [tilespmem:s16+$0x60];
	_ =	sdelay $0x4  }
0x53: {  	[tilespmem:$0x1460] =	vst v1  }
0x54: {  	v1 =	vld [tilespmem:s16+$0x70];
	_ =	sdelay $0x4  }
0x55: {  	[tilespmem:$0x1470] =	vst v1  }
0x56: {  	[spmem:s2] =	stream.indirect.scatter.add.f32 [tilespmem:s12], [sflag:$0x1], $0x80, s14, s13, $0xb8;
	[tilespmem:$0x19880] =	vst v63  }
0x57: {  	_ =	swait.ge [sflag:s11], $0x4000  }
0x58: {  	[sflag:s11] =	ssyncset.done $0x0  }
0x59: {  	[sflag:s11] =	ssyncadd.s32 $0xFFFFC000  }
0x5a: {  	[tilespmem:$0x1410] =	vst v0  }
0x5b: {  	v1 =	vld [tilespmem:$0x1380];
	[tilespmem:$0x1420] =	vst v0  }
0x5c: {  	[tilespmem:$0x1430] =	vst v0  }
0x5d: {  	[tilespmem:$0x1440] =	vst v0  }
0x5e: {  	[tilespmem:$0x1450] =	vst v0  }
0x5f: {  	[tilespmem:$0x1460] =	vst v0  }
0x60: {  	[tilespmem:$0x1470] =	vst v0;
	v1 =	vnsel vm0, $0x2710, v1  }
0x61: {  	[tilespmem:$0x1400] =	vst v1  }
0x62: {  	[spmem:s2] =	stream.indirect.scatter.add.f32 [tilespmem:s12], [sflag:$0x1], $0x80, s14, s13, $0xb8;
	[tilespmem:$0x19880] =	vst v63  }
0x63: {  	_ =	swait.ge [sflag:s11], $0x4000  }
0x64: {  	s15 =	sadd.s32 $0x1, s15;
	[sflag:s11] =	ssyncset.done $0x0  }
0x65: {  	p0 =	sne.s32 s15, s9;
	[sflag:s11] =	ssyncadd.s32 $0xFFFFC000  }
.Ltmp1:
0x66: {  	[bflag:$0x0] =	sbarrier.arrive $0xFFFF;
	(pc) =	sbr.rel @p0 .LBB2_1-.Ltmp1, $4  }
0x67: {  	[hbm:s8], [sflag:s6] =	dma.local [spmem:s10], $0x2880  }
0x68: {  	_ =	swait.ge [sflag:s11], $0x2880  }
0x69: {  	[sflag:s11] =	ssyncset.done $0x0  }
0x6a: {  	[sflag:s11] =	ssyncadd.s32 $0xFFFFD780  }
0x6b: {  	_ =	sfence.sel $0x180000  }
0x6c: {  	[bflag:$0x0] =	sbarrier.arrive $0xFFFF  }
0x6d: {  	p0 =	sne.s32 s0, $0x0;
	_ =	strace $0x9000004A  }
0x6e: {  	s0 =	sadd.s32 @!p0 $0x100000, s1;
	[bflag:$0x2] =	sbarrier.arrive $0xFFFF  }
0x6f: {  	[sflag:s0] =	ssyncadd.tile.s32 @!p0 $0x1;
	_ =	shalt  }
.Lfunc_end2:
_tile_overlayer_lowered:
.L_overlay_start_2:
0x70: {  	(tag) =	ssettag $0x2  }
0x71: {  	s0 =	rddreg [dreg:$0x0];
	s2 =	stileid.u32  }
0x72: {  	s1 =	rddreg [dreg:$0x1];
	p0 =	sne.s32 s2, $0x0  }
0x73: {  	s3 =	rddreg [dreg:$0x2];
	[bflag:$0x3] =	sbarrier.arrive $0xFFFF;
	s2 =	simm.s32 @!p0 $0x1C01  }
0x74: {  	[timem:s3], [sflag:s2] =	dma.local @!p0 [hbm:s0], s1  }
0x75: {  	s0 =	simm.s32 @!p0 $0x1  }
0x76: {  	_ =	swait.ge @!p0 [sflag:s0], s1  }
0x77: {  	s1 =	ssub.s32 @!p0 $0x0, s1;
	[sflag:s0] =	ssyncset.done @!p0 $0x0  }
0x78: {  	[sflag:s0] =	ssyncadd.s32 @!p0 s1  }
0x79: {  	[bflag:$0x3] =	sbarrier.arrive $0xFFFF  }
0x7a: {  	_ =	shalt  }

// kernel: kernel.18.cloned.1.call-start
scs
__scs_entry_jumppad:
0x0: {  	(pc) =	sbr.rel $0x88, $3  }
0x1: {  	(tag) =	ssettag $0x0;
	lr =	simm.s32 $0x1  }
0x2: {  	[smem:$0x3F98] =	sst lr;
	_ =	strace $0xD0000000  }
0x3: {  	_ = 	snop  }
0x4: {  	_ = 	snop  }
0x5: {  	_ = 	snop  }
0x6: {  	_ = 	snop  }
0x7: {  	_ = 	snop  }
__scs_overlays_trampoline_lowered:
0x8: {  	[smem:$0x3FA7] =	sst s0  }
0x9: {  	[smem:$0x3FA8] =	sst s1  }
0xa: {  	[smem:$0x3FA9] =	sst s2  }
0xb: {  	[smem:$0x3FAA] =	sst s3  }
0xc: {  	[smem:$0x3FAB] =	sst s4  }
0xd: {  	[smem:$0x3FAC] =	sst s5  }
0xe: {  	[smem:$0x3FAD] =	sst s6  }
0xf: {  	[smem:$0x3FAE] =	sst s7  }
0x10: {  	[smem:$0x3FAF] =	sst s8  }
0x11: {  	[smem:$0x3FB0] =	sst s9;
	s0 =	simm.s32 @!p0 $0x0  }
0x12: {  	s1 =	sld [smem:$0x3F96];
	s0 =	simm.s32 @p0 $0x1  }
0x13: {  	[smem:$0x3FB1] =	sst s0;
	s0 =	simm.s32 @!p1 $0x0  }
0x14: {  	s2 =	sld [smem:$0x3F95];
	s0 =	simm.s32 @p1 $0x1  }
0x15: {  	[smem:$0x3FB2] =	sst s0;
	s0 =	simm.s32 @!p2 $0x0  }
0x16: {  	s3 =	sld [smem:$0x3FDB];
	s0 =	simm.s32 @p2 $0x1  }
0x17: {  	s4 =	simm.s32 $0x1BF5;
	[smem:$0x3FB4] =	sst s0  }
0x18: {  	s0 =	sld [smem:$0x3F97];
	_ =	swait.ge [sflag:s4], $0x0  }
0x19: {  	s7 =	sld [smem:$0x3F98]  }
0x1a: {  	s8 =	sadd.s32 $0xFFFFE003, lr  }
0x1b: {  	s9 =	sadd.s32 $0xFFFFFEF7, lr;
	s5 =	simm.s32 $0xFFFFFFFF;
	p2 =	slt.u32 s8, $0xFFFFF086  }
0x1c: {  	p1 =	slt.u32 s9, $0xF7A;
	s5 =	simm.s32 @!p2 $0x0  }
0x1d: {  	s5 =	simm.s32 @p1 $0x1;
	p0 =	seq.s32 s7, s2  }
0x1e: {  	s7 =	smul.u32 @!p0 $0xF7A, s2;
	p2 =	seq.s32 @!p0 s5, $0x0  }
0x1f: {  	s9 =	smul.u32 $0xF7A, s1;
	s8 =	simm.s32 @!p0 $0x1BF5;
	p2 =	por !p2, p0  }
0x20: {  	[sflag:s8] =	ssyncset.s32 @!p0 $0xFFFFF086;
	s6 =	sadd.s32 @!p0 s3, s7;
	s7 =	simm.s32 @!p0 $0x108  }
0x21: {  	s3 =	sadd.s32 s3, s9;
	s6 =	sadd.s32 @!p0 $0x88, s6;
	s7 =	simm.s32 @p2 $0x1082  }
0x22: {  	[simem:s7], [sflag:s8] =	dma.local @!p0 [hbm:s6], $0xF7A  }
0x23: {  	s9 =	sor.u32 $0xD0000000, s2;
	s6 =	simm.s32 $0x108;
	_ =	swait.ge @!p0 [sflag:s8], $0x0  }
0x24: {  	s3 =	sadd.s32 $0x88, s3;
	s6 =	simm.s32 @!p1 $0x1082;
	[sflag:s4] =	ssyncset.s32 $0xFFFFF086  }
0x25: {  	[simem:s6], [sflag:s4] =	dma.local [hbm:s3], $0xF7A  }
0x26: {  	[smem:$0x3F98] =	sst s1;
	(tag) =	ssettag s2;
	_ =	strace s9  }
0x27: {  	s1 =	sld [smem:$0x3FA8]  }
0x28: {  	s2 =	sld [smem:$0x3FA9]  }
0x29: {  	s4 =	sld [smem:$0x3FAB]  }
0x2a: {  	p0 =	seq.s32 s5, $0x0;
	s5 =	sld [smem:$0x3FAC]  }
0x2b: {  	s6 =	sld [smem:$0x3FAD]  }
0x2c: {  	s7 =	sld [smem:$0x3FAE]  }
0x2d: {  	s3 =	simm.s32 $0x108;
	s8 =	sld [smem:$0x3FAF]  }
0x2e: {  	s3 =	simm.s32 @!p0 $0x1082;
	s9 =	sld [smem:$0x3FB0]  }
0x2f: {  	lr =	sadd.s32 s0, s3;
	s0 =	sld [smem:$0x3FA7]  }
0x30: {  	s3 =	sld [smem:$0x3FAA]  }
0x31: {  	[smem:$0x3FB3] =	sst s10  }
0x32: {  	s10 =	sld [smem:$0x3FB1];
	_ =	sdelay $0x3  }
0x33: {  	p0 =	seq.s32 s10, $0x1;
	s10 =	sld [smem:$0x3FB3];
	_ =	sdelay $0x3  }
0x34: {  	[smem:$0x3FB3] =	sst s10  }
0x35: {  	s10 =	sld [smem:$0x3FB2];
	_ =	sdelay $0x3  }
0x36: {  	p1 =	seq.s32 s10, $0x1;
	s10 =	sld [smem:$0x3FB3];
	_ =	sdelay $0x3  }
0x37: {  	[smem:$0x3FB3] =	sst s10  }
0x38: {  	s10 =	sld [smem:$0x3FB4]  }
0x39: {  	_ = 	snop;
	(pc) =	sbr.ind lr, $3  }
0x3a: {  	_ = 	snop  }
0x3b: {  	_ = 	snop  }
0x3c: {  	p2 =	seq.s32 s10, $0x1;
	s10 =	sld [smem:$0x3FB3]  }
0x3d: {  	_ =	shalt  }
0x3e: {  	_ =	shalt  }
0x3f: {  	_ =	shalt  }
0x40: {  	_ =	shalt  }
0x41: {  	_ =	shalt  }
0x42: {  	_ =	shalt  }
0x43: {  	_ =	shalt  }
0x44: {  	_ =	shalt  }
0x45: {  	_ =	shalt  }
0x46: {  	_ =	shalt  }
0x47: {  	_ =	shalt  }
0x48: {  	_ =	shalt  }
0x49: {  	_ =	shalt  }
0x4a: {  	_ =	shalt  }
0x4b: {  	_ =	shalt  }
0x4c: {  	_ =	shalt  }
0x4d: {  	_ =	shalt  }
0x4e: {  	_ =	shalt  }
0x4f: {  	_ =	shalt  }
0x50: {  	_ =	shalt  }
0x51: {  	_ =	shalt  }
0x52: {  	_ =	shalt  }
0x53: {  	_ =	shalt  }
0x54: {  	_ =	shalt  }
0x55: {  	_ =	shalt  }
0x56: {  	_ =	shalt  }
0x57: {  	_ =	shalt  }
0x58: {  	_ =	shalt  }
0x59: {  	_ =	shalt  }
0x5a: {  	_ =	shalt  }
0x5b: {  	_ =	shalt  }
0x5c: {  	_ =	shalt  }
0x5d: {  	_ =	shalt  }
0x5e: {  	_ =	shalt  }
0x5f: {  	_ =	shalt  }
0x60: {  	_ =	shalt  }
0x61: {  	_ =	shalt  }
0x62: {  	_ =	shalt  }
0x63: {  	_ =	shalt  }
0x64: {  	_ =	shalt  }
0x65: {  	_ =	shalt  }
0x66: {  	_ =	shalt  }
0x67: {  	_ =	shalt  }
0x68: {  	_ =	shalt  }
0x69: {  	_ =	shalt  }
0x6a: {  	_ =	shalt  }
0x6b: {  	_ =	shalt  }
0x6c: {  	_ =	shalt  }
0x6d: {  	_ =	shalt  }
0x6e: {  	_ =	shalt  }
0x6f: {  	_ =	shalt  }
0x70: {  	_ =	shalt  }
0x71: {  	_ =	shalt  }
0x72: {  	_ =	shalt  }
0x73: {  	_ =	shalt  }
0x74: {  	_ =	shalt  }
0x75: {  	_ =	shalt  }
0x76: {  	_ =	shalt  }
0x77: {  	_ =	shalt  }
0x78: {  	_ =	shalt  }
0x79: {  	_ =	shalt  }
0x7a: {  	_ =	shalt  }
0x7b: {  	_ =	shalt  }
0x7c: {  	_ =	shalt  }
0x7d: {  	_ =	shalt  }
0x7e: {  	_ =	shalt  }
0x7f: {  	_ =	shalt  }
0x80: {  	_ =	shalt  }
0x81: {  	_ =	shalt  }
0x82: {  	_ =	shalt  }
0x83: {  	_ =	shalt  }
0x84: {  	_ =	shalt  }
0x85: {  	_ =	shalt  }
0x86: {  	_ =	shalt  }
0x87: {  	_ =	shalt  }
.Lfunc_end0:
.L_simem_size_0:
called_computation.1_lowered:
.L_overlay_start_0:
0x88: {  	s2 =	sld [smem:$0x3FD9]  }
0x89: {  	s3 =	sld [smem:$0x3FFE];
	_ =	sdelay $0x1  }
0x8a: {  	s1 =	srdreg.scid  }
0x8b: {  	s0 =	sand.u32 $0x1, s1  }
0x8c: {  	s17 =	sshll.u32 s0, $0xA;
	s2 =	sadd.s32 s3, s2  }
0x8d: {  	s2 =	sadd.s32 s2, s17  }
0x8e: {  	[smem:$0x3FBF] =	sst s2  }
0x8f: {  	_ = 	snop  }
0x90: {  	s2 =	sld [smem:$0x3FD0];
	(tm) =	ssettm $0x1  }
0x91: {  	s18 =	sld [smem:$0x3FFB];
	_ =	sdelay $0x3  }
0x92: {  	_ =	strace s18  }
0x93: {  	s3 =	sld [smem:$0x3FFC];
	_ =	sdelay $0x3  }
0x94: {  	_ =	strace s3  }
0x95: {  	s3 =	sld [smem:$0x3FFD];
	_ =	sdelay $0x3  }
0x96: {  	_ =	strace s3  }
0x97: {  	_ =	strace $0x8FFFFFFF  }
0x98: {  	s19 =	sld [smem:$0x3FDB];
	_ =	sdelay $0x1  }
0x99: {  	s4 =	simm.s32 $_scs_section_size  }
0x9a: {  	s5 =	simm.s32 $_size__tile_overlayer_lowered;
	s6 =	simm.s32 $_tile_overlayer_lowered  }
0x9b: {  	s22 =	simm.s32 $0x1BFF;
	s21 =	sshll.u32 s6, $0x1;
	s3 =	sadd.s32 s4, s19  }
0x9c: {  	s7 =	simm.s32 $0x0;
	s20 =	sshll.u32 s5, $0x1;
	s5 =	sadd.s32 s21, s3  }
0x9d: {  	[timem:s7], [sflag:s22] =	dma.local [hbm:s5], s20  }
0x9e: {  	_ =	swait.ge [sflag:s22], s20  }
0x9f: {  	s4 =	ssub.s32 $0x0, s20;
	[sflag:s22] =	ssyncset.done $0x0  }
0xa0: {  	[sflag:s22] =	ssyncadd.s32 s4;
	_ =	sdelay $0x1  }
0xa1: {  	s23 =	simm.s32 $0x1B8B  }
0xa2: {  	_ =	swait.ge [sflag:s23], $0x1  }
0xa3: {  	[sflag:s23] =	ssyncset.done $0x0  }
0xa4: {  	s25 =	simm.s32 $0x1B8E;
	s24 =	sld [smem:$0x3FFE];
	[sflag:s23] =	ssyncadd.s32 $0xFFFFFFFF  }
0xa5: {  	s26 =	simm.s32 $execute0_lowered;
	[smem:$0x3FD2] =	sst s25  }
0xa6: {  	s5 =	sshll.u32 s26, $0x1;
	_ =	strace $0x80000046;
	[dreg:$0x1] =	wrdreg $0xFFFFFFFF  }
0xa7: {  	s28 =	simm.s32 $_size_execute0_lowered;
	s3 =	sadd.s32 s3, s5;
	[dreg:$0x0] =	wrdreg $0x0  }
0xa8: {  	s5 =	sshll.u32 s28, $0x1;
	[dreg:$0x2] =	wrdreg s3  }
0xa9: {  	[dreg:$0x3] =	wrdreg s5  }
0xaa: {  	[dreg:$0x4] =	wrdreg $0xC0  }
0xab: {  	_ =	task [dreg:s7], $0x5FFFF  }
0xac: {  	[dreg:$0x1] =	wrdreg $0xFFFFFFFF  }
0xad: {  	[dreg:$0x0] =	wrdreg $0x60  }
0xae: {  	[dreg:$0x2] =	wrdreg s2  }
0xaf: {  	[dreg:$0x3] =	wrdreg s24  }
0xb0: {  	[dreg:$0x4] =	wrdreg $0x90000  }
0xb1: {  	[dreg:$0x5] =	wrdreg $0xA  }
0xb2: {  	_ =	task.clear_ibuf [dreg:s7], $0x6FFFF;
	_ =	strace $0x90000046  }
0xb3: {  	s29 =	simm.s32 $0xA;
	_ =	strace $0x80000048  }
0xb4: {  	_ =	swait.ge [sflag:s29], $0x1  }
0xb5: {  	[sflag:s29] =	ssyncadd.s32 $0xFFFFFFFF  }
0xb6: {  	_ =	strace $0x90000048  }
0xb7: {  	_ =	sfence  }
0xb8: {  	s30 =	sld [smem:$0x0];
	_ =	sdelay $0x2  }
0xb9: {  	s31 =	sshll.u32 s1, $0xD;
	s1 =	sshrl.u32 s1, $0x2  }
0xba: {  	s3 =	sand.u32 $0x4000, s31;
	s1 =	sadd.s32 s1, s30  }
0xbb: {  	s0 =	sor.u32 s3, s0;
	s1 =	sshll.u32 s1, $0x11  }
0xbc: {  	s0 =	sor.u32 s1, s0  }
0xbd: {  	s0 =	sadd.s32 $0x8F2B, s0  }
0xbe: {  	[sflag:s0] =	ssyncadd.remote.s32 $0x1  }
0xbf: {  	_ =	sfence.sel $0xFFFF  }
0xc0: {  	[dreg:$0x0] =	wrdreg $0xFFFFFFFF;
	(pc) =	sbr.abs _section_cstart, $3  }
0xc1: {  	[dreg:$0x1] =	wrdreg $0xFFFFFFFF  }
0xc2: {  	_ =	task.clear_ibuf [dreg:s7], $0x2FFFF;
	_ =	strace $0x9FFFFFFF  }
0xc3: {  	(tm) =	ssettm $0x7FFFFFFF  }
tec
execute0_lowered:
.L_overlay_start_1:
0x0: {  	(tag) =	ssettag $0x1  }
0x1: {  	s2 =	rddreg [dreg:$0x0]  }
0x2: {  	s6 =	rddreg [dreg:$0x1]  }
0x3: {  	s3 =	rddreg [dreg:$0x2]  }
0x4: {  	s0 =	rddreg [dreg:$0x3];
	s1 =	stileid.u32  }
0x5: {  	s7 =	srdreg.scid;
	s4 =	simm.s32 $0x0;
	s14 =	simm.s32 $0x80  }
0x6: {  	s15 =	simm.s32 $0x4F00;
	s17 =	simm.s32 $0x4F80;
	s5 =	smul.u32 $0x4F0, s1  }
0x7: {  	s18 =	simm.s32 $0x0;
	s9 =	sand.u32 $0x1, s7;
	s26 =	smul.u32 $0x2880, s1  }
0x8: {  	[smem:$0x7FF] =	sst s4;
	s11 =	smul.u32 $0x51000, s1;
	s31 =	sshll.u32 s1, $0x6  }
0x9: {  	s8 =	smul.u32 $0x28800, s9;
	_ =	strace $0x80000047;
	s28 =	ssub.s32 $0x2, s9  }
0xa: {  	s16 =	smul.u32 $0x2710, s9;
	s10 =	sadd.s32 s5, s6;
	s5 =	sadd.s32 $0x13000, s6  }
0xb: {  	s29 =	sshrl.u32 s28, $0x1;
	s30 =	sshrl.u32 s11, $0x2;
	s7 =	sadd.s32 s26, s8  }
0xc: {  	s13 =	ssub.s32 s28, s29;
	s11 =	sadd.s32 s30, s3;
	s8 =	sadd.s32 $0x9000, s10  }
0xd: {  	v0 =	vmov s16;
	s16 =	simm.s32 $0x5000;
	s12 =	sadd.s32 s7, s6;
	s6 =	sor.u32 $0x1C01, s31  }
0xe: {  	s7 =	sadd.s32 $0xE000, s10;
	s10 =	smax.u32 s13, $0x1;
	s11 =	sshrl.u32 s11, $0x3  }
0xf: {  	s13 =	simm.s32 $0x2780;
	s9 =	sadd.s32 $0x15A00, s12;
	s12 =	simm.s32 $0x1  }
.LBB2_1:
0x10: {  	[spmem:s11], [sflag:s6] =	dma.local [hbm:s5], $0x2880  }
0x11: {  	_ =	swait.ge [sflag:s12], $0x2880  }
0x12: {  	[sflag:s12] =	ssyncset.done $0x0  }
0x13: {  	[sflag:s12] =	ssyncadd.s32 $0xFFFFD780  }
0x14: {  	[tilespmem:s4], [sflag:$0x1] =	stream.linear.gather [hbm4b:s7+s4], $0x2780, $0x38;
	[tilespmem:$0x1D400] =	vst v63  }
0x15: {  	_ =	swait.ge [sflag:s12], $0x2780  }
0x16: {  	[sflag:s12] =	ssyncset.done $0x0  }
0x17: {  	[sflag:s12] =	ssyncadd.s32 $0xFFFFD880  }
0x18: {  	[tilespmem:s13], [sflag:$0x1] =	stream.linear.gather [hbm4b:s8+s4], $0x2780, $0x38;
	[tilespmem:$0x1D400] =	vst v63  }
0x19: {  	_ =	swait.ge [sflag:s12], $0x2780  }
0x1a: {  	[sflag:s12] =	ssyncset.done $0x0  }
0x1b: {  	s19 =	simm.s32 $0x0;
	s20 =	simm.s32 $0x40;
	[sflag:s12] =	ssyncadd.s32 $0xFFFFD880  }
.LBB2_2:
0x1c: {  	p0 =	sne.s32 s20, $0x9DC0;
	v1 =	vld [tilespmem:s19+$0x0];
	_ =	sdelay $0x1  }
.Ltmp0:
0x1d: {  	(pc) =	sbr.rel @p0 .LBB2_2-.Ltmp0, $3  }
0x1e: {  	_ =	sdelay $0x1  }
0x1f: {  	v1 =	vadd.s32 v0, v1  }
0x20: {  	[tilespmem:s19+$0x0] =	vst v1;
	s19 =	sshra.s32 s20, $0x2;
	s20 =	sadd.s32 $0x40, s20  }
0x21: {  	v1 =	vld [tilespmem:s19+$0x0];
	_ =	sdelay $0x4  }
0x22: {  	v1 =	vadd.s32 v0, v1  }
0x23: {  	[tilespmem:s19+$0x0] =	vst v1  }
0x24: {  	s31 =	simm.s32 $0x0;
	[bflag:$0x0] =	sbarrier.arrive $0xFFFF  }
0x25: {  	v1 =	vld [tilespmem:s31+$0x0];
	_ =	sdelay $0x4  }
0x26: {  	[tilespmem:$0x4F00] =	vst v1  }
0x27: {  	v1 =	vld [tilespmem:s31+$0x2780];
	_ =	sdelay $0x4  }
0x28: {  	[tilespmem:$0x4F80] =	vst v1  }
0x29: {  	v1 =	vld [tilespmem:s31+$0x10];
	_ =	sdelay $0x4  }
0x2a: {  	[tilespmem:$0x4F10] =	vst v1  }
0x2b: {  	v1 =	vld [tilespmem:s31+$0x2790];
	_ =	sdelay $0x4  }
0x2c: {  	[tilespmem:$0x4F90] =	vst v1  }
0x2d: {  	v1 =	vld [tilespmem:s31+$0x20];
	_ =	sdelay $0x4  }
0x2e: {  	[tilespmem:$0x4F20] =	vst v1  }
0x2f: {  	v1 =	vld [tilespmem:s31+$0x27A0];
	_ =	sdelay $0x4  }
0x30: {  	[tilespmem:$0x4FA0] =	vst v1  }
0x31: {  	v1 =	vld [tilespmem:s31+$0x30];
	_ =	sdelay $0x4  }
0x32: {  	[tilespmem:$0x4F30] =	vst v1  }
0x33: {  	v1 =	vld [tilespmem:s31+$0x27B0];
	_ =	sdelay $0x4  }
0x34: {  	[tilespmem:$0x4FB0] =	vst v1  }
0x35: {  	v1 =	vld [tilespmem:s31+$0x40];
	_ =	sdelay $0x4  }
0x36: {  	[tilespmem:$0x4F40] =	vst v1  }
0x37: {  	v1 =	vld [tilespmem:s31+$0x27C0];
	_ =	sdelay $0x4  }
0x38: {  	[tilespmem:$0x4FC0] =	vst v1  }
0x39: {  	v1 =	vld [tilespmem:s31+$0x50];
	_ =	sdelay $0x4  }
0x3a: {  	[tilespmem:$0x4F50] =	vst v1  }
0x3b: {  	v1 =	vld [tilespmem:s31+$0x27D0];
	_ =	sdelay $0x4  }
0x3c: {  	[tilespmem:$0x4FD0] =	vst v1  }
0x3d: {  	v1 =	vld [tilespmem:s31+$0x60];
	_ =	sdelay $0x4  }
0x3e: {  	[tilespmem:$0x4F60] =	vst v1  }
0x3f: {  	v1 =	vld [tilespmem:s31+$0x27E0];
	_ =	sdelay $0x4  }
0x40: {  	[tilespmem:$0x4FE0] =	vst v1  }
0x41: {  	v1 =	vld [tilespmem:s31+$0x70];
	_ =	sdelay $0x4  }
0x42: {  	[tilespmem:$0x4F70] =	vst v1  }
0x43: {  	v1 =	vld [tilespmem:s31+$0x27F0];
	_ =	sdelay $0x4  }
0x44: {  	[tilespmem:$0x4FF0] =	vst v1  }
0x45: {  	[tilespmem:s16], [sflag:$0x1] =	stream.indirect.gather [hbm4b:s2+s14], $0x80, s15, s14, $0xb8;
	[tilespmem:$0x1D400] =	vst v63  }
0x46: {  	_ =	swait.ge [sflag:s12], $0x4000  }
0x47: {  	[sflag:s12] =	ssyncset.done $0x0  }
0x48: {  	[sflag:s12] =	ssyncadd.s32 $0xFFFFC000  }
0x49: {  	[spmem:s3] =	stream.indirect.scatter.add.f32 [tilespmem:s16], [sflag:$0x1], $0x80, s17, s14, $0xb8;
	[tilespmem:$0x1D400] =	vst v63  }
0x4a: {  	_ =	swait.ge [sflag:s12], $0x4000  }
0x4b: {  	s22 =	simm.s32 $0x400;
	s19 =	simm.s32 $0x200;
	[sflag:s12] =	ssyncset.done $0x0  }
.LBB2_4:
0x4c: {  	s21 =	sshra.s32 s19, $0x2  }
0x4d: {  	[sflag:s12] =	ssyncadd.s32 $0xFFFFC000;
	s19 =	smov.u32 s22;
	s20 =	sadd.s32 $0x200, s22  }
0x4e: {  	p0 =	sne.s32 s22, $0x9C00;
	v1 =	vld [tilespmem:s21+$0x0];
	_ =	sdelay $0x4  }
0x4f: {  	[tilespmem:$0x4F00] =	vst v1  }
0x50: {  	v1 =	vld [tilespmem:s21+$0x2780];
	_ =	sdelay $0x4  }
0x51: {  	[tilespmem:$0x4F80] =	vst v1  }
0x52: {  	v1 =	vld [tilespmem:s21+$0x10];
	_ =	sdelay $0x4  }
0x53: {  	[tilespmem:$0x4F10] =	vst v1  }
0x54: {  	v1 =	vld [tilespmem:s21+$0x2790];
	_ =	sdelay $0x4  }
0x55: {  	[tilespmem:$0x4F90] =	vst v1  }
0x56: {  	v1 =	vld [tilespmem:s21+$0x20];
	_ =	sdelay $0x4  }
0x57: {  	[tilespmem:$0x4F20] =	vst v1  }
0x58: {  	v1 =	vld [tilespmem:s21+$0x27A0];
	_ =	sdelay $0x4  }
0x59: {  	[tilespmem:$0x4FA0] =	vst v1  }
0x5a: {  	v1 =	vld [tilespmem:s21+$0x30];
	_ =	sdelay $0x4  }
0x5b: {  	[tilespmem:$0x4F30] =	vst v1  }
0x5c: {  	v1 =	vld [tilespmem:s21+$0x27B0];
	_ =	sdelay $0x4  }
0x5d: {  	[tilespmem:$0x4FB0] =	vst v1  }
0x5e: {  	v1 =	vld [tilespmem:s21+$0x40];
	_ =	sdelay $0x4  }
0x5f: {  	[tilespmem:$0x4F40] =	vst v1  }
0x60: {  	v1 =	vld [tilespmem:s21+$0x27C0];
	_ =	sdelay $0x4  }
0x61: {  	[tilespmem:$0x4FC0] =	vst v1  }
0x62: {  	v1 =	vld [tilespmem:s21+$0x50];
	_ =	sdelay $0x4  }
0x63: {  	[tilespmem:$0x4F50] =	vst v1  }
0x64: {  	v1 =	vld [tilespmem:s21+$0x27D0];
	_ =	sdelay $0x4  }
0x65: {  	[tilespmem:$0x4FD0] =	vst v1  }
0x66: {  	v1 =	vld [tilespmem:s21+$0x60];
	_ =	sdelay $0x4  }
0x67: {  	[tilespmem:$0x4F60] =	vst v1  }
0x68: {  	v1 =	vld [tilespmem:s21+$0x27E0];
	_ =	sdelay $0x4  }
0x69: {  	[tilespmem:$0x4FE0] =	vst v1  }
0x6a: {  	v1 =	vld [tilespmem:s21+$0x70];
	_ =	sdelay $0x4  }
0x6b: {  	[tilespmem:$0x4F70] =	vst v1  }
0x6c: {  	v1 =	vld [tilespmem:s21+$0x27F0];
	_ =	sdelay $0x4  }
0x6d: {  	[tilespmem:$0x4FF0] =	vst v1  }
0x6e: {  	[tilespmem:s16], [sflag:$0x1] =	stream.indirect.gather [hbm4b:s2+s14], $0x80, s15, s14, $0xb8;
	[tilespmem:$0x1D400] =	vst v63  }
0x6f: {  	_ =	swait.ge [sflag:s12], $0x4000  }
.Ltmp1:
0x70: {  	[sflag:s12] =	ssyncset.done $0x0;
	(pc) =	sbr.rel @p0 .LBB2_4-.Ltmp1, $4  }
0x71: {  	[sflag:s12] =	ssyncadd.s32 $0xFFFFC000  }
0x72: {  	[spmem:s3] =	stream.indirect.scatter.add.f32 [tilespmem:s16], [sflag:$0x1], $0x80, s17, s14, $0xb8;
	[tilespmem:$0x1D400] =	vst v63  }
0x73: {  	_ =	swait.ge [sflag:s12], $0x4000  }
0x74: {  	s22 =	smov.u32 s20;
	[sflag:s12] =	ssyncset.done $0x0  }
0x75: {  	s19 =	sshra.s32 s19, $0x2;
	[sflag:s12] =	ssyncadd.s32 $0xFFFFC000  }
0x76: {  	v1 =	vld [tilespmem:s19+$0x0];
	_ =	sdelay $0x4  }
0x77: {  	[tilespmem:$0x4F00] =	vst v1  }
0x78: {  	v1 =	vld [tilespmem:s19+$0x2780];
	_ =	sdelay $0x4  }
0x79: {  	[tilespmem:$0x4F80] =	vst v1  }
0x7a: {  	v1 =	vld [tilespmem:s19+$0x10];
	_ =	sdelay $0x4  }
0x7b: {  	[tilespmem:$0x4F10] =	vst v1  }
0x7c: {  	v1 =	vld [tilespmem:s19+$0x2790];
	_ =	sdelay $0x4  }
0x7d: {  	[tilespmem:$0x4F90] =	vst v1  }
0x7e: {  	v1 =	vld [tilespmem:s19+$0x20];
	_ =	sdelay $0x4  }
0x7f: {  	[tilespmem:$0x4F20] =	vst v1  }
0x80: {  	v1 =	vld [tilespmem:s19+$0x27A0];
	_ =	sdelay $0x4  }
0x81: {  	[tilespmem:$0x4FA0] =	vst v1  }
0x82: {  	v1 =	vld [tilespmem:s19+$0x30];
	_ =	sdelay $0x4  }
0x83: {  	[tilespmem:$0x4F30] =	vst v1  }
0x84: {  	v1 =	vld [tilespmem:s19+$0x27B0];
	_ =	sdelay $0x4  }
0x85: {  	[tilespmem:$0x4FB0] =	vst v1  }
0x86: {  	v1 =	vld [tilespmem:s19+$0x40];
	_ =	sdelay $0x4  }
0x87: {  	[tilespmem:$0x4F40] =	vst v1  }
0x88: {  	v1 =	vld [tilespmem:s19+$0x27C0];
	_ =	sdelay $0x4  }
0x89: {  	[tilespmem:$0x4FC0] =	vst v1  }
0x8a: {  	v1 =	vld [tilespmem:s19+$0x50];
	_ =	sdelay $0x4  }
0x8b: {  	[tilespmem:$0x4F50] =	vst v1  }
0x8c: {  	v1 =	vld [tilespmem:s19+$0x27D0];
	_ =	sdelay $0x4  }
0x8d: {  	[tilespmem:$0x4FD0] =	vst v1  }
0x8e: {  	v1 =	vld [tilespmem:s19+$0x60];
	_ =	sdelay $0x4  }
0x8f: {  	[tilespmem:$0x4F60] =	vst v1  }
0x90: {  	v1 =	vld [tilespmem:s19+$0x27E0];
	_ =	sdelay $0x4  }
0x91: {  	[tilespmem:$0x4FE0] =	vst v1  }
0x92: {  	v1 =	vld [tilespmem:s19+$0x70];
	_ =	sdelay $0x4  }
0x93: {  	[tilespmem:$0x4F70] =	vst v1  }
0x94: {  	v1 =	vld [tilespmem:s19+$0x27F0];
	_ =	sdelay $0x4  }
0x95: {  	[tilespmem:$0x4FF0] =	vst v1  }
0x96: {  	[tilespmem:s16], [sflag:$0x1] =	stream.indirect.gather [hbm4b:s2+s14], $0x80, s15, s14, $0xb8;
	[tilespmem:$0x1D400] =	vst v63  }
0x97: {  	_ =	swait.ge [sflag:s12], $0x4000  }
0x98: {  	[sflag:s12] =	ssyncset.done $0x0  }
0x99: {  	[sflag:s12] =	ssyncadd.s32 $0xFFFFC000  }
0x9a: {  	[spmem:s3] =	stream.indirect.scatter.add.f32 [tilespmem:s16], [sflag:$0x1], $0x80, s17, s14, $0xb8;
	[tilespmem:$0x1D400] =	vst v63  }
0x9b: {  	_ =	swait.ge [sflag:s12], $0x4000  }
0x9c: {  	s18 =	sadd.s32 $0x1, s18;
	[sflag:s12] =	ssyncset.done $0x0  }
0x9d: {  	p0 =	sne.s32 s18, s10;
	[sflag:s12] =	ssyncadd.s32 $0xFFFFC000  }
.Ltmp2:
0x9e: {  	[bflag:$0x0] =	sbarrier.arrive $0xFFFF;
	(pc) =	sbr.rel @p0 .LBB2_1-.Ltmp2, $4  }
0x9f: {  	[hbm:s9], [sflag:s6] =	dma.local [spmem:s11], $0x2880  }
0xa0: {  	_ =	swait.ge [sflag:s12], $0x2880  }
0xa1: {  	[sflag:s12] =	ssyncset.done $0x0  }
0xa2: {  	[sflag:s12] =	ssyncadd.s32 $0xFFFFD780  }
0xa3: {  	_ =	sfence.sel $0x180000  }
0xa4: {  	[bflag:$0x0] =	sbarrier.arrive $0xFFFF  }
0xa5: {  	p0 =	sne.s32 s1, $0x0;
	_ =	strace $0x90000047  }
0xa6: {  	s0 =	sadd.s32 @!p0 $0x100000, s0;
	[bflag:$0x2] =	sbarrier.arrive $0xFFFF  }
0xa7: {  	[sflag:s0] =	ssyncadd.tile.s32 @!p0 $0x1;
	_ =	shalt  }
.Lfunc_end2:
_tile_overlayer_lowered:
.L_overlay_start_2:
0xa8: {  	(tag) =	ssettag $0x2  }
0xa9: {  	s0 =	rddreg [dreg:$0x0];
	s2 =	stileid.u32  }
0xaa: {  	s1 =	rddreg [dreg:$0x1];
	p0 =	sne.s32 s2, $0x0  }
0xab: {  	s3 =	rddreg [dreg:$0x2];
	[bflag:$0x3] =	sbarrier.arrive $0xFFFF;
	s2 =	simm.s32 @!p0 $0x1C01  }
0xac: {  	[timem:s3], [sflag:s2] =	dma.local @!p0 [hbm:s0], s1  }
0xad: {  	s0 =	simm.s32 @!p0 $0x1  }
0xae: {  	_ =	swait.ge @!p0 [sflag:s0], s1  }
0xaf: {  	s1 =	ssub.s32 @!p0 $0x0, s1;
	[sflag:s0] =	ssyncset.done @!p0 $0x0  }
0xb0: {  	[sflag:s0] =	ssyncadd.s32 @!p0 s1  }
0xb1: {  	[bflag:$0x3] =	sbarrier.arrive $0xFFFF  }
0xb2: {  	_ =	shalt  }

// kernel: kernel.21.cloned.1.call-start
scs
__scs_entry_jumppad:
0x0: {  	(pc) =	sbr.rel $0x88, $3  }
0x1: {  	(tag) =	ssettag $0x0;
	lr =	simm.s32 $0x1  }
0x2: {  	[smem:$0x3F98] =	sst lr;
	_ =	strace $0xD0000000  }
0x3: {  	_ = 	snop  }
0x4: {  	_ = 	snop  }
0x5: {  	_ = 	snop  }
0x6: {  	_ = 	snop  }
0x7: {  	_ = 	snop  }
__scs_overlays_trampoline_lowered:
0x8: {  	[smem:$0x3FA7] =	sst s0  }
0x9: {  	[smem:$0x3FA8] =	sst s1  }
0xa: {  	[smem:$0x3FA9] =	sst s2  }
0xb: {  	[smem:$0x3FAA] =	sst s3  }
0xc: {  	[smem:$0x3FAB] =	sst s4  }
0xd: {  	[smem:$0x3FAC] =	sst s5  }
0xe: {  	[smem:$0x3FAD] =	sst s6  }
0xf: {  	[smem:$0x3FAE] =	sst s7  }
0x10: {  	[smem:$0x3FAF] =	sst s8  }
0x11: {  	[smem:$0x3FB0] =	sst s9;
	s0 =	simm.s32 @!p0 $0x0  }
0x12: {  	s1 =	sld [smem:$0x3F96];
	s0 =	simm.s32 @p0 $0x1  }
0x13: {  	[smem:$0x3FB1] =	sst s0;
	s0 =	simm.s32 @!p1 $0x0  }
0x14: {  	s2 =	sld [smem:$0x3F95];
	s0 =	simm.s32 @p1 $0x1  }
0x15: {  	[smem:$0x3FB2] =	sst s0;
	s0 =	simm.s32 @!p2 $0x0  }
0x16: {  	s3 =	sld [smem:$0x3FDB];
	s0 =	simm.s32 @p2 $0x1  }
0x17: {  	s4 =	simm.s32 $0x1BF5;
	[smem:$0x3FB4] =	sst s0  }
0x18: {  	s0 =	sld [smem:$0x3F97];
	_ =	swait.ge [sflag:s4], $0x0  }
0x19: {  	s7 =	sld [smem:$0x3F98]  }
0x1a: {  	s8 =	sadd.s32 $0xFFFFE003, lr  }
0x1b: {  	s9 =	sadd.s32 $0xFFFFFEF7, lr;
	s5 =	simm.s32 $0xFFFFFFFF;
	p2 =	slt.u32 s8, $0xFFFFF086  }
0x1c: {  	p1 =	slt.u32 s9, $0xF7A;
	s5 =	simm.s32 @!p2 $0x0  }
0x1d: {  	s5 =	simm.s32 @p1 $0x1;
	p0 =	seq.s32 s7, s2  }
0x1e: {  	s7 =	smul.u32 @!p0 $0xF7A, s2;
	p2 =	seq.s32 @!p0 s5, $0x0  }
0x1f: {  	s9 =	smul.u32 $0xF7A, s1;
	s8 =	simm.s32 @!p0 $0x1BF5;
	p2 =	por !p2, p0  }
0x20: {  	[sflag:s8] =	ssyncset.s32 @!p0 $0xFFFFF086;
	s6 =	sadd.s32 @!p0 s3, s7;
	s7 =	simm.s32 @!p0 $0x108  }
0x21: {  	s3 =	sadd.s32 s3, s9;
	s6 =	sadd.s32 @!p0 $0x88, s6;
	s7 =	simm.s32 @p2 $0x1082  }
0x22: {  	[simem:s7], [sflag:s8] =	dma.local @!p0 [hbm:s6], $0xF7A  }
0x23: {  	s9 =	sor.u32 $0xD0000000, s2;
	s6 =	simm.s32 $0x108;
	_ =	swait.ge @!p0 [sflag:s8], $0x0  }
0x24: {  	s3 =	sadd.s32 $0x88, s3;
	s6 =	simm.s32 @!p1 $0x1082;
	[sflag:s4] =	ssyncset.s32 $0xFFFFF086  }
0x25: {  	[simem:s6], [sflag:s4] =	dma.local [hbm:s3], $0xF7A  }
0x26: {  	[smem:$0x3F98] =	sst s1;
	(tag) =	ssettag s2;
	_ =	strace s9  }
0x27: {  	s1 =	sld [smem:$0x3FA8]  }
0x28: {  	s2 =	sld [smem:$0x3FA9]  }
0x29: {  	s4 =	sld [smem:$0x3FAB]  }
0x2a: {  	p0 =	seq.s32 s5, $0x0;
	s5 =	sld [smem:$0x3FAC]  }
0x2b: {  	s6 =	sld [smem:$0x3FAD]  }
0x2c: {  	s7 =	sld [smem:$0x3FAE]  }
0x2d: {  	s3 =	simm.s32 $0x108;
	s8 =	sld [smem:$0x3FAF]  }
0x2e: {  	s3 =	simm.s32 @!p0 $0x1082;
	s9 =	sld [smem:$0x3FB0]  }
0x2f: {  	lr =	sadd.s32 s0, s3;
	s0 =	sld [smem:$0x3FA7]  }
0x30: {  	s3 =	sld [smem:$0x3FAA]  }
0x31: {  	[smem:$0x3FB3] =	sst s10  }
0x32: {  	s10 =	sld [smem:$0x3FB1];
	_ =	sdelay $0x3  }
0x33: {  	p0 =	seq.s32 s10, $0x1;
	s10 =	sld [smem:$0x3FB3];
	_ =	sdelay $0x3  }
0x34: {  	[smem:$0x3FB3] =	sst s10  }
0x35: {  	s10 =	sld [smem:$0x3FB2];
	_ =	sdelay $0x3  }
0x36: {  	p1 =	seq.s32 s10, $0x1;
	s10 =	sld [smem:$0x3FB3];
	_ =	sdelay $0x3  }
0x37: {  	[smem:$0x3FB3] =	sst s10  }
0x38: {  	s10 =	sld [smem:$0x3FB4]  }
0x39: {  	_ = 	snop;
	(pc) =	sbr.ind lr, $3  }
0x3a: {  	_ = 	snop  }
0x3b: {  	_ = 	snop  }
0x3c: {  	p2 =	seq.s32 s10, $0x1;
	s10 =	sld [smem:$0x3FB3]  }
0x3d: {  	_ =	shalt  }
0x3e: {  	_ =	shalt  }
0x3f: {  	_ =	shalt  }
0x40: {  	_ =	shalt  }
0x41: {  	_ =	shalt  }
0x42: {  	_ =	shalt  }
0x43: {  	_ =	shalt  }
0x44: {  	_ =	shalt  }
0x45: {  	_ =	shalt  }
0x46: {  	_ =	shalt  }
0x47: {  	_ =	shalt  }
0x48: {  	_ =	shalt  }
0x49: {  	_ =	shalt  }
0x4a: {  	_ =	shalt  }
0x4b: {  	_ =	shalt  }
0x4c: {  	_ =	shalt  }
0x4d: {  	_ =	shalt  }
0x4e: {  	_ =	shalt  }
0x4f: {  	_ =	shalt  }
0x50: {  	_ =	shalt  }
0x51: {  	_ =	shalt  }
0x52: {  	_ =	shalt  }
0x53: {  	_ =	shalt  }
0x54: {  	_ =	shalt  }
0x55: {  	_ =	shalt  }
0x56: {  	_ =	shalt  }
0x57: {  	_ =	shalt  }
0x58: {  	_ =	shalt  }
0x59: {  	_ =	shalt  }
0x5a: {  	_ =	shalt  }
0x5b: {  	_ =	shalt  }
0x5c: {  	_ =	shalt  }
0x5d: {  	_ =	shalt  }
0x5e: {  	_ =	shalt  }
0x5f: {  	_ =	shalt  }
0x60: {  	_ =	shalt  }
0x61: {  	_ =	shalt  }
0x62: {  	_ =	shalt  }
0x63: {  	_ =	shalt  }
0x64: {  	_ =	shalt  }
0x65: {  	_ =	shalt  }
0x66: {  	_ =	shalt  }
0x67: {  	_ =	shalt  }
0x68: {  	_ =	shalt  }
0x69: {  	_ =	shalt  }
0x6a: {  	_ =	shalt  }
0x6b: {  	_ =	shalt  }
0x6c: {  	_ =	shalt  }
0x6d: {  	_ =	shalt  }
0x6e: {  	_ =	shalt  }
0x6f: {  	_ =	shalt  }
0x70: {  	_ =	shalt  }
0x71: {  	_ =	shalt  }
0x72: {  	_ =	shalt  }
0x73: {  	_ =	shalt  }
0x74: {  	_ =	shalt  }
0x75: {  	_ =	shalt  }
0x76: {  	_ =	shalt  }
0x77: {  	_ =	shalt  }
0x78: {  	_ =	shalt  }
0x79: {  	_ =	shalt  }
0x7a: {  	_ =	shalt  }
0x7b: {  	_ =	shalt  }
0x7c: {  	_ =	shalt  }
0x7d: {  	_ =	shalt  }
0x7e: {  	_ =	shalt  }
0x7f: {  	_ =	shalt  }
0x80: {  	_ =	shalt  }
0x81: {  	_ =	shalt  }
0x82: {  	_ =	shalt  }
0x83: {  	_ =	shalt  }
0x84: {  	_ =	shalt  }
0x85: {  	_ =	shalt  }
0x86: {  	_ =	shalt  }
0x87: {  	_ =	shalt  }
.Lfunc_end0:
.L_simem_size_0:
called_computation.2_lowered:
.L_overlay_start_0:
0x88: {  	s2 =	sld [smem:$0x3FD9]  }
0x89: {  	s3 =	sld [smem:$0x3FFE];
	_ =	sdelay $0x1  }
0x8a: {  	s1 =	srdreg.scid  }
0x8b: {  	s0 =	sand.u32 $0x1, s1  }
0x8c: {  	s17 =	sshll.u32 s0, $0xA;
	s2 =	sadd.s32 s3, s2  }
0x8d: {  	s2 =	sadd.s32 s2, s17  }
0x8e: {  	[smem:$0x3FBF] =	sst s2  }
0x8f: {  	_ = 	snop  }
0x90: {  	s2 =	sld [smem:$0x3FD0];
	(tm) =	ssettm $0x1  }
0x91: {  	s18 =	sld [smem:$0x3FFB];
	_ =	sdelay $0x3  }
0x92: {  	_ =	strace s18  }
0x93: {  	s3 =	sld [smem:$0x3FFC];
	_ =	sdelay $0x3  }
0x94: {  	_ =	strace s3  }
0x95: {  	s3 =	sld [smem:$0x3FFD];
	_ =	sdelay $0x3  }
0x96: {  	_ =	strace s3  }
0x97: {  	_ =	strace $0x8FFFFFFF  }
0x98: {  	s19 =	sld [smem:$0x3FDB];
	_ =	sdelay $0x1  }
0x99: {  	s4 =	simm.s32 $_scs_section_size  }
0x9a: {  	s5 =	simm.s32 $_size__tile_overlayer_lowered;
	s6 =	simm.s32 $_tile_overlayer_lowered  }
0x9b: {  	s22 =	simm.s32 $0x1BFF;
	s21 =	sshll.u32 s6, $0x1;
	s3 =	sadd.s32 s4, s19  }
0x9c: {  	s7 =	simm.s32 $0x0;
	s20 =	sshll.u32 s5, $0x1;
	s5 =	sadd.s32 s21, s3  }
0x9d: {  	[timem:s7], [sflag:s22] =	dma.local [hbm:s5], s20  }
0x9e: {  	_ =	swait.ge [sflag:s22], s20  }
0x9f: {  	s4 =	ssub.s32 $0x0, s20;
	[sflag:s22] =	ssyncset.done $0x0  }
0xa0: {  	[sflag:s22] =	ssyncadd.s32 s4;
	_ =	sdelay $0x1  }
0xa1: {  	s23 =	simm.s32 $0x1B8B  }
0xa2: {  	_ =	swait.ge [sflag:s23], $0x1  }
0xa3: {  	[sflag:s23] =	ssyncset.done $0x0  }
0xa4: {  	s25 =	simm.s32 $0x1B8E;
	s24 =	sld [smem:$0x3FFE];
	[sflag:s23] =	ssyncadd.s32 $0xFFFFFFFF  }
0xa5: {  	s26 =	simm.s32 $execute0_lowered;
	[smem:$0x3FD2] =	sst s25  }
0xa6: {  	s5 =	sshll.u32 s26, $0x1;
	_ =	strace $0x8000004C;
	[dreg:$0x1] =	wrdreg $0xFFFFFFFF  }
0xa7: {  	s28 =	simm.s32 $_size_execute0_lowered;
	s3 =	sadd.s32 s3, s5;
	[dreg:$0x0] =	wrdreg $0x0  }
0xa8: {  	s5 =	sshll.u32 s28, $0x1;
	[dreg:$0x2] =	wrdreg s3  }
0xa9: {  	[dreg:$0x3] =	wrdreg s5  }
0xaa: {  	[dreg:$0x4] =	wrdreg $0xC0  }
0xab: {  	_ =	task [dreg:s7], $0x5FFFF  }
0xac: {  	[dreg:$0x1] =	wrdreg $0xFFFFFFFF  }
0xad: {  	[dreg:$0x0] =	wrdreg $0x60  }
0xae: {  	[dreg:$0x2] =	wrdreg s2  }
0xaf: {  	[dreg:$0x3] =	wrdreg s24  }
0xb0: {  	[dreg:$0x4] =	wrdreg $0x90000  }
0xb1: {  	[dreg:$0x5] =	wrdreg $0x9  }
0xb2: {  	_ =	task.clear_ibuf [dreg:s7], $0x6FFFF;
	_ =	strace $0x9000004C  }
0xb3: {  	s29 =	simm.s32 $0x9;
	_ =	strace $0x8000004E  }
0xb4: {  	_ =	swait.ge [sflag:s29], $0x1  }
0xb5: {  	[sflag:s29] =	ssyncadd.s32 $0xFFFFFFFF  }
0xb6: {  	_ =	strace $0x9000004E  }
0xb7: {  	_ =	sfence  }
0xb8: {  	s30 =	sld [smem:$0x0];
	_ =	sdelay $0x2  }
0xb9: {  	s31 =	sshll.u32 s1, $0xD;
	s1 =	sshrl.u32 s1, $0x2  }
0xba: {  	s3 =	sand.u32 $0x4000, s31;
	s1 =	sadd.s32 s1, s30  }
0xbb: {  	s0 =	sor.u32 s3, s0;
	s1 =	sshll.u32 s1, $0x11  }
0xbc: {  	s0 =	sor.u32 s1, s0  }
0xbd: {  	s0 =	sadd.s32 $0x8F2B, s0  }
0xbe: {  	[sflag:s0] =	ssyncadd.remote.s32 $0x1  }
0xbf: {  	_ =	sfence.sel $0xFFFF  }
0xc0: {  	[dreg:$0x0] =	wrdreg $0xFFFFFFFF;
	(pc) =	sbr.abs _section_cstart, $3  }
0xc1: {  	[dreg:$0x1] =	wrdreg $0xFFFFFFFF  }
0xc2: {  	_ =	task.clear_ibuf [dreg:s7], $0x2FFFF;
	_ =	strace $0x9FFFFFFF  }
0xc3: {  	(tm) =	ssettm $0x7FFFFFFF  }
tec
execute0_lowered:
.L_overlay_start_1:
0x0: {  	(tag) =	ssettag $0x1  }
0x1: {  	s2 =	rddreg [dreg:$0x0]  }
0x2: {  	s6 =	rddreg [dreg:$0x1]  }
0x3: {  	s3 =	rddreg [dreg:$0x2]  }
0x4: {  	s0 =	rddreg [dreg:$0x3];
	s1 =	stileid.u32  }
0x5: {  	s7 =	srdreg.scid;
	s4 =	simm.s32 $0x0;
	s14 =	simm.s32 $0x80  }
0x6: {  	s15 =	simm.s32 $0x4F00;
	s17 =	simm.s32 $0x4F80;
	s5 =	smul.u32 $0x4F0, s1  }
0x7: {  	s18 =	simm.s32 $0x0;
	s9 =	sand.u32 $0x1, s7;
	s26 =	smul.u32 $0x2880, s1  }
0x8: {  	[smem:$0x7FF] =	sst s4;
	s11 =	smul.u32 $0x51000, s1;
	s31 =	sshll.u32 s1, $0x6  }
0x9: {  	s8 =	smul.u32 $0x28800, s9;
	_ =	strace $0x8000004D;
	s28 =	ssub.s32 $0x2, s9  }
0xa: {  	s16 =	smul.u32 $0x2710, s9;
	s10 =	sadd.s32 s5, s6;
	s5 =	sadd.s32 $0x13000, s6  }
0xb: {  	s29 =	sshrl.u32 s28, $0x1;
	s30 =	sshrl.u32 s11, $0x2;
	s7 =	sadd.s32 s26, s8  }
0xc: {  	s13 =	ssub.s32 s28, s29;
	s11 =	sadd.s32 s30, s3;
	s8 =	sadd.s32 $0x9000, s10  }
0xd: {  	v0 =	vmov s16;
	s16 =	simm.s32 $0x5000;
	s12 =	sadd.s32 s7, s6;
	s6 =	sor.u32 $0x1C01, s31  }
0xe: {  	s7 =	sadd.s32 $0xE000, s10;
	s10 =	smax.u32 s13, $0x1;
	s11 =	sshrl.u32 s11, $0x3  }
0xf: {  	s13 =	simm.s32 $0x2780;
	s9 =	sadd.s32 $0x15A00, s12;
	s12 =	simm.s32 $0x1  }
.LBB2_1:
0x10: {  	[spmem:s11], [sflag:s6] =	dma.local [hbm:s5], $0x2880  }
0x11: {  	_ =	swait.ge [sflag:s12], $0x2880  }
0x12: {  	[sflag:s12] =	ssyncset.done $0x0  }
0x13: {  	[sflag:s12] =	ssyncadd.s32 $0xFFFFD780  }
0x14: {  	[tilespmem:s4], [sflag:$0x1] =	stream.linear.gather [hbm4b:s7+s4], $0x2780, $0x38;
	[tilespmem:$0x1D400] =	vst v63  }
0x15: {  	_ =	swait.ge [sflag:s12], $0x2780  }
0x16: {  	[sflag:s12] =	ssyncset.done $0x0  }
0x17: {  	[sflag:s12] =	ssyncadd.s32 $0xFFFFD880  }
0x18: {  	[tilespmem:s13], [sflag:$0x1] =	stream.linear.gather [hbm4b:s8+s4], $0x2780, $0x38;
	[tilespmem:$0x1D400] =	vst v63  }
0x19: {  	_ =	swait.ge [sflag:s12], $0x2780  }
0x1a: {  	[sflag:s12] =	ssyncset.done $0x0  }
0x1b: {  	s19 =	simm.s32 $0x0;
	s20 =	simm.s32 $0x40;
	[sflag:s12] =	ssyncadd.s32 $0xFFFFD880  }
.LBB2_2:
0x1c: {  	p0 =	sne.s32 s20, $0x9DC0;
	v1 =	vld [tilespmem:s19+$0x0];
	_ =	sdelay $0x1  }
.Ltmp0:
0x1d: {  	(pc) =	sbr.rel @p0 .LBB2_2-.Ltmp0, $3  }
0x1e: {  	_ =	sdelay $0x1  }
0x1f: {  	v1 =	vadd.s32 v0, v1  }
0x20: {  	[tilespmem:s19+$0x0] =	vst v1;
	s19 =	sshra.s32 s20, $0x2;
	s20 =	sadd.s32 $0x40, s20  }
0x21: {  	v1 =	vld [tilespmem:s19+$0x0];
	_ =	sdelay $0x4  }
0x22: {  	v1 =	vadd.s32 v0, v1  }
0x23: {  	[tilespmem:s19+$0x0] =	vst v1  }
0x24: {  	s31 =	simm.s32 $0x0;
	[bflag:$0x0] =	sbarrier.arrive $0xFFFF  }
0x25: {  	v1 =	vld [tilespmem:s31+$0x0];
	_ =	sdelay $0x4  }
0x26: {  	[tilespmem:$0x4F00] =	vst v1  }
0x27: {  	v1 =	vld [tilespmem:s31+$0x2780];
	_ =	sdelay $0x4  }
0x28: {  	[tilespmem:$0x4F80] =	vst v1  }
0x29: {  	v1 =	vld [tilespmem:s31+$0x10];
	_ =	sdelay $0x4  }
0x2a: {  	[tilespmem:$0x4F10] =	vst v1  }
0x2b: {  	v1 =	vld [tilespmem:s31+$0x2790];
	_ =	sdelay $0x4  }
0x2c: {  	[tilespmem:$0x4F90] =	vst v1  }
0x2d: {  	v1 =	vld [tilespmem:s31+$0x20];
	_ =	sdelay $0x4  }
0x2e: {  	[tilespmem:$0x4F20] =	vst v1  }
0x2f: {  	v1 =	vld [tilespmem:s31+$0x27A0];
	_ =	sdelay $0x4  }
0x30: {  	[tilespmem:$0x4FA0] =	vst v1  }
0x31: {  	v1 =	vld [tilespmem:s31+$0x30];
	_ =	sdelay $0x4  }
0x32: {  	[tilespmem:$0x4F30] =	vst v1  }
0x33: {  	v1 =	vld [tilespmem:s31+$0x27B0];
	_ =	sdelay $0x4  }
0x34: {  	[tilespmem:$0x4FB0] =	vst v1  }
0x35: {  	v1 =	vld [tilespmem:s31+$0x40];
	_ =	sdelay $0x4  }
0x36: {  	[tilespmem:$0x4F40] =	vst v1  }
0x37: {  	v1 =	vld [tilespmem:s31+$0x27C0];
	_ =	sdelay $0x4  }
0x38: {  	[tilespmem:$0x4FC0] =	vst v1  }
0x39: {  	v1 =	vld [tilespmem:s31+$0x50];
	_ =	sdelay $0x4  }
0x3a: {  	[tilespmem:$0x4F50] =	vst v1  }
0x3b: {  	v1 =	vld [tilespmem:s31+$0x27D0];
	_ =	sdelay $0x4  }
0x3c: {  	[tilespmem:$0x4FD0] =	vst v1  }
0x3d: {  	v1 =	vld [tilespmem:s31+$0x60];
	_ =	sdelay $0x4  }
0x3e: {  	[tilespmem:$0x4F60] =	vst v1  }
0x3f: {  	v1 =	vld [tilespmem:s31+$0x27E0];
	_ =	sdelay $0x4  }
0x40: {  	[tilespmem:$0x4FE0] =	vst v1  }
0x41: {  	v1 =	vld [tilespmem:s31+$0x70];
	_ =	sdelay $0x4  }
0x42: {  	[tilespmem:$0x4F70] =	vst v1  }
0x43: {  	v1 =	vld [tilespmem:s31+$0x27F0];
	_ =	sdelay $0x4  }
0x44: {  	[tilespmem:$0x4FF0] =	vst v1  }
0x45: {  	[tilespmem:s16], [sflag:$0x1] =	stream.indirect.gather [hbm4b:s2+s14], $0x80, s15, s14, $0xb8;
	[tilespmem:$0x1D400] =	vst v63  }
0x46: {  	_ =	swait.ge [sflag:s12], $0x4000  }
0x47: {  	[sflag:s12] =	ssyncset.done $0x0  }
0x48: {  	[sflag:s12] =	ssyncadd.s32 $0xFFFFC000  }
0x49: {  	[spmem:s3] =	stream.indirect.scatter.add.f32 [tilespmem:s16], [sflag:$0x1], $0x80, s17, s14, $0xb8;
	[tilespmem:$0x1D400] =	vst v63  }
0x4a: {  	_ =	swait.ge [sflag:s12], $0x4000  }
0x4b: {  	s22 =	simm.s32 $0x400;
	s19 =	simm.s32 $0x200;
	[sflag:s12] =	ssyncset.done $0x0  }
.LBB2_4:
0x4c: {  	s21 =	sshra.s32 s19, $0x2  }
0x4d: {  	[sflag:s12] =	ssyncadd.s32 $0xFFFFC000;
	s19 =	smov.u32 s22;
	s20 =	sadd.s32 $0x200, s22  }
0x4e: {  	p0 =	sne.s32 s22, $0x9C00;
	v1 =	vld [tilespmem:s21+$0x0];
	_ =	sdelay $0x4  }
0x4f: {  	[tilespmem:$0x4F00] =	vst v1  }
0x50: {  	v1 =	vld [tilespmem:s21+$0x2780];
	_ =	sdelay $0x4  }
0x51: {  	[tilespmem:$0x4F80] =	vst v1  }
0x52: {  	v1 =	vld [tilespmem:s21+$0x10];
	_ =	sdelay $0x4  }
0x53: {  	[tilespmem:$0x4F10] =	vst v1  }
0x54: {  	v1 =	vld [tilespmem:s21+$0x2790];
	_ =	sdelay $0x4  }
0x55: {  	[tilespmem:$0x4F90] =	vst v1  }
0x56: {  	v1 =	vld [tilespmem:s21+$0x20];
	_ =	sdelay $0x4  }
0x57: {  	[tilespmem:$0x4F20] =	vst v1  }
0x58: {  	v1 =	vld [tilespmem:s21+$0x27A0];
	_ =	sdelay $0x4  }
0x59: {  	[tilespmem:$0x4FA0] =	vst v1  }
0x5a: {  	v1 =	vld [tilespmem:s21+$0x30];
	_ =	sdelay $0x4  }
0x5b: {  	[tilespmem:$0x4F30] =	vst v1  }
0x5c: {  	v1 =	vld [tilespmem:s21+$0x27B0];
	_ =	sdelay $0x4  }
0x5d: {  	[tilespmem:$0x4FB0] =	vst v1  }
0x5e: {  	v1 =	vld [tilespmem:s21+$0x40];
	_ =	sdelay $0x4  }
0x5f: {  	[tilespmem:$0x4F40] =	vst v1  }
0x60: {  	v1 =	vld [tilespmem:s21+$0x27C0];
	_ =	sdelay $0x4  }
0x61: {  	[tilespmem:$0x4FC0] =	vst v1  }
0x62: {  	v1 =	vld [tilespmem:s21+$0x50];
	_ =	sdelay $0x4  }
0x63: {  	[tilespmem:$0x4F50] =	vst v1  }
0x64: {  	v1 =	vld [tilespmem:s21+$0x27D0];
	_ =	sdelay $0x4  }
0x65: {  	[tilespmem:$0x4FD0] =	vst v1  }
0x66: {  	v1 =	vld [tilespmem:s21+$0x60];
	_ =	sdelay $0x4  }
0x67: {  	[tilespmem:$0x4F60] =	vst v1  }
0x68: {  	v1 =	vld [tilespmem:s21+$0x27E0];
	_ =	sdelay $0x4  }
0x69: {  	[tilespmem:$0x4FE0] =	vst v1  }
0x6a: {  	v1 =	vld [tilespmem:s21+$0x70];
	_ =	sdelay $0x4  }
0x6b: {  	[tilespmem:$0x4F70] =	vst v1  }
0x6c: {  	v1 =	vld [tilespmem:s21+$0x27F0];
	_ =	sdelay $0x4  }
0x6d: {  	[tilespmem:$0x4FF0] =	vst v1  }
0x6e: {  	[tilespmem:s16], [sflag:$0x1] =	stream.indirect.gather [hbm4b:s2+s14], $0x80, s15, s14, $0xb8;
	[tilespmem:$0x1D400] =	vst v63  }
0x6f: {  	_ =	swait.ge [sflag:s12], $0x4000  }
.Ltmp1:
0x70: {  	[sflag:s12] =	ssyncset.done $0x0;
	(pc) =	sbr.rel @p0 .LBB2_4-.Ltmp1, $4  }
0x71: {  	[sflag:s12] =	ssyncadd.s32 $0xFFFFC000  }
0x72: {  	[spmem:s3] =	stream.indirect.scatter.add.f32 [tilespmem:s16], [sflag:$0x1], $0x80, s17, s14, $0xb8;
	[tilespmem:$0x1D400] =	vst v63  }
0x73: {  	_ =	swait.ge [sflag:s12], $0x4000  }
0x74: {  	s22 =	smov.u32 s20;
	[sflag:s12] =	ssyncset.done $0x0  }
0x75: {  	s19 =	sshra.s32 s19, $0x2;
	[sflag:s12] =	ssyncadd.s32 $0xFFFFC000  }
0x76: {  	v1 =	vld [tilespmem:s19+$0x0];
	_ =	sdelay $0x4  }
0x77: {  	[tilespmem:$0x4F00] =	vst v1  }
0x78: {  	v1 =	vld [tilespmem:s19+$0x2780];
	_ =	sdelay $0x4  }
0x79: {  	[tilespmem:$0x4F80] =	vst v1  }
0x7a: {  	v1 =	vld [tilespmem:s19+$0x10];
	_ =	sdelay $0x4  }
0x7b: {  	[tilespmem:$0x4F10] =	vst v1  }
0x7c: {  	v1 =	vld [tilespmem:s19+$0x2790];
	_ =	sdelay $0x4  }
0x7d: {  	[tilespmem:$0x4F90] =	vst v1  }
0x7e: {  	v1 =	vld [tilespmem:s19+$0x20];
	_ =	sdelay $0x4  }
0x7f: {  	[tilespmem:$0x4F20] =	vst v1  }
0x80: {  	v1 =	vld [tilespmem:s19+$0x27A0];
	_ =	sdelay $0x4  }
0x81: {  	[tilespmem:$0x4FA0] =	vst v1  }
0x82: {  	v1 =	vld [tilespmem:s19+$0x30];
	_ =	sdelay $0x4  }
0x83: {  	[tilespmem:$0x4F30] =	vst v1  }
0x84: {  	v1 =	vld [tilespmem:s19+$0x27B0];
	_ =	sdelay $0x4  }
0x85: {  	[tilespmem:$0x4FB0] =	vst v1  }
0x86: {  	v1 =	vld [tilespmem:s19+$0x40];
	_ =	sdelay $0x4  }
0x87: {  	[tilespmem:$0x4F40] =	vst v1  }
0x88: {  	v1 =	vld [tilespmem:s19+$0x27C0];
	_ =	sdelay $0x4  }
0x89: {  	[tilespmem:$0x4FC0] =	vst v1  }
0x8a: {  	v1 =	vld [tilespmem:s19+$0x50];
	_ =	sdelay $0x4  }
0x8b: {  	[tilespmem:$0x4F50] =	vst v1  }
0x8c: {  	v1 =	vld [tilespmem:s19+$0x27D0];
	_ =	sdelay $0x4  }
0x8d: {  	[tilespmem:$0x4FD0] =	vst v1  }
0x8e: {  	v1 =	vld [tilespmem:s19+$0x60];
	_ =	sdelay $0x4  }
0x8f: {  	[tilespmem:$0x4F60] =	vst v1  }
0x90: {  	v1 =	vld [tilespmem:s19+$0x27E0];
	_ =	sdelay $0x4  }
0x91: {  	[tilespmem:$0x4FE0] =	vst v1  }
0x92: {  	v1 =	vld [tilespmem:s19+$0x70];
	_ =	sdelay $0x4  }
0x93: {  	[tilespmem:$0x4F70] =	vst v1  }
0x94: {  	v1 =	vld [tilespmem:s19+$0x27F0];
	_ =	sdelay $0x4  }
0x95: {  	[tilespmem:$0x4FF0] =	vst v1  }
0x96: {  	[tilespmem:s16], [sflag:$0x1] =	stream.indirect.gather [hbm4b:s2+s14], $0x80, s15, s14, $0xb8;
	[tilespmem:$0x1D400] =	vst v63  }
0x97: {  	_ =	swait.ge [sflag:s12], $0x4000  }
0x98: {  	[sflag:s12] =	ssyncset.done $0x0  }
0x99: {  	[sflag:s12] =	ssyncadd.s32 $0xFFFFC000  }
0x9a: {  	[spmem:s3] =	stream.indirect.scatter.add.f32 [tilespmem:s16], [sflag:$0x1], $0x80, s17, s14, $0xb8;
	[tilespmem:$0x1D400] =	vst v63  }
0x9b: {  	_ =	swait.ge [sflag:s12], $0x4000  }
0x9c: {  	s18 =	sadd.s32 $0x1, s18;
	[sflag:s12] =	ssyncset.done $0x0  }
0x9d: {  	p0 =	sne.s32 s18, s10;
	[sflag:s12] =	ssyncadd.s32 $0xFFFFC000  }
.Ltmp2:
0x9e: {  	[bflag:$0x0] =	sbarrier.arrive $0xFFFF;
	(pc) =	sbr.rel @p0 .LBB2_1-.Ltmp2, $4  }
0x9f: {  	[hbm:s9], [sflag:s6] =	dma.local [spmem:s11], $0x2880  }
0xa0: {  	_ =	swait.ge [sflag:s12], $0x2880  }
0xa1: {  	[sflag:s12] =	ssyncset.done $0x0  }
0xa2: {  	[sflag:s12] =	ssyncadd.s32 $0xFFFFD780  }
0xa3: {  	_ =	sfence.sel $0x180000  }
0xa4: {  	[bflag:$0x0] =	sbarrier.arrive $0xFFFF  }
0xa5: {  	p0 =	sne.s32 s1, $0x0;
	_ =	strace $0x9000004D  }
0xa6: {  	s0 =	sadd.s32 @!p0 $0x100000, s0;
	[bflag:$0x2] =	sbarrier.arrive $0xFFFF  }
0xa7: {  	[sflag:s0] =	ssyncadd.tile.s32 @!p0 $0x1;
	_ =	shalt  }
.Lfunc_end2:
_tile_overlayer_lowered:
.L_overlay_start_2:
0xa8: {  	(tag) =	ssettag $0x2  }
0xa9: {  	s0 =	rddreg [dreg:$0x0];
	s2 =	stileid.u32  }
0xaa: {  	s1 =	rddreg [dreg:$0x1];
	p0 =	sne.s32 s2, $0x0  }
0xab: {  	s3 =	rddreg [dreg:$0x2];
	[bflag:$0x3] =	sbarrier.arrive $0xFFFF;
	s2 =	simm.s32 @!p0 $0x1C01  }
0xac: {  	[timem:s3], [sflag:s2] =	dma.local @!p0 [hbm:s0], s1  }
0xad: {  	s0 =	simm.s32 @!p0 $0x1  }
0xae: {  	_ =	swait.ge @!p0 [sflag:s0], s1  }
0xaf: {  	s1 =	ssub.s32 @!p0 $0x0, s1;
	[sflag:s0] =	ssyncset.done @!p0 $0x0  }
0xb0: {  	[sflag:s0] =	ssyncadd.s32 @!p0 s1  }
0xb1: {  	[bflag:$0x3] =	sbarrier.arrive $0xFFFF  }
0xb2: {  	_ =	shalt  }

// kernel: kernel.24.cloned.1.call-start
scs
__scs_entry_jumppad:
0x0: {  	(pc) =	sbr.rel $0x88, $3  }
0x1: {  	(tag) =	ssettag $0x0;
	lr =	simm.s32 $0x1  }
0x2: {  	[smem:$0x3F98] =	sst lr;
	_ =	strace $0xD0000000  }
0x3: {  	_ = 	snop  }
0x4: {  	_ = 	snop  }
0x5: {  	_ = 	snop  }
0x6: {  	_ = 	snop  }
0x7: {  	_ = 	snop  }
__scs_overlays_trampoline_lowered:
0x8: {  	[smem:$0x3FA7] =	sst s0  }
0x9: {  	[smem:$0x3FA8] =	sst s1  }
0xa: {  	[smem:$0x3FA9] =	sst s2  }
0xb: {  	[smem:$0x3FAA] =	sst s3  }
0xc: {  	[smem:$0x3FAB] =	sst s4  }
0xd: {  	[smem:$0x3FAC] =	sst s5  }
0xe: {  	[smem:$0x3FAD] =	sst s6  }
0xf: {  	[smem:$0x3FAE] =	sst s7  }
0x10: {  	[smem:$0x3FAF] =	sst s8  }
0x11: {  	[smem:$0x3FB0] =	sst s9;
	s0 =	simm.s32 @!p0 $0x0  }
0x12: {  	s1 =	sld [smem:$0x3F96];
	s0 =	simm.s32 @p0 $0x1  }
0x13: {  	[smem:$0x3FB1] =	sst s0;
	s0 =	simm.s32 @!p1 $0x0  }
0x14: {  	s2 =	sld [smem:$0x3F95];
	s0 =	simm.s32 @p1 $0x1  }
0x15: {  	[smem:$0x3FB2] =	sst s0;
	s0 =	simm.s32 @!p2 $0x0  }
0x16: {  	s3 =	sld [smem:$0x3FDB];
	s0 =	simm.s32 @p2 $0x1  }
0x17: {  	s4 =	simm.s32 $0x1BF5;
	[smem:$0x3FB4] =	sst s0  }
0x18: {  	s0 =	sld [smem:$0x3F97];
	_ =	swait.ge [sflag:s4], $0x0  }
0x19: {  	s7 =	sld [smem:$0x3F98]  }
0x1a: {  	s8 =	sadd.s32 $0xFFFFE003, lr  }
0x1b: {  	s9 =	sadd.s32 $0xFFFFFEF7, lr;
	s5 =	simm.s32 $0xFFFFFFFF;
	p2 =	slt.u32 s8, $0xFFFFF086  }
0x1c: {  	p1 =	slt.u32 s9, $0xF7A;
	s5 =	simm.s32 @!p2 $0x0  }
0x1d: {  	s5 =	simm.s32 @p1 $0x1;
	p0 =	seq.s32 s7, s2  }
0x1e: {  	s7 =	smul.u32 @!p0 $0xF7A, s2;
	p2 =	seq.s32 @!p0 s5, $0x0  }
0x1f: {  	s9 =	smul.u32 $0xF7A, s1;
	s8 =	simm.s32 @!p0 $0x1BF5;
	p2 =	por !p2, p0  }
0x20: {  	[sflag:s8] =	ssyncset.s32 @!p0 $0xFFFFF086;
	s6 =	sadd.s32 @!p0 s3, s7;
	s7 =	simm.s32 @!p0 $0x108  }
0x21: {  	s3 =	sadd.s32 s3, s9;
	s6 =	sadd.s32 @!p0 $0x88, s6;
	s7 =	simm.s32 @p2 $0x1082  }
0x22: {  	[simem:s7], [sflag:s8] =	dma.local @!p0 [hbm:s6], $0xF7A  }
0x23: {  	s9 =	sor.u32 $0xD0000000, s2;
	s6 =	simm.s32 $0x108;
	_ =	swait.ge @!p0 [sflag:s8], $0x0  }
0x24: {  	s3 =	sadd.s32 $0x88, s3;
	s6 =	simm.s32 @!p1 $0x1082;
	[sflag:s4] =	ssyncset.s32 $0xFFFFF086  }
0x25: {  	[simem:s6], [sflag:s4] =	dma.local [hbm:s3], $0xF7A  }
0x26: {  	[smem:$0x3F98] =	sst s1;
	(tag) =	ssettag s2;
	_ =	strace s9  }
0x27: {  	s1 =	sld [smem:$0x3FA8]  }
0x28: {  	s2 =	sld [smem:$0x3FA9]  }
0x29: {  	s4 =	sld [smem:$0x3FAB]  }
0x2a: {  	p0 =	seq.s32 s5, $0x0;
	s5 =	sld [smem:$0x3FAC]  }
0x2b: {  	s6 =	sld [smem:$0x3FAD]  }
0x2c: {  	s7 =	sld [smem:$0x3FAE]  }
0x2d: {  	s3 =	simm.s32 $0x108;
	s8 =	sld [smem:$0x3FAF]  }
0x2e: {  	s3 =	simm.s32 @!p0 $0x1082;
	s9 =	sld [smem:$0x3FB0]  }
0x2f: {  	lr =	sadd.s32 s0, s3;
	s0 =	sld [smem:$0x3FA7]  }
0x30: {  	s3 =	sld [smem:$0x3FAA]  }
0x31: {  	[smem:$0x3FB3] =	sst s10  }
0x32: {  	s10 =	sld [smem:$0x3FB1];
	_ =	sdelay $0x3  }
0x33: {  	p0 =	seq.s32 s10, $0x1;
	s10 =	sld [smem:$0x3FB3];
	_ =	sdelay $0x3  }
0x34: {  	[smem:$0x3FB3] =	sst s10  }
0x35: {  	s10 =	sld [smem:$0x3FB2];
	_ =	sdelay $0x3  }
0x36: {  	p1 =	seq.s32 s10, $0x1;
	s10 =	sld [smem:$0x3FB3];
	_ =	sdelay $0x3  }
0x37: {  	[smem:$0x3FB3] =	sst s10  }
0x38: {  	s10 =	sld [smem:$0x3FB4]  }
0x39: {  	_ = 	snop;
	(pc) =	sbr.ind lr, $3  }
0x3a: {  	_ = 	snop  }
0x3b: {  	_ = 	snop  }
0x3c: {  	p2 =	seq.s32 s10, $0x1;
	s10 =	sld [smem:$0x3FB3]  }
0x3d: {  	_ =	shalt  }
0x3e: {  	_ =	shalt  }
0x3f: {  	_ =	shalt  }
0x40: {  	_ =	shalt  }
0x41: {  	_ =	shalt  }
0x42: {  	_ =	shalt  }
0x43: {  	_ =	shalt  }
0x44: {  	_ =	shalt  }
0x45: {  	_ =	shalt  }
0x46: {  	_ =	shalt  }
0x47: {  	_ =	shalt  }
0x48: {  	_ =	shalt  }
0x49: {  	_ =	shalt  }
0x4a: {  	_ =	shalt  }
0x4b: {  	_ =	shalt  }
0x4c: {  	_ =	shalt  }
0x4d: {  	_ =	shalt  }
0x4e: {  	_ =	shalt  }
0x4f: {  	_ =	shalt  }
0x50: {  	_ =	shalt  }
0x51: {  	_ =	shalt  }
0x52: {  	_ =	shalt  }
0x53: {  	_ =	shalt  }
0x54: {  	_ =	shalt  }
0x55: {  	_ =	shalt  }
0x56: {  	_ =	shalt  }
0x57: {  	_ =	shalt  }
0x58: {  	_ =	shalt  }
0x59: {  	_ =	shalt  }
0x5a: {  	_ =	shalt  }
0x5b: {  	_ =	shalt  }
0x5c: {  	_ =	shalt  }
0x5d: {  	_ =	shalt  }
0x5e: {  	_ =	shalt  }
0x5f: {  	_ =	shalt  }
0x60: {  	_ =	shalt  }
0x61: {  	_ =	shalt  }
0x62: {  	_ =	shalt  }
0x63: {  	_ =	shalt  }
0x64: {  	_ =	shalt  }
0x65: {  	_ =	shalt  }
0x66: {  	_ =	shalt  }
0x67: {  	_ =	shalt  }
0x68: {  	_ =	shalt  }
0x69: {  	_ =	shalt  }
0x6a: {  	_ =	shalt  }
0x6b: {  	_ =	shalt  }
0x6c: {  	_ =	shalt  }
0x6d: {  	_ =	shalt  }
0x6e: {  	_ =	shalt  }
0x6f: {  	_ =	shalt  }
0x70: {  	_ =	shalt  }
0x71: {  	_ =	shalt  }
0x72: {  	_ =	shalt  }
0x73: {  	_ =	shalt  }
0x74: {  	_ =	shalt  }
0x75: {  	_ =	shalt  }
0x76: {  	_ =	shalt  }
0x77: {  	_ =	shalt  }
0x78: {  	_ =	shalt  }
0x79: {  	_ =	shalt  }
0x7a: {  	_ =	shalt  }
0x7b: {  	_ =	shalt  }
0x7c: {  	_ =	shalt  }
0x7d: {  	_ =	shalt  }
0x7e: {  	_ =	shalt  }
0x7f: {  	_ =	shalt  }
0x80: {  	_ =	shalt  }
0x81: {  	_ =	shalt  }
0x82: {  	_ =	shalt  }
0x83: {  	_ =	shalt  }
0x84: {  	_ =	shalt  }
0x85: {  	_ =	shalt  }
0x86: {  	_ =	shalt  }
0x87: {  	_ =	shalt  }
.Lfunc_end0:
.L_simem_size_0:
called_computation.3_lowered:
.L_overlay_start_0:
0x88: {  	s2 =	sld [smem:$0x3FD9]  }
0x89: {  	s3 =	sld [smem:$0x3FFE];
	_ =	sdelay $0x1  }
0x8a: {  	s1 =	srdreg.scid  }
0x8b: {  	s0 =	sand.u32 $0x1, s1  }
0x8c: {  	s17 =	sshll.u32 s0, $0xA;
	s2 =	sadd.s32 s3, s2  }
0x8d: {  	s2 =	sadd.s32 s2, s17  }
0x8e: {  	[smem:$0x3FBF] =	sst s2  }
0x8f: {  	_ = 	snop  }
0x90: {  	s2 =	sld [smem:$0x3FD0];
	(tm) =	ssettm $0x1  }
0x91: {  	s18 =	sld [smem:$0x3FFB];
	_ =	sdelay $0x3  }
0x92: {  	_ =	strace s18  }
0x93: {  	s3 =	sld [smem:$0x3FFC];
	_ =	sdelay $0x3  }
0x94: {  	_ =	strace s3  }
0x95: {  	s3 =	sld [smem:$0x3FFD];
	_ =	sdelay $0x3  }
0x96: {  	_ =	strace s3  }
0x97: {  	_ =	strace $0x8FFFFFFF  }
0x98: {  	s19 =	sld [smem:$0x3FDB];
	_ =	sdelay $0x1  }
0x99: {  	s4 =	simm.s32 $_scs_section_size  }
0x9a: {  	s5 =	simm.s32 $_size__tile_overlayer_lowered;
	s6 =	simm.s32 $_tile_overlayer_lowered  }
0x9b: {  	s22 =	simm.s32 $0x1BFF;
	s21 =	sshll.u32 s6, $0x1;
	s3 =	sadd.s32 s4, s19  }
0x9c: {  	s7 =	simm.s32 $0x0;
	s20 =	sshll.u32 s5, $0x1;
	s5 =	sadd.s32 s21, s3  }
0x9d: {  	[timem:s7], [sflag:s22] =	dma.local [hbm:s5], s20  }
0x9e: {  	_ =	swait.ge [sflag:s22], s20  }
0x9f: {  	s4 =	ssub.s32 $0x0, s20;
	[sflag:s22] =	ssyncset.done $0x0  }
0xa0: {  	[sflag:s22] =	ssyncadd.s32 s4;
	_ =	sdelay $0x1  }
0xa1: {  	s23 =	simm.s32 $0x1B8B  }
0xa2: {  	_ =	swait.ge [sflag:s23], $0x1  }
0xa3: {  	[sflag:s23] =	ssyncset.done $0x0  }
0xa4: {  	s25 =	simm.s32 $0x1B8E;
	s24 =	sld [smem:$0x3FFE];
	[sflag:s23] =	ssyncadd.s32 $0xFFFFFFFF  }
0xa5: {  	s26 =	simm.s32 $execute0_lowered;
	[smem:$0x3FD2] =	sst s25  }
0xa6: {  	s5 =	sshll.u32 s26, $0x1;
	_ =	strace $0x8000004F;
	[dreg:$0x1] =	wrdreg $0xFFFFFFFF  }
0xa7: {  	s28 =	simm.s32 $_size_execute0_lowered;
	s3 =	sadd.s32 s3, s5;
	[dreg:$0x0] =	wrdreg $0x0  }
0xa8: {  	s5 =	sshll.u32 s28, $0x1;
	[dreg:$0x2] =	wrdreg s3  }
0xa9: {  	[dreg:$0x3] =	wrdreg s5  }
0xaa: {  	[dreg:$0x4] =	wrdreg $0xC0  }
0xab: {  	_ =	task [dreg:s7], $0x5FFFF  }
0xac: {  	[dreg:$0x1] =	wrdreg $0xFFFFFFFF  }
0xad: {  	[dreg:$0x0] =	wrdreg $0x60  }
0xae: {  	[dreg:$0x2] =	wrdreg s2  }
0xaf: {  	[dreg:$0x3] =	wrdreg s24  }
0xb0: {  	[dreg:$0x4] =	wrdreg $0x90000  }
0xb1: {  	[dreg:$0x5] =	wrdreg $0x9  }
0xb2: {  	_ =	task.clear_ibuf [dreg:s7], $0x6FFFF;
	_ =	strace $0x9000004F  }
0xb3: {  	s29 =	simm.s32 $0x9;
	_ =	strace $0x80000051  }
0xb4: {  	_ =	swait.ge [sflag:s29], $0x1  }
0xb5: {  	[sflag:s29] =	ssyncadd.s32 $0xFFFFFFFF  }
0xb6: {  	_ =	strace $0x90000051  }
0xb7: {  	_ =	sfence  }
0xb8: {  	s30 =	sld [smem:$0x0];
	_ =	sdelay $0x2  }
0xb9: {  	s31 =	sshll.u32 s1, $0xD;
	s1 =	sshrl.u32 s1, $0x2  }
0xba: {  	s3 =	sand.u32 $0x4000, s31;
	s1 =	sadd.s32 s1, s30  }
0xbb: {  	s0 =	sor.u32 s3, s0;
	s1 =	sshll.u32 s1, $0x11  }
0xbc: {  	s0 =	sor.u32 s1, s0  }
0xbd: {  	s0 =	sadd.s32 $0x8F2B, s0  }
0xbe: {  	[sflag:s0] =	ssyncadd.remote.s32 $0x1  }
0xbf: {  	_ =	sfence.sel $0xFFFF  }
0xc0: {  	[dreg:$0x0] =	wrdreg $0xFFFFFFFF;
	(pc) =	sbr.abs _section_cstart, $3  }
0xc1: {  	[dreg:$0x1] =	wrdreg $0xFFFFFFFF  }
0xc2: {  	_ =	task.clear_ibuf [dreg:s7], $0x2FFFF;
	_ =	strace $0x9FFFFFFF  }
0xc3: {  	(tm) =	ssettm $0x7FFFFFFF  }
tec
execute0_lowered:
.L_overlay_start_1:
0x0: {  	(tag) =	ssettag $0x1  }
0x1: {  	s2 =	rddreg [dreg:$0x0]  }
0x2: {  	s6 =	rddreg [dreg:$0x1]  }
0x3: {  	s3 =	rddreg [dreg:$0x2]  }
0x4: {  	s0 =	rddreg [dreg:$0x3];
	s1 =	stileid.u32  }
0x5: {  	s7 =	srdreg.scid;
	s4 =	simm.s32 $0x0;
	s14 =	simm.s32 $0x80  }
0x6: {  	s15 =	simm.s32 $0x4F00;
	s17 =	simm.s32 $0x4F80;
	s5 =	smul.u32 $0x4F0, s1  }
0x7: {  	s18 =	simm.s32 $0x0;
	s9 =	sand.u32 $0x1, s7;
	s26 =	smul.u32 $0x2880, s1  }
0x8: {  	[smem:$0x7FF] =	sst s4;
	s11 =	smul.u32 $0x51000, s1;
	s31 =	sshll.u32 s1, $0x6  }
0x9: {  	s8 =	smul.u32 $0x28800, s9;
	_ =	strace $0x80000050;
	s28 =	ssub.s32 $0x2, s9  }
0xa: {  	s16 =	smul.u32 $0x2710, s9;
	s10 =	sadd.s32 s5, s6;
	s5 =	sadd.s32 $0x13000, s6  }
0xb: {  	s29 =	sshrl.u32 s28, $0x1;
	s30 =	sshrl.u32 s11, $0x2;
	s7 =	sadd.s32 s26, s8  }
0xc: {  	s13 =	ssub.s32 s28, s29;
	s11 =	sadd.s32 s30, s3;
	s8 =	sadd.s32 $0x9000, s10  }
0xd: {  	v0 =	vmov s16;
	s16 =	simm.s32 $0x5000;
	s12 =	sadd.s32 s7, s6;
	s6 =	sor.u32 $0x1C01, s31  }
0xe: {  	s7 =	sadd.s32 $0xE000, s10;
	s10 =	smax.u32 s13, $0x1;
	s11 =	sshrl.u32 s11, $0x3  }
0xf: {  	s13 =	simm.s32 $0x2780;
	s9 =	sadd.s32 $0x15A00, s12;
	s12 =	simm.s32 $0x1  }
.LBB2_1:
0x10: {  	[spmem:s11], [sflag:s6] =	dma.local [hbm:s5], $0x2880  }
0x11: {  	_ =	swait.ge [sflag:s12], $0x2880  }
0x12: {  	[sflag:s12] =	ssyncset.done $0x0  }
0x13: {  	[sflag:s12] =	ssyncadd.s32 $0xFFFFD780  }
0x14: {  	[tilespmem:s4], [sflag:$0x1] =	stream.linear.gather [hbm4b:s7+s4], $0x2780, $0x38;
	[tilespmem:$0x1D400] =	vst v63  }
0x15: {  	_ =	swait.ge [sflag:s12], $0x2780  }
0x16: {  	[sflag:s12] =	ssyncset.done $0x0  }
0x17: {  	[sflag:s12] =	ssyncadd.s32 $0xFFFFD880  }
0x18: {  	[tilespmem:s13], [sflag:$0x1] =	stream.linear.gather [hbm4b:s8+s4], $0x2780, $0x38;
	[tilespmem:$0x1D400] =	vst v63  }
0x19: {  	_ =	swait.ge [sflag:s12], $0x2780  }
0x1a: {  	[sflag:s12] =	ssyncset.done $0x0  }
0x1b: {  	s19 =	simm.s32 $0x0;
	s20 =	simm.s32 $0x40;
	[sflag:s12] =	ssyncadd.s32 $0xFFFFD880  }
.LBB2_2:
0x1c: {  	p0 =	sne.s32 s20, $0x9DC0;
	v1 =	vld [tilespmem:s19+$0x0];
	_ =	sdelay $0x1  }
.Ltmp0:
0x1d: {  	(pc) =	sbr.rel @p0 .LBB2_2-.Ltmp0, $3  }
0x1e: {  	_ =	sdelay $0x1  }
0x1f: {  	v1 =	vadd.s32 v0, v1  }
0x20: {  	[tilespmem:s19+$0x0] =	vst v1;
	s19 =	sshra.s32 s20, $0x2;
	s20 =	sadd.s32 $0x40, s20  }
0x21: {  	v1 =	vld [tilespmem:s19+$0x0];
	_ =	sdelay $0x4  }
0x22: {  	v1 =	vadd.s32 v0, v1  }
0x23: {  	[tilespmem:s19+$0x0] =	vst v1  }
0x24: {  	s31 =	simm.s32 $0x0;
	[bflag:$0x0] =	sbarrier.arrive $0xFFFF  }
0x25: {  	v1 =	vld [tilespmem:s31+$0x0];
	_ =	sdelay $0x4  }
0x26: {  	[tilespmem:$0x4F00] =	vst v1  }
0x27: {  	v1 =	vld [tilespmem:s31+$0x2780];
	_ =	sdelay $0x4  }
0x28: {  	[tilespmem:$0x4F80] =	vst v1  }
0x29: {  	v1 =	vld [tilespmem:s31+$0x10];
	_ =	sdelay $0x4  }
0x2a: {  	[tilespmem:$0x4F10] =	vst v1  }
0x2b: {  	v1 =	vld [tilespmem:s31+$0x2790];
	_ =	sdelay $0x4  }
0x2c: {  	[tilespmem:$0x4F90] =	vst v1  }
0x2d: {  	v1 =	vld [tilespmem:s31+$0x20];
	_ =	sdelay $0x4  }
0x2e: {  	[tilespmem:$0x4F20] =	vst v1  }
0x2f: {  	v1 =	vld [tilespmem:s31+$0x27A0];
	_ =	sdelay $0x4  }
0x30: {  	[tilespmem:$0x4FA0] =	vst v1  }
0x31: {  	v1 =	vld [tilespmem:s31+$0x30];
	_ =	sdelay $0x4  }
0x32: {  	[tilespmem:$0x4F30] =	vst v1  }
0x33: {  	v1 =	vld [tilespmem:s31+$0x27B0];
	_ =	sdelay $0x4  }
0x34: {  	[tilespmem:$0x4FB0] =	vst v1  }
0x35: {  	v1 =	vld [tilespmem:s31+$0x40];
	_ =	sdelay $0x4  }
0x36: {  	[tilespmem:$0x4F40] =	vst v1  }
0x37: {  	v1 =	vld [tilespmem:s31+$0x27C0];
	_ =	sdelay $0x4  }
0x38: {  	[tilespmem:$0x4FC0] =	vst v1  }
0x39: {  	v1 =	vld [tilespmem:s31+$0x50];
	_ =	sdelay $0x4  }
0x3a: {  	[tilespmem:$0x4F50] =	vst v1  }
0x3b: {  	v1 =	vld [tilespmem:s31+$0x27D0];
	_ =	sdelay $0x4  }
0x3c: {  	[tilespmem:$0x4FD0] =	vst v1  }
0x3d: {  	v1 =	vld [tilespmem:s31+$0x60];
	_ =	sdelay $0x4  }
0x3e: {  	[tilespmem:$0x4F60] =	vst v1  }
0x3f: {  	v1 =	vld [tilespmem:s31+$0x27E0];
	_ =	sdelay $0x4  }
0x40: {  	[tilespmem:$0x4FE0] =	vst v1  }
0x41: {  	v1 =	vld [tilespmem:s31+$0x70];
	_ =	sdelay $0x4  }
0x42: {  	[tilespmem:$0x4F70] =	vst v1  }
0x43: {  	v1 =	vld [tilespmem:s31+$0x27F0];
	_ =	sdelay $0x4  }
0x44: {  	[tilespmem:$0x4FF0] =	vst v1  }
0x45: {  	[tilespmem:s16], [sflag:$0x1] =	stream.indirect.gather [hbm4b:s2+s14], $0x80, s15, s14, $0xb8;
	[tilespmem:$0x1D400] =	vst v63  }
0x46: {  	_ =	swait.ge [sflag:s12], $0x4000  }
0x47: {  	[sflag:s12] =	ssyncset.done $0x0  }
0x48: {  	[sflag:s12] =	ssyncadd.s32 $0xFFFFC000  }
0x49: {  	[spmem:s3] =	stream.indirect.scatter.add.f32 [tilespmem:s16], [sflag:$0x1], $0x80, s17, s14, $0xb8;
	[tilespmem:$0x1D400] =	vst v63  }
0x4a: {  	_ =	swait.ge [sflag:s12], $0x4000  }
0x4b: {  	s22 =	simm.s32 $0x400;
	s19 =	simm.s32 $0x200;
	[sflag:s12] =	ssyncset.done $0x0  }
.LBB2_4:
0x4c: {  	s21 =	sshra.s32 s19, $0x2  }
0x4d: {  	[sflag:s12] =	ssyncadd.s32 $0xFFFFC000;
	s19 =	smov.u32 s22;
	s20 =	sadd.s32 $0x200, s22  }
0x4e: {  	p0 =	sne.s32 s22, $0x9C00;
	v1 =	vld [tilespmem:s21+$0x0];
	_ =	sdelay $0x4  }
0x4f: {  	[tilespmem:$0x4F00] =	vst v1  }
0x50: {  	v1 =	vld [tilespmem:s21+$0x2780];
	_ =	sdelay $0x4  }
0x51: {  	[tilespmem:$0x4F80] =	vst v1  }
0x52: {  	v1 =	vld [tilespmem:s21+$0x10];
	_ =	sdelay $0x4  }
0x53: {  	[tilespmem:$0x4F10] =	vst v1  }
0x54: {  	v1 =	vld [tilespmem:s21+$0x2790];
	_ =	sdelay $0x4  }
0x55: {  	[tilespmem:$0x4F90] =	vst v1  }
0x56: {  	v1 =	vld [tilespmem:s21+$0x20];
	_ =	sdelay $0x4  }
0x57: {  	[tilespmem:$0x4F20] =	vst v1  }
0x58: {  	v1 =	vld [tilespmem:s21+$0x27A0];
	_ =	sdelay $0x4  }
0x59: {  	[tilespmem:$0x4FA0] =	vst v1  }
0x5a: {  	v1 =	vld [tilespmem:s21+$0x30];
	_ =	sdelay $0x4  }
0x5b: {  	[tilespmem:$0x4F30] =	vst v1  }
0x5c: {  	v1 =	vld [tilespmem:s21+$0x27B0];
	_ =	sdelay $0x4  }
0x5d: {  	[tilespmem:$0x4FB0] =	vst v1  }
0x5e: {  	v1 =	vld [tilespmem:s21+$0x40];
	_ =	sdelay $0x4  }
0x5f: {  	[tilespmem:$0x4F40] =	vst v1  }
0x60: {  	v1 =	vld [tilespmem:s21+$0x27C0];
	_ =	sdelay $0x4  }
0x61: {  	[tilespmem:$0x4FC0] =	vst v1  }
0x62: {  	v1 =	vld [tilespmem:s21+$0x50];
	_ =	sdelay $0x4  }
0x63: {  	[tilespmem:$0x4F50] =	vst v1  }
0x64: {  	v1 =	vld [tilespmem:s21+$0x27D0];
	_ =	sdelay $0x4  }
0x65: {  	[tilespmem:$0x4FD0] =	vst v1  }
0x66: {  	v1 =	vld [tilespmem:s21+$0x60];
	_ =	sdelay $0x4  }
0x67: {  	[tilespmem:$0x4F60] =	vst v1  }
0x68: {  	v1 =	vld [tilespmem:s21+$0x27E0];
	_ =	sdelay $0x4  }
0x69: {  	[tilespmem:$0x4FE0] =	vst v1  }
0x6a: {  	v1 =	vld [tilespmem:s21+$0x70];
	_ =	sdelay $0x4  }
0x6b: {  	[tilespmem:$0x4F70] =	vst v1  }
0x6c: {  	v1 =	vld [tilespmem:s21+$0x27F0];
	_ =	sdelay $0x4  }
0x6d: {  	[tilespmem:$0x4FF0] =	vst v1  }
0x6e: {  	[tilespmem:s16], [sflag:$0x1] =	stream.indirect.gather [hbm4b:s2+s14], $0x80, s15, s14, $0xb8;
	[tilespmem:$0x1D400] =	vst v63  }
0x6f: {  	_ =	swait.ge [sflag:s12], $0x4000  }
.Ltmp1:
0x70: {  	[sflag:s12] =	ssyncset.done $0x0;
	(pc) =	sbr.rel @p0 .LBB2_4-.Ltmp1, $4  }
0x71: {  	[sflag:s12] =	ssyncadd.s32 $0xFFFFC000  }
0x72: {  	[spmem:s3] =	stream.indirect.scatter.add.f32 [tilespmem:s16], [sflag:$0x1], $0x80, s17, s14, $0xb8;
	[tilespmem:$0x1D400] =	vst v63  }
0x73: {  	_ =	swait.ge [sflag:s12], $0x4000  }
0x74: {  	s22 =	smov.u32 s20;
	[sflag:s12] =	ssyncset.done $0x0  }
0x75: {  	s19 =	sshra.s32 s19, $0x2;
	[sflag:s12] =	ssyncadd.s32 $0xFFFFC000  }
0x76: {  	v1 =	vld [tilespmem:s19+$0x0];
	_ =	sdelay $0x4  }
0x77: {  	[tilespmem:$0x4F00] =	vst v1  }
0x78: {  	v1 =	vld [tilespmem:s19+$0x2780];
	_ =	sdelay $0x4  }
0x79: {  	[tilespmem:$0x4F80] =	vst v1  }
0x7a: {  	v1 =	vld [tilespmem:s19+$0x10];
	_ =	sdelay $0x4  }
0x7b: {  	[tilespmem:$0x4F10] =	vst v1  }
0x7c: {  	v1 =	vld [tilespmem:s19+$0x2790];
	_ =	sdelay $0x4  }
0x7d: {  	[tilespmem:$0x4F90] =	vst v1  }
0x7e: {  	v1 =	vld [tilespmem:s19+$0x20];
	_ =	sdelay $0x4  }
0x7f: {  	[tilespmem:$0x4F20] =	vst v1  }
0x80: {  	v1 =	vld [tilespmem:s19+$0x27A0];
	_ =	sdelay $0x4  }
0x81: {  	[tilespmem:$0x4FA0] =	vst v1  }
0x82: {  	v1 =	vld [tilespmem:s19+$0x30];
	_ =	sdelay $0x4  }
0x83: {  	[tilespmem:$0x4F30] =	vst v1  }
0x84: {  	v1 =	vld [tilespmem:s19+$0x27B0];
	_ =	sdelay $0x4  }
0x85: {  	[tilespmem:$0x4FB0] =	vst v1  }
0x86: {  	v1 =	vld [tilespmem:s19+$0x40];
	_ =	sdelay $0x4  }
0x87: {  	[tilespmem:$0x4F40] =	vst v1  }
0x88: {  	v1 =	vld [tilespmem:s19+$0x27C0];
	_ =	sdelay $0x4  }
0x89: {  	[tilespmem:$0x4FC0] =	vst v1  }
0x8a: {  	v1 =	vld [tilespmem:s19+$0x50];
	_ =	sdelay $0x4  }
0x8b: {  	[tilespmem:$0x4F50] =	vst v1  }
0x8c: {  	v1 =	vld [tilespmem:s19+$0x27D0];
	_ =	sdelay $0x4  }
0x8d: {  	[tilespmem:$0x4FD0] =	vst v1  }
0x8e: {  	v1 =	vld [tilespmem:s19+$0x60];
	_ =	sdelay $0x4  }
0x8f: {  	[tilespmem:$0x4F60] =	vst v1  }
0x90: {  	v1 =	vld [tilespmem:s19+$0x27E0];
	_ =	sdelay $0x4  }
0x91: {  	[tilespmem:$0x4FE0] =	vst v1  }
0x92: {  	v1 =	vld [tilespmem:s19+$0x70];
	_ =	sdelay $0x4  }
0x93: {  	[tilespmem:$0x4F70] =	vst v1  }
0x94: {  	v1 =	vld [tilespmem:s19+$0x27F0];
	_ =	sdelay $0x4  }
0x95: {  	[tilespmem:$0x4FF0] =	vst v1  }
0x96: {  	[tilespmem:s16], [sflag:$0x1] =	stream.indirect.gather [hbm4b:s2+s14], $0x80, s15, s14, $0xb8;
	[tilespmem:$0x1D400] =	vst v63  }
0x97: {  	_ =	swait.ge [sflag:s12], $0x4000  }
0x98: {  	[sflag:s12] =	ssyncset.done $0x0  }
0x99: {  	[sflag:s12] =	ssyncadd.s32 $0xFFFFC000  }
0x9a: {  	[spmem:s3] =	stream.indirect.scatter.add.f32 [tilespmem:s16], [sflag:$0x1], $0x80, s17, s14, $0xb8;
	[tilespmem:$0x1D400] =	vst v63  }
0x9b: {  	_ =	swait.ge [sflag:s12], $0x4000  }
0x9c: {  	s18 =	sadd.s32 $0x1, s18;
	[sflag:s12] =	ssyncset.done $0x0  }
0x9d: {  	p0 =	sne.s32 s18, s10;
	[sflag:s12] =	ssyncadd.s32 $0xFFFFC000  }
.Ltmp2:
0x9e: {  	[bflag:$0x0] =	sbarrier.arrive $0xFFFF;
	(pc) =	sbr.rel @p0 .LBB2_1-.Ltmp2, $4  }
0x9f: {  	[hbm:s9], [sflag:s6] =	dma.local [spmem:s11], $0x2880  }
0xa0: {  	_ =	swait.ge [sflag:s12], $0x2880  }
0xa1: {  	[sflag:s12] =	ssyncset.done $0x0  }
0xa2: {  	[sflag:s12] =	ssyncadd.s32 $0xFFFFD780  }
0xa3: {  	_ =	sfence.sel $0x180000  }
0xa4: {  	[bflag:$0x0] =	sbarrier.arrive $0xFFFF  }
0xa5: {  	p0 =	sne.s32 s1, $0x0;
	_ =	strace $0x90000050  }
0xa6: {  	s0 =	sadd.s32 @!p0 $0x100000, s0;
	[bflag:$0x2] =	sbarrier.arrive $0xFFFF  }
0xa7: {  	[sflag:s0] =	ssyncadd.tile.s32 @!p0 $0x1;
	_ =	shalt  }
.Lfunc_end2:
_tile_overlayer_lowered:
.L_overlay_start_2:
0xa8: {  	(tag) =	ssettag $0x2  }
0xa9: {  	s0 =	rddreg [dreg:$0x0];
	s2 =	stileid.u32  }
0xaa: {  	s1 =	rddreg [dreg:$0x1];
	p0 =	sne.s32 s2, $0x0  }
0xab: {  	s3 =	rddreg [dreg:$0x2];
	[bflag:$0x3] =	sbarrier.arrive $0xFFFF;
	s2 =	simm.s32 @!p0 $0x1C01  }
0xac: {  	[timem:s3], [sflag:s2] =	dma.local @!p0 [hbm:s0], s1  }
0xad: {  	s0 =	simm.s32 @!p0 $0x1  }
0xae: {  	_ =	swait.ge @!p0 [sflag:s0], s1  }
0xaf: {  	s1 =	ssub.s32 @!p0 $0x0, s1;
	[sflag:s0] =	ssyncset.done @!p0 $0x0  }
0xb0: {  	[sflag:s0] =	ssyncadd.s32 @!p0 s1  }
0xb1: {  	[bflag:$0x3] =	sbarrier.arrive $0xFFFF  }
0xb2: {  	_ =	shalt  }

</sc_bundles>
